<compile_context>
chip_gen: v7x
topology: tpu7x:2x2x1
jax: 0.10.2.dev20260603
libtpu: 0.0.44.dev20260713+nightly
codegen_flags: <defaults>
</compile_context>

<pallas_src>
import functools

import jax
import jax.numpy as jnp
from jax import lax
from jax.experimental import pallas as pl
from jax.experimental.pallas import tpu as pltpu
from jax.experimental.pallas import tpu_sc as plsc

NUM_EXPERTS = 16
TOP_K = 2
HIDDEN = 1024
MOE_FF = 768
TOKENS = 2048

NUM_ASSIGN = TOKENS * TOP_K
BLK = 256
NB = NUM_ASSIGN // BLK + NUM_EXPERTS
NR = NB * BLK

_SC_CORES = 2
_SC_SUBCORES = 16
_NW = _SC_CORES * _SC_SUBCORES

_COMBINE_CHUNK = 32


_CS_CHUNK = 256


def _router_meta_body(x_ref, gate_ref, pospair_ref,
                      w0m_ref, w1m_ref, counts_ref):
    logits = jnp.dot(x_ref[...], gate_ref[...], preferred_element_type=jnp.float32)
    probs = jax.nn.softmax(logits, axis=-1)
    lane = lax.broadcasted_iota(jnp.int32, probs.shape, 1)
    m1 = jnp.max(probs, axis=-1, keepdims=True)
    i1 = jnp.min(jnp.where(probs == m1, lane, NUM_EXPERTS), axis=-1, keepdims=True)
    masked = jnp.where(lane == i1, -jnp.inf, probs)
    m2 = jnp.max(masked, axis=-1, keepdims=True)
    i2 = jnp.min(jnp.where(masked == m2, lane, NUM_EXPERTS), axis=-1, keepdims=True)
    denom = m1 + m2
    sel = (lane == i1) | (lane == i2)
    w = jnp.where(lane == i1, m1, jnp.where(lane == i2, m2, 0.0)) / denom

    m = sel.astype(jnp.float32)
    tri_r = lax.broadcasted_iota(jnp.int32, (_CS_CHUNK, _CS_CHUNK), 0)
    tri_c = lax.broadcasted_iota(jnp.int32, (_CS_CHUNK, _CS_CHUNK), 1)
    tri = (tri_r >= tri_c).astype(jnp.float32)
    carry = jnp.zeros((1, NUM_EXPERTS), jnp.float32)
    chunks = []
    for c in range(TOKENS // _CS_CHUNK):
        mc = m[c * _CS_CHUNK:(c + 1) * _CS_CHUNK]
        cs = jnp.dot(tri, mc, preferred_element_type=jnp.float32) + carry
        chunks.append(cs)
        carry = cs[_CS_CHUNK - 1:_CS_CHUNK, :]
    csum = jnp.concatenate(chunks, axis=0)
    counts = carry

    counts_i = counts.astype(jnp.int32)
    blocks_f = ((counts_i + (BLK - 1)) >> (BLK.bit_length() - 1)).astype(
        jnp.float32)
    blocks8 = jnp.broadcast_to(blocks_f, (8, NUM_EXPERTS))
    ut_r = lax.broadcasted_iota(jnp.int32, (NUM_EXPERTS, NUM_EXPERTS), 0)
    ut_c = lax.broadcasted_iota(jnp.int32, (NUM_EXPERTS, NUM_EXPERTS), 1)
    ut = (ut_r < ut_c).astype(jnp.float32)
    bstart8 = jnp.dot(blocks8, ut, preferred_element_type=jnp.float32)
    base = bstart8[0:1, :] * BLK

    posmat = base + csum - 1.0
    efirst = jnp.minimum(i1, i2)
    elast = jnp.maximum(i1, i2)
    pos0 = jnp.sum(jnp.where(lane == efirst, posmat, 0.0), axis=1, keepdims=True)
    pos1 = jnp.sum(jnp.where(lane == elast, posmat, 0.0), axis=1, keepdims=True)
    w0 = jnp.sum(jnp.where(lane == efirst, w, 0.0), axis=1, keepdims=True)
    w1 = jnp.sum(jnp.where(lane == elast, w, 0.0), axis=1, keepdims=True)
    lane8 = lax.broadcasted_iota(jnp.int32, (TOKENS, 8), 1)
    pospair_ref[...] = jnp.where(
        lane8 == 0, pos0.astype(jnp.int32),
        jnp.where(lane8 == 1, pos1.astype(jnp.int32), 0))
    w0m_ref[...] = jnp.broadcast_to(w0, (TOKENS, NUM_EXPERTS))
    w1m_ref[...] = jnp.broadcast_to(w1, (TOKENS, NUM_EXPERTS))
    counts_ref[...] = jnp.broadcast_to(counts_i, (8, NUM_EXPERTS))


def _router_meta(x, gate_w):
    return pl.pallas_call(
        _router_meta_body,
        out_shape=(
            jax.ShapeDtypeStruct((TOKENS, 8), jnp.int32),
            jax.ShapeDtypeStruct((TOKENS, NUM_EXPERTS), jnp.float32),
            jax.ShapeDtypeStruct((TOKENS, NUM_EXPERTS), jnp.float32),
            jax.ShapeDtypeStruct((8, NUM_EXPERTS), jnp.int32),
        ),
    )(x, gate_w)


def _route_glue(pospair, counts8):
    counts = counts8[0]
    blocks = (counts + BLK - 1) // BLK
    blockstart = jnp.concatenate([jnp.zeros((1,), jnp.int32),
                                  jnp.cumsum(blocks)[:-1]]).astype(jnp.int32)
    bidx = jnp.arange(NB, dtype=jnp.int32)
    block_expert = jnp.sum(
        (blockstart[None, :] <= bidx[:, None]).astype(jnp.int32), axis=1) - 1
    block_expert = jnp.clip(block_expert, 0, NUM_EXPERTS - 1)
    block_valid = jnp.clip(
        counts[block_expert] - (bidx - blockstart[block_expert]) * BLK, 0, BLK)

    pos0 = pospair[:, 0]
    pos1 = pospair[:, 1]
    return block_expert, block_valid, pos0, pos1


def _sc_mesh():
    return plsc.VectorSubcoreMesh(core_axis_name="c", subcore_axis_name="s")


_DISP_TOK = TOKENS // _NW


@functools.cache
def _make_sc_dispatch():

    @functools.partial(
        pl.kernel,
        mesh=_sc_mesh(),
        out_type=jax.ShapeDtypeStruct((NR, HIDDEN), jnp.float32),
        scratch_types=[
            pltpu.VMEM((_DISP_TOK,), jnp.int32),
            pltpu.VMEM((_DISP_TOK,), jnp.int32),
            pltpu.VMEM((_DISP_TOK, HIDDEN), jnp.float32),
            pltpu.SemaphoreType.DMA,
            pltpu.SemaphoreType.DMA,
        ],
    )
    def _sc_dispatch(hid_hbm, pos0_hbm, pos1_hbm, out_hbm,
                     idx0_v, idx1_v, rows_v, sem0, sem1):
        wid = lax.axis_index("s") * _SC_CORES + lax.axis_index("c")
        tok_base = wid * _DISP_TOK
        pltpu.sync_copy(pos0_hbm.at[wid], idx0_v)
        pltpu.sync_copy(pos1_hbm.at[wid], idx1_v)
        pltpu.sync_copy(hid_hbm.at[pl.ds(tok_base, _DISP_TOK)], rows_v)
        cp0 = pltpu.async_copy(rows_v, out_hbm.at[idx0_v], sem0)
        cp1 = pltpu.async_copy(rows_v, out_hbm.at[idx1_v], sem1)
        cp0.wait()
        cp1.wait()

    return _sc_dispatch


def _group_ffn_body(be_ref, valid_ref, x_ref, wg_ref, wu_ref, wd_ref, out_ref):
    b = pl.program_id(0)

    @pl.when(valid_ref[b] > 0)
    def _():
        x = x_ref[...]
        g = jnp.dot(x, wg_ref[0], preferred_element_type=jnp.float32)
        u = jnp.dot(x, wu_ref[0], preferred_element_type=jnp.float32)
        h = (g * jax.nn.sigmoid(g)) * u
        out_ref[...] = jnp.dot(h, wd_ref[0], preferred_element_type=jnp.float32)


def _group_ffn(x_pad, w_gate, w_up, w_down, block_expert, block_valid):
    grid_spec = pltpu.PrefetchScalarGridSpec(
        num_scalar_prefetch=2,
        grid=(NB,),
        in_specs=[
            pl.BlockSpec((BLK, HIDDEN),
                         lambda b, be, vd: (jnp.where(vd[b] > 0, b, NB - 1), 0)),
            pl.BlockSpec((1, HIDDEN, MOE_FF), lambda b, be, vd: (be[b], 0, 0)),
            pl.BlockSpec((1, HIDDEN, MOE_FF), lambda b, be, vd: (be[b], 0, 0)),
            pl.BlockSpec((1, MOE_FF, HIDDEN), lambda b, be, vd: (be[b], 0, 0)),
        ],
        out_specs=pl.BlockSpec(
            (BLK, HIDDEN), lambda b, be, vd: (jnp.where(vd[b] > 0, b, NB - 1), 0)),
    )
    return pl.pallas_call(
        _group_ffn_body,
        grid_spec=grid_spec,
        out_shape=jax.ShapeDtypeStruct((NR, HIDDEN), jnp.float32),
    )(block_expert, block_valid, x_pad, w_gate, w_up, w_down)


_COMBINE_TOKENS = TOKENS // _NW


@functools.cache
def _make_sc_combine():
    @functools.partial(
        pl.kernel,
        mesh=_sc_mesh(),
        out_type=jax.ShapeDtypeStruct((TOKENS, HIDDEN), jnp.float32),
        scratch_types=[
            pltpu.VMEM((_COMBINE_TOKENS,), jnp.int32),
            pltpu.VMEM((_COMBINE_TOKENS,), jnp.int32),
            pltpu.VMEM((_COMBINE_TOKENS, NUM_EXPERTS), jnp.float32),
            pltpu.VMEM((_COMBINE_TOKENS, NUM_EXPERTS), jnp.float32),
            pltpu.VMEM((_COMBINE_CHUNK, HIDDEN), jnp.float32),
            pltpu.VMEM((_COMBINE_CHUNK, HIDDEN), jnp.float32),
            pltpu.VMEM((_COMBINE_CHUNK, HIDDEN), jnp.float32),
            pltpu.SemaphoreType.DMA,
            pltpu.SemaphoreType.DMA,
        ],
    )
    def _sc_combine(y_hbm, pos0_hbm, pos1_hbm, w0_hbm, w1_hbm, out_hbm,
                    pos0_v, pos1_v, w0_v, w1_v, y0_v, y1_v, o_v, sem0, sem1):
        wid = lax.axis_index("s") * _SC_CORES + lax.axis_index("c")
        tok_base = wid * _COMBINE_TOKENS
        pltpu.sync_copy(pos0_hbm.at[pl.ds(tok_base, _COMBINE_TOKENS)], pos0_v)
        pltpu.sync_copy(pos1_hbm.at[pl.ds(tok_base, _COMBINE_TOKENS)], pos1_v)
        pltpu.sync_copy(w0_hbm.at[pl.ds(tok_base, _COMBINE_TOKENS)], w0_v)
        pltpu.sync_copy(w1_hbm.at[pl.ds(tok_base, _COMBINE_TOKENS)], w1_v)

        def chunk(c, _):
            off = c * _COMBINE_CHUNK
            cp0 = pltpu.async_copy(
                y_hbm.at[pos0_v.at[pl.ds(off, _COMBINE_CHUNK)]], y0_v, sem0)
            cp1 = pltpu.async_copy(
                y_hbm.at[pos1_v.at[pl.ds(off, _COMBINE_CHUNK)]], y1_v, sem1)
            cp0.wait()
            cp1.wait()

            def token(j, _):
                wa = w0_v[off + j, :]
                wb = w1_v[off + j, :]
                for i in range(HIDDEN // 16):
                    sl = pl.ds(i * 16, 16)
                    o_v[j, sl] = wa * y0_v[j, sl] + wb * y1_v[j, sl]
                return 0

            lax.fori_loop(0, _COMBINE_CHUNK, token, 0)
            pltpu.sync_copy(
                o_v, out_hbm.at[pl.ds(tok_base + off, _COMBINE_CHUNK)])
            return 0

        lax.fori_loop(0, _COMBINE_TOKENS // _COMBINE_CHUNK, chunk, 0)

    return _sc_combine


@jax.jit
def kernel(hidden_states, gate_w, w_gate, w_up, w_down):
    pospair, w0m, w1m, counts8 = _router_meta(hidden_states, gate_w)
    block_expert, block_valid, pos0, pos1 = _route_glue(pospair, counts8)
    x_pad = _make_sc_dispatch()(
        hidden_states, pos0.reshape(_NW, _DISP_TOK), pos1.reshape(_NW, _DISP_TOK))
    y_pad = _group_ffn(x_pad, w_gate, w_up, w_down, block_expert, block_valid)
    return _make_sc_combine()(y_pad, pos0, pos1, w0m, w1m)

# --- scband reference (transcript-rebuilt; emitter-appended) ---
"""Pipeline reference for scband-qwen3-moe-for-causal-lm-49443663511919 (READ-ONLY COPY).

The authoritative reference and input builder live on the scoring server;
editing this copy changes nothing except your own understanding.
"""

import jax, jax.numpy as jnp
import numpy as np

NUM_EXPERTS = 16
TOP_K = 2
HIDDEN = 1024
MOE_FF = 768
TOKENS = 2048


def setup_inputs(seed: int = 0) -> dict:
    key = jax.random.key(seed)
    ks = jax.random.split(key, 5)
    hidden_states = jax.random.normal(ks[0], (TOKENS, HIDDEN), dtype=jnp.float32)
    gate_w = jax.random.normal(ks[1], (HIDDEN, NUM_EXPERTS), dtype=jnp.float32) * 0.02
    w_gate = jax.random.normal(ks[2], (NUM_EXPERTS, HIDDEN, MOE_FF), dtype=jnp.float32) * 0.02
    w_up = jax.random.normal(ks[3], (NUM_EXPERTS, HIDDEN, MOE_FF), dtype=jnp.float32) * 0.02
    w_down = jax.random.normal(ks[4], (NUM_EXPERTS, MOE_FF, HIDDEN), dtype=jnp.float32) * 0.02
    return {"hidden_states": hidden_states, "gate_w": gate_w, "w_gate": w_gate, "w_up": w_up, "w_down": w_down}


def reference(hidden_states, gate_w, w_gate, w_up, w_down):
    # Router: logits -> softmax (float32) -> top_k -> renormalize (Qwen3MoeSparseMoeBlock._forward_local)
    router_logits = hidden_states @ gate_w
    routing = jax.nn.softmax(router_logits.astype(jnp.float32), axis=1)
    routing_weights, selected_experts = jax.lax.top_k(routing, TOP_K)
    routing_weights = routing_weights / jnp.sum(routing_weights, axis=-1, keepdims=True)
    routing_weights = routing_weights.astype(hidden_states.dtype)

    final_hidden_states = jnp.zeros_like(hidden_states)
    for e in range(NUM_EXPERTS):
        current_state = hidden_states
        g = current_state @ w_gate[e]
        u = current_state @ w_up[e]
        h = jax.nn.silu(g) * u  # SiluAndMul
        expert_out = h @ w_down[e]
        mask = selected_experts == e
        w = jnp.sum(jnp.where(mask, routing_weights, jnp.zeros_like(routing_weights)), axis=-1, keepdims=True)
        # index_add_ (combine / scatter-add)
        final_hidden_states = final_hidden_states + expert_out * w
    return final_hidden_states

if __name__ == "__main__":
    import jax
    _d = setup_inputs()
    print(jax.jit(kernel)(*tuple(_d.values())))

</pallas_src>

<mosaic_0001>
#map = affine_map<(d0, d1) -> (0, 0)>
module attributes {stable_mosaic.version = 14 : i64} {
  func.func @_sc_dispatch(%arg0: i32, %arg1: i32, %arg2: memref<2048x1024xf32, #tpu.memory_space<hbm>>, %arg3: memref<32x64xi32, #tpu.memory_space<hbm>>, %arg4: memref<32x64xi32, #tpu.memory_space<hbm>>, %arg5: memref<8192x1024xf32, #tpu.memory_space<hbm>>, %arg6: memref<64xi32, #tpu.memory_space<vmem>>, %arg7: memref<64xi32, #tpu.memory_space<vmem>>, %arg8: memref<64x1024xf32, #tpu.memory_space<vmem>>, %arg9: memref<!tpu.dma_semaphore, #tpu.memory_space<semaphore_mem>>, %arg10: memref<!tpu.dma_semaphore, #tpu.memory_space<semaphore_mem>>) attributes {dimension_semantics = [#tpu.dimension_semantics<core_parallel>, #tpu.dimension_semantics<subcore_parallel>], iteration_bounds = array<i64: 2, 16>, scalar_prefetch = 0 : i64, scratch_operands = 5 : i64, tpu.core_type = #tpu.core_type<sc_vector_subcore>, window_params = [{transform_indices = #map}, {transform_indices = #map}, {transform_indices = #map}, {transform_indices = #map}]} {
    %mul3A = arith.constant 2 : i32
    %mul3A_0 = arith.muli %arg1, %mul3A : i32
    %add3A = arith.addi %mul3A_0, %arg0 : i32
    %mul3A_1 = arith.constant 64 : i32
    %mul3A_2 = arith.muli %add3A, %mul3A_1 : i32
    "tpu.region"() ({
      %run_scoped3A = tpu.sem_alloc : memref<!tpu.dma_semaphore, #tpu.memory_space<semaphore_mem>>
      %dma_start3A_13 = arith.constant 0 : i32
      %dma_start3A_14 = tpu.memref_slice %arg3[%add3A, %dma_start3A_13] : memref<32x64xi32, #tpu.memory_space<hbm>> -> memref<1x64xi32, #tpu.memory_space<hbm>>
      %dma_start3A_15 = tpu.memref_squeeze %dma_start3A_14 : memref<1x64xi32, #tpu.memory_space<hbm>> -> memref<64xi32, #tpu.memory_space<hbm>>
      %dma_start3A_16 = arith.constant 0 : i32
      %dma_start3A_17 = tpu.memref_slice %arg3[%add3A, %dma_start3A_16] : memref<32x64xi32, #tpu.memory_space<hbm>> -> memref<1x64xi32, #tpu.memory_space<hbm>>
      %dma_start3A_18 = tpu.memref_squeeze %dma_start3A_17 : memref<1x64xi32, #tpu.memory_space<hbm>> -> memref<64xi32, #tpu.memory_space<hbm>>
      tpu.enqueue_dma source(%dma_start3A_18 : memref<64xi32, #tpu.memory_space<hbm>>) target(%arg6 : memref<64xi32, #tpu.memory_space<vmem>>) target_semaphore(%run_scoped3A : memref<!tpu.dma_semaphore, #tpu.memory_space<semaphore_mem>>)
      %dma_wait3A_19 = arith.constant 0 : i32
      %dma_wait3A_20 = tpu.memref_slice %arg3[%add3A, %dma_wait3A_19] : memref<32x64xi32, #tpu.memory_space<hbm>> -> memref<1x64xi32, #tpu.memory_space<hbm>>
      %dma_wait3A_21 = tpu.memref_squeeze %dma_wait3A_20 : memref<1x64xi32, #tpu.memory_space<hbm>> -> memref<64xi32, #tpu.memory_space<hbm>>
      %dma_wait3A_22 = arith.constant 0 : i32
      %dma_wait3A_23 = tpu.memref_slice %arg3[%add3A, %dma_wait3A_22] : memref<32x64xi32, #tpu.memory_space<hbm>> -> memref<1x64xi32, #tpu.memory_space<hbm>>
      %dma_wait3A_24 = tpu.memref_squeeze %dma_wait3A_23 : memref<1x64xi32, #tpu.memory_space<hbm>> -> memref<64xi32, #tpu.memory_space<hbm>>
      tpu.wait_dma2 semaphore(%run_scoped3A : memref<!tpu.dma_semaphore, #tpu.memory_space<semaphore_mem>>) src(%dma_wait3A_24 : memref<64xi32, #tpu.memory_space<hbm>>) dst(%arg6 : memref<64xi32, #tpu.memory_space<vmem>>)
      tpu.yield
    }) : () -> ()
    "tpu.region"() ({
      %run_scoped3A = tpu.sem_alloc : memref<!tpu.dma_semaphore, #tpu.memory_space<semaphore_mem>>
      %dma_start3A_13 = arith.constant 0 : i32
      %dma_start3A_14 = tpu.memref_slice %arg4[%add3A, %dma_start3A_13] : memref<32x64xi32, #tpu.memory_space<hbm>> -> memref<1x64xi32, #tpu.memory_space<hbm>>
      %dma_start3A_15 = tpu.memref_squeeze %dma_start3A_14 : memref<1x64xi32, #tpu.memory_space<hbm>> -> memref<64xi32, #tpu.memory_space<hbm>>
      %dma_start3A_16 = arith.constant 0 : i32
      %dma_start3A_17 = tpu.memref_slice %arg4[%add3A, %dma_start3A_16] : memref<32x64xi32, #tpu.memory_space<hbm>> -> memref<1x64xi32, #tpu.memory_space<hbm>>
      %dma_start3A_18 = tpu.memref_squeeze %dma_start3A_17 : memref<1x64xi32, #tpu.memory_space<hbm>> -> memref<64xi32, #tpu.memory_space<hbm>>
      tpu.enqueue_dma source(%dma_start3A_18 : memref<64xi32, #tpu.memory_space<hbm>>) target(%arg7 : memref<64xi32, #tpu.memory_space<vmem>>) target_semaphore(%run_scoped3A : memref<!tpu.dma_semaphore, #tpu.memory_space<semaphore_mem>>)
      %dma_wait3A_19 = arith.constant 0 : i32
      %dma_wait3A_20 = tpu.memref_slice %arg4[%add3A, %dma_wait3A_19] : memref<32x64xi32, #tpu.memory_space<hbm>> -> memref<1x64xi32, #tpu.memory_space<hbm>>
      %dma_wait3A_21 = tpu.memref_squeeze %dma_wait3A_20 : memref<1x64xi32, #tpu.memory_space<hbm>> -> memref<64xi32, #tpu.memory_space<hbm>>
      %dma_wait3A_22 = arith.constant 0 : i32
      %dma_wait3A_23 = tpu.memref_slice %arg4[%add3A, %dma_wait3A_22] : memref<32x64xi32, #tpu.memory_space<hbm>> -> memref<1x64xi32, #tpu.memory_space<hbm>>
      %dma_wait3A_24 = tpu.memref_squeeze %dma_wait3A_23 : memref<1x64xi32, #tpu.memory_space<hbm>> -> memref<64xi32, #tpu.memory_space<hbm>>
      tpu.wait_dma2 semaphore(%run_scoped3A : memref<!tpu.dma_semaphore, #tpu.memory_space<semaphore_mem>>) src(%dma_wait3A_24 : memref<64xi32, #tpu.memory_space<hbm>>) dst(%arg7 : memref<64xi32, #tpu.memory_space<vmem>>)
      tpu.yield
    }) : () -> ()
    "tpu.region"() ({
      %run_scoped3A = tpu.sem_alloc : memref<!tpu.dma_semaphore, #tpu.memory_space<semaphore_mem>>
      %dma_start3A_13 = arith.constant 0 : i32
      %dma_start3A_14 = tpu.memref_slice %arg2[%mul3A_2, %dma_start3A_13] : memref<2048x1024xf32, #tpu.memory_space<hbm>> -> memref<64x1024xf32, #tpu.memory_space<hbm>>
      %dma_start3A_15 = arith.constant 0 : i32
      %dma_start3A_16 = tpu.memref_slice %arg2[%mul3A_2, %dma_start3A_15] : memref<2048x1024xf32, #tpu.memory_space<hbm>> -> memref<64x1024xf32, #tpu.memory_space<hbm>>
      tpu.enqueue_dma source(%dma_start3A_16 : memref<64x1024xf32, #tpu.memory_space<hbm>>) target(%arg8 : memref<64x1024xf32, #tpu.memory_space<vmem>>) target_semaphore(%run_scoped3A : memref<!tpu.dma_semaphore, #tpu.memory_space<semaphore_mem>>)
      %dma_wait3A_17 = arith.constant 0 : i32
      %dma_wait3A_18 = tpu.memref_slice %arg2[%mul3A_2, %dma_wait3A_17] : memref<2048x1024xf32, #tpu.memory_space<hbm>> -> memref<64x1024xf32, #tpu.memory_space<hbm>>
      %dma_wait3A_19 = arith.constant 0 : i32
      %dma_wait3A_20 = tpu.memref_slice %arg2[%mul3A_2, %dma_wait3A_19] : memref<2048x1024xf32, #tpu.memory_space<hbm>> -> memref<64x1024xf32, #tpu.memory_space<hbm>>
      tpu.wait_dma2 semaphore(%run_scoped3A : memref<!tpu.dma_semaphore, #tpu.memory_space<semaphore_mem>>) src(%dma_wait3A_20 : memref<64x1024xf32, #tpu.memory_space<hbm>>) dst(%arg8 : memref<64x1024xf32, #tpu.memory_space<vmem>>)
      tpu.yield
    }) : () -> ()
    %dma_start3A = arith.constant 0 : i32
    %dma_start3A_3 = arith.constant 0 : i32
    %dma_start3A_4 = tpu.memref_slice %arg5[%dma_start3A, %dma_start3A_3] : memref<8192x1024xf32, #tpu.memory_space<hbm>> -> memref<8192x1024xf32, #tpu.memory_space<hbm>>
    tpu.enqueue_indirect_dma source(%arg8 : memref<64x1024xf32, #tpu.memory_space<vmem>>) target(%dma_start3A_4 : memref<8192x1024xf32, #tpu.memory_space<hbm>>) offsets(%arg6 : memref<64xi32, #tpu.memory_space<vmem>>) semaphore(%arg9 : memref<!tpu.dma_semaphore, #tpu.memory_space<semaphore_mem>>)
    %dma_start3A_5 = arith.constant 0 : i32
    %dma_start3A_6 = arith.constant 0 : i32
    %dma_start3A_7 = tpu.memref_slice %arg5[%dma_start3A_5, %dma_start3A_6] : memref<8192x1024xf32, #tpu.memory_space<hbm>> -> memref<8192x1024xf32, #tpu.memory_space<hbm>>
    tpu.enqueue_indirect_dma source(%arg8 : memref<64x1024xf32, #tpu.memory_space<vmem>>) target(%dma_start3A_7 : memref<8192x1024xf32, #tpu.memory_space<hbm>>) offsets(%arg7 : memref<64xi32, #tpu.memory_space<vmem>>) semaphore(%arg10 : memref<!tpu.dma_semaphore, #tpu.memory_space<semaphore_mem>>)
    %dma_wait3A = arith.constant 0 : i32
    %dma_wait3A_8 = arith.constant 0 : i32
    %dma_wait3A_9 = tpu.memref_slice %arg5[%dma_wait3A, %dma_wait3A_8] : memref<8192x1024xf32, #tpu.memory_space<hbm>> -> memref<8192x1024xf32, #tpu.memory_space<hbm>>
    tpu.wait_indirect_dma semaphore(%arg9 : memref<!tpu.dma_semaphore, #tpu.memory_space<semaphore_mem>>) src(%arg8 : memref<64x1024xf32, #tpu.memory_space<vmem>>) dst(%dma_wait3A_9 : memref<8192x1024xf32, #tpu.memory_space<hbm>>)
    %dma_wait3A_10 = arith.constant 0 : i32
    %dma_wait3A_11 = arith.constant 0 : i32
    %dma_wait3A_12 = tpu.memref_slice %arg5[%dma_wait3A_10, %dma_wait3A_11] : memref<8192x1024xf32, #tpu.memory_space<hbm>> -> memref<8192x1024xf32, #tpu.memory_space<hbm>>
    tpu.wait_indirect_dma semaphore(%arg10 : memref<!tpu.dma_semaphore, #tpu.memory_space<semaphore_mem>>) src(%arg8 : memref<64x1024xf32, #tpu.memory_space<vmem>>) dst(%dma_wait3A_12 : memref<8192x1024xf32, #tpu.memory_space<hbm>>)
    return
  }
}

#map = affine_map<(d0, d1) -> (0, 0)>
#map1 = affine_map<(d0, d1) -> (0)>
module attributes {stable_mosaic.version = 14 : i64} {
  func.func @_sc_combine(%arg0: i32, %arg1: i32, %arg2: memref<8192x1024xf32, #tpu.memory_space<hbm>>, %arg3: memref<2048xi32, #tpu.memory_space<hbm>>, %arg4: memref<2048xi32, #tpu.memory_space<hbm>>, %arg5: memref<2048x16xf32, #tpu.memory_space<hbm>>, %arg6: memref<2048x16xf32, #tpu.memory_space<hbm>>, %arg7: memref<2048x1024xf32, #tpu.memory_space<hbm>>, %arg8: memref<64xi32, #tpu.memory_space<vmem>>, %arg9: memref<64xi32, #tpu.memory_space<vmem>>, %arg10: memref<64x16xf32, #tpu.memory_space<vmem>>, %arg11: memref<64x16xf32, #tpu.memory_space<vmem>>, %arg12: memref<32x1024xf32, #tpu.memory_space<vmem>>, %arg13: memref<32x1024xf32, #tpu.memory_space<vmem>>, %arg14: memref<32x1024xf32, #tpu.memory_space<vmem>>, %arg15: memref<!tpu.dma_semaphore, #tpu.memory_space<semaphore_mem>>, %arg16: memref<!tpu.dma_semaphore, #tpu.memory_space<semaphore_mem>>) attributes {dimension_semantics = [#tpu.dimension_semantics<core_parallel>, #tpu.dimension_semantics<subcore_parallel>], iteration_bounds = array<i64: 2, 16>, scalar_prefetch = 0 : i64, scratch_operands = 9 : i64, tpu.core_type = #tpu.core_type<sc_vector_subcore>, window_params = [{transform_indices = #map}, {transform_indices = #map1}, {transform_indices = #map1}, {transform_indices = #map}, {transform_indices = #map}, {transform_indices = #map}]} {
    %mul3A = arith.constant 2 : i32
    %mul3A_0 = arith.muli %arg1, %mul3A : i32
    %add3A = arith.addi %mul3A_0, %arg0 : i32
    %mul3A_1 = arith.constant 64 : i32
    %mul3A_2 = arith.muli %add3A, %mul3A_1 : i32
    "tpu.region"() ({
      %run_scoped3A = tpu.sem_alloc : memref<!tpu.dma_semaphore, #tpu.memory_space<semaphore_mem>>
      %dma_start3A = tpu.memref_slice %arg3[%mul3A_2] : memref<2048xi32, #tpu.memory_space<hbm>> -> memref<64xi32, #tpu.memory_space<hbm>>
      %dma_start3A_9 = tpu.memref_slice %arg3[%mul3A_2] : memref<2048xi32, #tpu.memory_space<hbm>> -> memref<64xi32, #tpu.memory_space<hbm>>
      tpu.enqueue_dma source(%dma_start3A_9 : memref<64xi32, #tpu.memory_space<hbm>>) target(%arg8 : memref<64xi32, #tpu.memory_space<vmem>>) target_semaphore(%run_scoped3A : memref<!tpu.dma_semaphore, #tpu.memory_space<semaphore_mem>>)
      %dma_wait3A = tpu.memref_slice %arg3[%mul3A_2] : memref<2048xi32, #tpu.memory_space<hbm>> -> memref<64xi32, #tpu.memory_space<hbm>>
      %dma_wait3A_10 = tpu.memref_slice %arg3[%mul3A_2] : memref<2048xi32, #tpu.memory_space<hbm>> -> memref<64xi32, #tpu.memory_space<hbm>>
      tpu.wait_dma2 semaphore(%run_scoped3A : memref<!tpu.dma_semaphore, #tpu.memory_space<semaphore_mem>>) src(%dma_wait3A_10 : memref<64xi32, #tpu.memory_space<hbm>>) dst(%arg8 : memref<64xi32, #tpu.memory_space<vmem>>)
      tpu.yield
    }) : () -> ()
    "tpu.region"() ({
      %run_scoped3A = tpu.sem_alloc : memref<!tpu.dma_semaphore, #tpu.memory_space<semaphore_mem>>
      %dma_start3A = tpu.memref_slice %arg4[%mul3A_2] : memref<2048xi32, #tpu.memory_space<hbm>> -> memref<64xi32, #tpu.memory_space<hbm>>
      %dma_start3A_9 = tpu.memref_slice %arg4[%mul3A_2] : memref<2048xi32, #tpu.memory_space<hbm>> -> memref<64xi32, #tpu.memory_space<hbm>>
      tpu.enqueue_dma source(%dma_start3A_9 : memref<64xi32, #tpu.memory_space<hbm>>) target(%arg9 : memref<64xi32, #tpu.memory_space<vmem>>) target_semaphore(%run_scoped3A : memref<!tpu.dma_semaphore, #tpu.memory_space<semaphore_mem>>)
      %dma_wait3A = tpu.memref_slice %arg4[%mul3A_2] : memref<2048xi32, #tpu.memory_space<hbm>> -> memref<64xi32, #tpu.memory_space<hbm>>
      %dma_wait3A_10 = tpu.memref_slice %arg4[%mul3A_2] : memref<2048xi32, #tpu.memory_space<hbm>> -> memref<64xi32, #tpu.memory_space<hbm>>
      tpu.wait_dma2 semaphore(%run_scoped3A : memref<!tpu.dma_semaphore, #tpu.memory_space<semaphore_mem>>) src(%dma_wait3A_10 : memref<64xi32, #tpu.memory_space<hbm>>) dst(%arg9 : memref<64xi32, #tpu.memory_space<vmem>>)
      tpu.yield
    }) : () -> ()
    "tpu.region"() ({
      %run_scoped3A = tpu.sem_alloc : memref<!tpu.dma_semaphore, #tpu.memory_space<semaphore_mem>>
      %dma_start3A = arith.constant 0 : i32
      %dma_start3A_9 = tpu.memref_slice %arg5[%mul3A_2, %dma_start3A] : memref<2048x16xf32, #tpu.memory_space<hbm>> -> memref<64x16xf32, #tpu.memory_space<hbm>>
      %dma_start3A_10 = arith.constant 0 : i32
      %dma_start3A_11 = tpu.memref_slice %arg5[%mul3A_2, %dma_start3A_10] : memref<2048x16xf32, #tpu.memory_space<hbm>> -> memref<64x16xf32, #tpu.memory_space<hbm>>
      tpu.enqueue_dma source(%dma_start3A_11 : memref<64x16xf32, #tpu.memory_space<hbm>>) target(%arg10 : memref<64x16xf32, #tpu.memory_space<vmem>>) target_semaphore(%run_scoped3A : memref<!tpu.dma_semaphore, #tpu.memory_space<semaphore_mem>>)
      %dma_wait3A = arith.constant 0 : i32
      %dma_wait3A_12 = tpu.memref_slice %arg5[%mul3A_2, %dma_wait3A] : memref<2048x16xf32, #tpu.memory_space<hbm>> -> memref<64x16xf32, #tpu.memory_space<hbm>>
      %dma_wait3A_13 = arith.constant 0 : i32
      %dma_wait3A_14 = tpu.memref_slice %arg5[%mul3A_2, %dma_wait3A_13] : memref<2048x16xf32, #tpu.memory_space<hbm>> -> memref<64x16xf32, #tpu.memory_space<hbm>>
      tpu.wait_dma2 semaphore(%run_scoped3A : memref<!tpu.dma_semaphore, #tpu.memory_space<semaphore_mem>>) src(%dma_wait3A_14 : memref<64x16xf32, #tpu.memory_space<hbm>>) dst(%arg10 : memref<64x16xf32, #tpu.memory_space<vmem>>)
      tpu.yield
    }) : () -> ()
    "tpu.region"() ({
      %run_scoped3A = tpu.sem_alloc : memref<!tpu.dma_semaphore, #tpu.memory_space<semaphore_mem>>
      %dma_start3A = arith.constant 0 : i32
      %dma_start3A_9 = tpu.memref_slice %arg6[%mul3A_2, %dma_start3A] : memref<2048x16xf32, #tpu.memory_space<hbm>> -> memref<64x16xf32, #tpu.memory_space<hbm>>
      %dma_start3A_10 = arith.constant 0 : i32
      %dma_start3A_11 = tpu.memref_slice %arg6[%mul3A_2, %dma_start3A_10] : memref<2048x16xf32, #tpu.memory_space<hbm>> -> memref<64x16xf32, #tpu.memory_space<hbm>>
      tpu.enqueue_dma source(%dma_start3A_11 : memref<64x16xf32, #tpu.memory_space<hbm>>) target(%arg11 : memref<64x16xf32, #tpu.memory_space<vmem>>) target_semaphore(%run_scoped3A : memref<!tpu.dma_semaphore, #tpu.memory_space<semaphore_mem>>)
      %dma_wait3A = arith.constant 0 : i32
      %dma_wait3A_12 = tpu.memref_slice %arg6[%mul3A_2, %dma_wait3A] : memref<2048x16xf32, #tpu.memory_space<hbm>> -> memref<64x16xf32, #tpu.memory_space<hbm>>
      %dma_wait3A_13 = arith.constant 0 : i32
      %dma_wait3A_14 = tpu.memref_slice %arg6[%mul3A_2, %dma_wait3A_13] : memref<2048x16xf32, #tpu.memory_space<hbm>> -> memref<64x16xf32, #tpu.memory_space<hbm>>
      tpu.wait_dma2 semaphore(%run_scoped3A : memref<!tpu.dma_semaphore, #tpu.memory_space<semaphore_mem>>) src(%dma_wait3A_14 : memref<64x16xf32, #tpu.memory_space<hbm>>) dst(%arg11 : memref<64x16xf32, #tpu.memory_space<vmem>>)
      tpu.yield
    }) : () -> ()
    %scan3A = arith.constant 0 : i32
    %scan3A_3 = arith.constant 0 : i32
    %scan3A_4 = arith.constant 2 : i32
    %scan3A_5 = arith.addi %scan3A_3, %scan3A_4 : i32
    %scan3A_6 = arith.constant 1 : i32
    %scan3A_7 = scf.for %scan3A_9 = %scan3A_3 to %scan3A_5 step %scan3A_6 iter_args(%scan3A_10 = %scan3A) -> (i32)  : i32 {
      %mul3A_11 = arith.constant 32 : i32
      %mul3A_12 = arith.muli %scan3A_9, %mul3A_11 : i32
      %dma_start3A = tpu.memref_slice %arg8[%mul3A_12] : memref<64xi32, #tpu.memory_space<vmem>> -> memref<32xi32, #tpu.memory_space<vmem>>
      %dma_start3A_13 = arith.constant 0 : i32
      %dma_start3A_14 = arith.constant 0 : i32
      %dma_start3A_15 = tpu.memref_slice %arg2[%dma_start3A_13, %dma_start3A_14] : memref<8192x1024xf32, #tpu.memory_space<hbm>> -> memref<8192x1024xf32, #tpu.memory_space<hbm>>
      tpu.enqueue_indirect_dma source(%dma_start3A_15 : memref<8192x1024xf32, #tpu.memory_space<hbm>>) target(%arg12 : memref<32x1024xf32, #tpu.memory_space<vmem>>) offsets(%dma_start3A : memref<32xi32, #tpu.memory_space<vmem>>) semaphore(%arg15 : memref<!tpu.dma_semaphore, #tpu.memory_space<semaphore_mem>>)
      %dma_start3A_16 = tpu.memref_slice %arg9[%mul3A_12] : memref<64xi32, #tpu.memory_space<vmem>> -> memref<32xi32, #tpu.memory_space<vmem>>
      %dma_start3A_17 = arith.constant 0 : i32
      %dma_start3A_18 = arith.constant 0 : i32
      %dma_start3A_19 = tpu.memref_slice %arg2[%dma_start3A_17, %dma_start3A_18] : memref<8192x1024xf32, #tpu.memory_space<hbm>> -> memref<8192x1024xf32, #tpu.memory_space<hbm>>
      tpu.enqueue_indirect_dma source(%dma_start3A_19 : memref<8192x1024xf32, #tpu.memory_space<hbm>>) target(%arg13 : memref<32x1024xf32, #tpu.memory_space<vmem>>) offsets(%dma_start3A_16 : memref<32xi32, #tpu.memory_space<vmem>>) semaphore(%arg16 : memref<!tpu.dma_semaphore, #tpu.memory_space<semaphore_mem>>)
      %dma_wait3A = tpu.memref_slice %arg8[%mul3A_12] : memref<64xi32, #tpu.memory_space<vmem>> -> memref<32xi32, #tpu.memory_space<vmem>>
      %dma_wait3A_20 = arith.constant 0 : i32
      %dma_wait3A_21 = arith.constant 0 : i32
      %dma_wait3A_22 = tpu.memref_slice %arg2[%dma_wait3A_20, %dma_wait3A_21] : memref<8192x1024xf32, #tpu.memory_space<hbm>> -> memref<8192x1024xf32, #tpu.memory_space<hbm>>
      tpu.wait_indirect_dma semaphore(%arg15 : memref<!tpu.dma_semaphore, #tpu.memory_space<semaphore_mem>>) src(%dma_wait3A_22 : memref<8192x1024xf32, #tpu.memory_space<hbm>>) dst(%arg12 : memref<32x1024xf32, #tpu.memory_space<vmem>>)
      %dma_wait3A_23 = tpu.memref_slice %arg9[%mul3A_12] : memref<64xi32, #tpu.memory_space<vmem>> -> memref<32xi32, #tpu.memory_space<vmem>>
      %dma_wait3A_24 = arith.constant 0 : i32
      %dma_wait3A_25 = arith.constant 0 : i32
      %dma_wait3A_26 = tpu.memref_slice %arg2[%dma_wait3A_24, %dma_wait3A_25] : memref<8192x1024xf32, #tpu.memory_space<hbm>> -> memref<8192x1024xf32, #tpu.memory_space<hbm>>
      tpu.wait_indirect_dma semaphore(%arg16 : memref<!tpu.dma_semaphore, #tpu.memory_space<semaphore_mem>>) src(%dma_wait3A_26 : memref<8192x1024xf32, #tpu.memory_space<hbm>>) dst(%arg13 : memref<32x1024xf32, #tpu.memory_space<vmem>>)
      %scan3A_27 = arith.constant 0 : i32
      %scan3A_28 = arith.constant 0 : i32
      %scan3A_29 = arith.constant 32 : i32
      %scan3A_30 = arith.addi %scan3A_28, %scan3A_29 : i32
      %scan3A_31 = arith.constant 1 : i32
      %scan3A_32 = scf.for %scan3A_36 = %scan3A_28 to %scan3A_30 step %scan3A_31 iter_args(%scan3A_37 = %scan3A_27) -> (i32)  : i32 {
        %add3A_38 = arith.addi %mul3A_12, %scan3A_36 : i32
        %get3A = arith.index_cast %add3A_38 : i32 to index
        %get3A_39 = arith.constant 0 : index
        %get3A_40 = tpu.vector_load %arg10[%get3A, %get3A_39] {strides = array<i32>} : memref<64x16xf32, #tpu.memory_space<vmem>>, vector<1x16xf32>,
        %get3A_41 = vector.shape_cast %get3A_40 : vector<1x16xf32> to vector<16xf32>
        %add3A_42 = arith.addi %mul3A_12, %scan3A_36 : i32
        %get3A_43 = arith.index_cast %add3A_42 : i32 to index
        %get3A_44 = arith.constant 0 : index
        %get3A_45 = tpu.vector_load %arg11[%get3A_43, %get3A_44] {strides = array<i32>} : memref<64x16xf32, #tpu.memory_space<vmem>>, vector<1x16xf32>,
        %get3A_46 = vector.shape_cast %get3A_45 : vector<1x16xf32> to vector<16xf32>
        %get3A_47 = arith.index_cast %scan3A_36 : i32 to index
        %get3A_48 = arith.constant 0 : index
        %get3A_49 = tpu.vector_load %arg12[%get3A_47, %get3A_48] {strides = array<i32>} : memref<32x1024xf32, #tpu.memory_space<vmem>>, vector<1x16xf32>,
        %get3A_50 = vector.shape_cast %get3A_49 : vector<1x16xf32> to vector<16xf32>
        %mul3A_51 = arith.mulf %get3A_41, %get3A_50 : vector<16xf32>
        %get3A_52 = arith.index_cast %scan3A_36 : i32 to index
        %get3A_53 = arith.constant 0 : index
        %get3A_54 = tpu.vector_load %arg13[%get3A_52, %get3A_53] {strides = array<i32>} : memref<32x1024xf32, #tpu.memory_space<vmem>>, vector<1x16xf32>,
        %get3A_55 = vector.shape_cast %get3A_54 : vector<1x16xf32> to vector<16xf32>
        %mul3A_56 = arith.mulf %get3A_46, %get3A_55 : vector<16xf32>
        %add3A_57 = arith.addf %mul3A_51, %mul3A_56 : vector<16xf32>
        %swap3A = arith.index_cast %scan3A_36 : i32 to index
        %swap3A_58 = arith.constant 0 : index
        %swap3A_59 = tpu.vector_load %arg14[%swap3A, %swap3A_58] {strides = array<i32>} : memref<32x1024xf32, #tpu.memory_space<vmem>>, vector<1x16xf32>,
        %swap3A_60 = vector.shape_cast %swap3A_59 : vector<1x16xf32> to vector<16xf32>
        %swap3A_61 = vector.shape_cast %add3A_57 : vector<16xf32> to vector<1x16xf32>
        tpu.vector_store %arg14[%swap3A, %swap3A_58], %swap3A_61 {strides = array<i32>} : memref<32x1024xf32, #tpu.memory_space<vmem>>, vector<1x16xf32>,
        %get3A_62 = arith.index_cast %scan3A_36 : i32 to index
        %get3A_63 = arith.constant 16 : index
        %get3A_64 = tpu.vector_load %arg12[%get3A_62, %get3A_63] {strides = array<i32>} : memref<32x1024xf32, #tpu.memory_space<vmem>>, vector<1x16xf32>,
        %get3A_65 = vector.shape_cast %get3A_64 : vector<1x16xf32> to vector<16xf32>
        %mul3A_66 = arith.mulf %get3A_41, %get3A_65 : vector<16xf32>
        %get3A_67 = arith.index_cast %scan3A_36 : i32 to index
        %get3A_68 = arith.constant 16 : index
        %get3A_69 = tpu.vector_load %arg13[%get3A_67, %get3A_68] {strides = array<i32>} : memref<32x1024xf32, #tpu.memory_space<vmem>>, vector<1x16xf32>,
        %get3A_70 = vector.shape_cast %get3A_69 : vector<1x16xf32> to vector<16xf32>
        %mul3A_71 = arith.mulf %get3A_46, %get3A_70 : vector<16xf32>
        %add3A_72 = arith.addf %mul3A_66, %mul3A_71 : vector<16xf32>
        %swap3A_73 = arith.index_cast %scan3A_36 : i32 to index
        %swap3A_74 = arith.constant 16 : index
        %swap3A_75 = tpu.vector_load %arg14[%swap3A_73, %swap3A_74] {strides = array<i32>} : memref<32x1024xf32, #tpu.memory_space<vmem>>, vector<1x16xf32>,
        %swap3A_76 = vector.shape_cast %swap3A_75 : vector<1x16xf32> to vector<16xf32>
        %swap3A_77 = vector.shape_cast %add3A_72 : vector<16xf32> to vector<1x16xf32>
        tpu.vector_store %arg14[%swap3A_73, %swap3A_74], %swap3A_77 {strides = array<i32>} : memref<32x1024xf32, #tpu.memory_space<vmem>>, vector<1x16xf32>,
        %get3A_78 = arith.index_cast %scan3A_36 : i32 to index
        %get3A_79 = arith.constant 32 : index
        %get3A_80 = tpu.vector_load %arg12[%get3A_78, %get3A_79] {strides = array<i32>} : memref<32x1024xf32, #tpu.memory_space<vmem>>, vector<1x16xf32>,
        %get3A_81 = vector.shape_cast %get3A_80 : vector<1x16xf32> to vector<16xf32>
        %mul3A_82 = arith.mulf %get3A_41, %get3A_81 : vector<16xf32>
        %get3A_83 = arith.index_cast %scan3A_36 : i32 to index
        %get3A_84 = arith.constant 32 : index
        %get3A_85 = tpu.vector_load %arg13[%get3A_83, %get3A_84] {strides = array<i32>} : memref<32x1024xf32, #tpu.memory_space<vmem>>, vector<1x16xf32>,
        %get3A_86 = vector.shape_cast %get3A_85 : vector<1x16xf32> to vector<16xf32>
        %mul3A_87 = arith.mulf %get3A_46, %get3A_86 : vector<16xf32>
        %add3A_88 = arith.addf %mul3A_82, %mul3A_87 : vector<16xf32>
        %swap3A_89 = arith.index_cast %scan3A_36 : i32 to index
        %swap3A_90 = arith.constant 32 : index
        %swap3A_91 = tpu.vector_load %arg14[%swap3A_89, %swap3A_90] {strides = array<i32>} : memref<32x1024xf32, #tpu.memory_space<vmem>>, vector<1x16xf32>,
        %swap3A_92 = vector.shape_cast %swap3A_91 : vector<1x16xf32> to vector<16xf32>
        %swap3A_93 = vector.shape_cast %add3A_88 : vector<16xf32> to vector<1x16xf32>
        tpu.vector_store %arg14[%swap3A_89, %swap3A_90], %swap3A_93 {strides = array<i32>} : memref<32x1024xf32, #tpu.memory_space<vmem>>, vector<1x16xf32>,
        %get3A_94 = arith.index_cast %scan3A_36 : i32 to index
        %get3A_95 = arith.constant 48 : index
        %get3A_96 = tpu.vector_load %arg12[%get3A_94, %get3A_95] {strides = array<i32>} : memref<32x1024xf32, #tpu.memory_space<vmem>>, vector<1x16xf32>,
        %get3A_97 = vector.shape_cast %get3A_96 : vector<1x16xf32> to vector<16xf32>
        %mul3A_98 = arith.mulf %get3A_41, %get3A_97 : vector<16xf32>
        %get3A_99 = arith.index_cast %scan3A_36 : i32 to index
        %get3A_100 = arith.constant 48 : index
        %get3A_101 = tpu.vector_load %arg13[%get3A_99, %get3A_100] {strides = array<i32>} : memref<32x1024xf32, #tpu.memory_space<vmem>>, vector<1x16xf32>,
        %get3A_102 = vector.shape_cast %get3A_101 : vector<1x16xf32> to vector<16xf32>
        %mul3A_103 = arith.mulf %get3A_46, %get3A_102 : vector<16xf32>
        %add3A_104 = arith.addf %mul3A_98, %mul3A_103 : vector<16xf32>
        %swap3A_105 = arith.index_cast %scan3A_36 : i32 to index
        %swap3A_106 = arith.constant 48 : index
        %swap3A_107 = tpu.vector_load %arg14[%swap3A_105, %swap3A_106] {strides = array<i32>} : memref<32x1024xf32, #tpu.memory_space<vmem>>, vector<1x16xf32>,
        %swap3A_108 = vector.shape_cast %swap3A_107 : vector<1x16xf32> to vector<16xf32>
        %swap3A_109 = vector.shape_cast %add3A_104 : vector<16xf32> to vector<1x16xf32>
        tpu.vector_store %arg14[%swap3A_105, %swap3A_106], %swap3A_109 {strides = array<i32>} : memref<32x1024xf32, #tpu.memory_space<vmem>>, vector<1x16xf32>,
        %get3A_110 = arith.index_cast %scan3A_36 : i32 to index
        %get3A_111 = arith.constant 64 : index
        %get3A_112 = tpu.vector_load %arg12[%get3A_110, %get3A_111] {strides = array<i32>} : memref<32x1024xf32, #tpu.memory_space<vmem>>, vector<1x16xf32>,
        %get3A_113 = vector.shape_cast %get3A_112 : vector<1x16xf32> to vector<16xf32>
        %mul3A_114 = arith.mulf %get3A_41, %get3A_113 : vector<16xf32>
        %get3A_115 = arith.index_cast %scan3A_36 : i32 to index
        %get3A_116 = arith.constant 64 : index
        %get3A_117 = tpu.vector_load %arg13[%get3A_115, %get3A_116] {strides = array<i32>} : memref<32x1024xf32, #tpu.memory_space<vmem>>, vector<1x16xf32>,
        %get3A_118 = vector.shape_cast %get3A_117 : vector<1x16xf32> to vector<16xf32>
        %mul3A_119 = arith.mulf %get3A_46, %get3A_118 : vector<16xf32>
        %add3A_120 = arith.addf %mul3A_114, %mul3A_119 : vector<16xf32>
        %swap3A_121 = arith.index_cast %scan3A_36 : i32 to index
        %swap3A_122 = arith.constant 64 : index
        %swap3A_123 = tpu.vector_load %arg14[%swap3A_121, %swap3A_122] {strides = array<i32>} : memref<32x1024xf32, #tpu.memory_space<vmem>>, vector<1x16xf32>,
        %swap3A_124 = vector.shape_cast %swap3A_123 : vector<1x16xf32> to vector<16xf32>
        %swap3A_125 = vector.shape_cast %add3A_120 : vector<16xf32> to vector<1x16xf32>
        tpu.vector_store %arg14[%swap3A_121, %swap3A_122], %swap3A_125 {strides = array<i32>} : memref<32x1024xf32, #tpu.memory_space<vmem>>, vector<1x16xf32>,
        %get3A_126 = arith.index_cast %scan3A_36 : i32 to index
        %get3A_127 = arith.constant 80 : index
        %get3A_128 = tpu.vector_load %arg12[%get3A_126, %get3A_127] {strides = array<i32>} : memref<32x1024xf32, #tpu.memory_space<vmem>>, vector<1x16xf32>,
        %get3A_129 = vector.shape_cast %get3A_128 : vector<1x16xf32> to vector<16xf32>
        %mul3A_130 = arith.mulf %get3A_41, %get3A_129 : vector<16xf32>
        %get3A_131 = arith.index_cast %scan3A_36 : i32 to index
        %get3A_132 = arith.constant 80 : index
        %get3A_133 = tpu.vector_load %arg13[%get3A_131, %get3A_132] {strides = array<i32>} : memref<32x1024xf32, #tpu.memory_space<vmem>>, vector<1x16xf32>,
        %get3A_134 = vector.shape_cast %get3A_133 : vector<1x16xf32> to vector<16xf32>
        %mul3A_135 = arith.mulf %get3A_46, %get3A_134 : vector<16xf32>
        %add3A_136 = arith.addf %mul3A_130, %mul3A_135 : vector<16xf32>
        %swap3A_137 = arith.index_cast %scan3A_36 : i32 to index
        %swap3A_138 = arith.constant 80 : index
        %swap3A_139 = tpu.vector_load %arg14[%swap3A_137, %swap3A_138] {strides = array<i32>} : memref<32x1024xf32, #tpu.memory_space<vmem>>, vector<1x16xf32>,
        %swap3A_140 = vector.shape_cast %swap3A_139 : vector<1x16xf32> to vector<16xf32>
        %swap3A_141 = vector.shape_cast %add3A_136 : vector<16xf32> to vector<1x16xf32>
        tpu.vector_store %arg14[%swap3A_137, %swap3A_138], %swap3A_141 {strides = array<i32>} : memref<32x1024xf32, #tpu.memory_space<vmem>>, vector<1x16xf32>,
        %get3A_142 = arith.index_cast %scan3A_36 : i32 to index
        %get3A_143 = arith.constant 96 : index
        %get3A_144 = tpu.vector_load %arg12[%get3A_142, %get3A_143] {strides = array<i32>} : memref<32x1024xf32, #tpu.memory_space<vmem>>, vector<1x16xf32>,
        %get3A_145 = vector.shape_cast %get3A_144 : vector<1x16xf32> to vector<16xf32>
        %mul3A_146 = arith.mulf %get3A_41, %get3A_145 : vector<16xf32>
        %get3A_147 = arith.index_cast %scan3A_36 : i32 to index
        %get3A_148 = arith.constant 96 : index
        %get3A_149 = tpu.vector_load %arg13[%get3A_147, %get3A_148] {strides = array<i32>} : memref<32x1024xf32, #tpu.memory_space<vmem>>, vector<1x16xf32>,
        %get3A_150 = vector.shape_cast %get3A_149 : vector<1x16xf32> to vector<16xf32>
        %mul3A_151 = arith.mulf %get3A_46, %get3A_150 : vector<16xf32>
        %add3A_152 = arith.addf %mul3A_146, %mul3A_151 : vector<16xf32>
        %swap3A_153 = arith.index_cast %scan3A_36 : i32 to index
        %swap3A_154 = arith.constant 96 : index
        %swap3A_155 = tpu.vector_load %arg14[%swap3A_153, %swap3A_154] {strides = array<i32>} : memref<32x1024xf32, #tpu.memory_space<vmem>>, vector<1x16xf32>,
        %swap3A_156 = vector.shape_cast %swap3A_155 : vector<1x16xf32> to vector<16xf32>
        %swap3A_157 = vector.shape_cast %add3A_152 : vector<16xf32> to vector<1x16xf32>
        tpu.vector_store %arg14[%swap3A_153, %swap3A_154], %swap3A_157 {strides = array<i32>} : memref<32x1024xf32, #tpu.memory_space<vmem>>, vector<1x16xf32>,
        %get3A_158 = arith.index_cast %scan3A_36 : i32 to index
        %get3A_159 = arith.constant 112 : index
        %get3A_160 = tpu.vector_load %arg12[%get3A_158, %get3A_159] {strides = array<i32>} : memref<32x1024xf32, #tpu.memory_space<vmem>>, vector<1x16xf32>,
        %get3A_161 = vector.shape_cast %get3A_160 : vector<1x16xf32> to vector<16xf32>
        %mul3A_162 = arith.mulf %get3A_41, %get3A_161 : vector<16xf32>
        %get3A_163 = arith.index_cast %scan3A_36 : i32 to index
        %get3A_164 = arith.constant 112 : index
        %get3A_165 = tpu.vector_load %arg13[%get3A_163, %get3A_164] {strides = array<i32>} : memref<32x1024xf32, #tpu.memory_space<vmem>>, vector<1x16xf32>,
        %get3A_166 = vector.shape_cast %get3A_165 : vector<1x16xf32> to vector<16xf32>
        %mul3A_167 = arith.mulf %get3A_46, %get3A_166 : vector<16xf32>
        %add3A_168 = arith.addf %mul3A_162, %mul3A_167 : vector<16xf32>
        %swap3A_169 = arith.index_cast %scan3A_36 : i32 to index
        %swap3A_170 = arith.constant 112 : index
        %swap3A_171 = tpu.vector_load %arg14[%swap3A_169, %swap3A_170] {strides = array<i32>} : memref<32x1024xf32, #tpu.memory_space<vmem>>, vector<1x16xf32>,
        %swap3A_172 = vector.shape_cast %swap3A_171 : vector<1x16xf32> to vector<16xf32>
        %swap3A_173 = vector.shape_cast %add3A_168 : vector<16xf32> to vector<1x16xf32>
        tpu.vector_store %arg14[%swap3A_169, %swap3A_170], %swap3A_173 {strides = array<i32>} : memref<32x1024xf32, #tpu.memory_space<vmem>>, vector<1x16xf32>,
        %get3A_174 = arith.index_cast %scan3A_36 : i32 to index
        %get3A_175 = arith.constant 128 : index
        %get3A_176 = tpu.vector_load %arg12[%get3A_174, %get3A_175] {strides = array<i32>} : memref<32x1024xf32, #tpu.memory_space<vmem>>, vector<1x16xf32>,
        %get3A_177 = vector.shape_cast %get3A_176 : vector<1x16xf32> to vector<16xf32>
        %mul3A_178 = arith.mulf %get3A_41, %get3A_177 : vector<16xf32>
        %get3A_179 = arith.index_cast %scan3A_36 : i32 to index
        %get3A_180 = arith.constant 128 : index
        %get3A_181 = tpu.vector_load %arg13[%get3A_179, %get3A_180] {strides = array<i32>} : memref<32x1024xf32, #tpu.memory_space<vmem>>, vector<1x16xf32>,
        %get3A_182 = vector.shape_cast %get3A_181 : vector<1x16xf32> to vector<16xf32>
        %mul3A_183 = arith.mulf %get3A_46, %get3A_182 : vector<16xf32>
        %add3A_184 = arith.addf %mul3A_178, %mul3A_183 : vector<16xf32>
        %swap3A_185 = arith.index_cast %scan3A_36 : i32 to index
        %swap3A_186 = arith.constant 128 : index
        %swap3A_187 = tpu.vector_load %arg14[%swap3A_185, %swap3A_186] {strides = array<i32>} : memref<32x1024xf32, #tpu.memory_space<vmem>>, vector<1x16xf32>,
        %swap3A_188 = vector.shape_cast %swap3A_187 : vector<1x16xf32> to vector<16xf32>
        %swap3A_189 = vector.shape_cast %add3A_184 : vector<16xf32> to vector<1x16xf32>
        tpu.vector_store %arg14[%swap3A_185, %swap3A_186], %swap3A_189 {strides = array<i32>} : memref<32x1024xf32, #tpu.memory_space<vmem>>, vector<1x16xf32>,
        %get3A_190 = arith.index_cast %scan3A_36 : i32 to index
        %get3A_191 = arith.constant 144 : index
        %get3A_192 = tpu.vector_load %arg12[%get3A_190, %get3A_191] {strides = array<i32>} : memref<32x1024xf32, #tpu.memory_space<vmem>>, vector<1x16xf32>,
        %get3A_193 = vector.shape_cast %get3A_192 : vector<1x16xf32> to vector<16xf32>
        %mul3A_194 = arith.mulf %get3A_41, %get3A_193 : vector<16xf32>
        %get3A_195 = arith.index_cast %scan3A_36 : i32 to index
        %get3A_196 = arith.constant 144 : index
        %get3A_197 = tpu.vector_load %arg13[%get3A_195, %get3A_196] {strides = array<i32>} : memref<32x1024xf32, #tpu.memory_space<vmem>>, vector<1x16xf32>,
        %get3A_198 = vector.shape_cast %get3A_197 : vector<1x16xf32> to vector<16xf32>
        %mul3A_199 = arith.mulf %get3A_46, %get3A_198 : vector<16xf32>
        %add3A_200 = arith.addf %mul3A_194, %mul3A_199 : vector<16xf32>
        %swap3A_201 = arith.index_cast %scan3A_36 : i32 to index
        %swap3A_202 = arith.constant 144 : index
        %swap3A_203 = tpu.vector_load %arg14[%swap3A_201, %swap3A_202] {strides = array<i32>} : memref<32x1024xf32, #tpu.memory_space<vmem>>, vector<1x16xf32>,
        %swap3A_204 = vector.shape_cast %swap3A_203 : vector<1x16xf32> to vector<16xf32>
        %swap3A_205 = vector.shape_cast %add3A_200 : vector<16xf32> to vector<1x16xf32>
        tpu.vector_store %arg14[%swap3A_201, %swap3A_202], %swap3A_205 {strides = array<i32>} : memref<32x1024xf32, #tpu.memory_space<vmem>>, vector<1x16xf32>,
        %get3A_206 = arith.index_cast %scan3A_36 : i32 to index
        %get3A_207 = arith.constant 160 : index
        %get3A_208 = tpu.vector_load %arg12[%get3A_206, %get3A_207] {strides = array<i32>} : memref<32x1024xf32, #tpu.memory_space<vmem>>, vector<1x16xf32>,
        %get3A_209 = vector.shape_cast %get3A_208 : vector<1x16xf32> to vector<16xf32>
        %mul3A_210 = arith.mulf %get3A_41, %get3A_209 : vector<16xf32>
        %get3A_211 = arith.index_cast %scan3A_36 : i32 to index
        %get3A_212 = arith.constant 160 : index
        %get3A_213 = tpu.vector_load %arg13[%get3A_211, %get3A_212] {strides = array<i32>} : memref<32x1024xf32, #tpu.memory_space<vmem>>, vector<1x16xf32>,
        %get3A_214 = vector.shape_cast %get3A_213 : vector<1x16xf32> to vector<16xf32>
        %mul3A_215 = arith.mulf %get3A_46, %get3A_214 : vector<16xf32>
        %add3A_216 = arith.addf %mul3A_210, %mul3A_215 : vector<16xf32>
        %swap3A_217 = arith.index_cast %scan3A_36 : i32 to index
        %swap3A_218 = arith.constant 160 : index
        %swap3A_219 = tpu.vector_load %arg14[%swap3A_217, %swap3A_218] {strides = array<i32>} : memref<32x1024xf32, #tpu.memory_space<vmem>>, vector<1x16xf32>,
        %swap3A_220 = vector.shape_cast %swap3A_219 : vector<1x16xf32> to vector<16xf32>
        %swap3A_221 = vector.shape_cast %add3A_216 : vector<16xf32> to vector<1x16xf32>
        tpu.vector_store %arg14[%swap3A_217, %swap3A_218], %swap3A_221 {strides = array<i32>} : memref<32x1024xf32, #tpu.memory_space<vmem>>, vector<1x16xf32>,
        %get3A_222 = arith.index_cast %scan3A_36 : i32 to index
        %get3A_223 = arith.constant 176 : index
        %get3A_224 = tpu.vector_load %arg12[%get3A_222, %get3A_223] {strides = array<i32>} : memref<32x1024xf32, #tpu.memory_space<vmem>>, vector<1x16xf32>,
        %get3A_225 = vector.shape_cast %get3A_224 : vector<1x16xf32> to vector<16xf32>
        %mul3A_226 = arith.mulf %get3A_41, %get3A_225 : vector<16xf32>
        %get3A_227 = arith.index_cast %scan3A_36 : i32 to index
        %get3A_228 = arith.constant 176 : index
        %get3A_229 = tpu.vector_load %arg13[%get3A_227, %get3A_228] {strides = array<i32>} : memref<32x1024xf32, #tpu.memory_space<vmem>>, vector<1x16xf32>,
        %get3A_230 = vector.shape_cast %get3A_229 : vector<1x16xf32> to vector<16xf32>
        %mul3A_231 = arith.mulf %get3A_46, %get3A_230 : vector<16xf32>
        %add3A_232 = arith.addf %mul3A_226, %mul3A_231 : vector<16xf32>
        %swap3A_233 = arith.index_cast %scan3A_36 : i32 to index
        %swap3A_234 = arith.constant 176 : index
        %swap3A_235 = tpu.vector_load %arg14[%swap3A_233, %swap3A_234] {strides = array<i32>} : memref<32x1024xf32, #tpu.memory_space<vmem>>, vector<1x16xf32>,
        %swap3A_236 = vector.shape_cast %swap3A_235 : vector<1x16xf32> to vector<16xf32>
        %swap3A_237 = vector.shape_cast %add3A_232 : vector<16xf32> to vector<1x16xf32>
        tpu.vector_store %arg14[%swap3A_233, %swap3A_234], %swap3A_237 {strides = array<i32>} : memref<32x1024xf32, #tpu.memory_space<vmem>>, vector<1x16xf32>,
        %get3A_238 = arith.index_cast %scan3A_36 : i32 to index
        %get3A_239 = arith.constant 192 : index
        %get3A_240 = tpu.vector_load %arg12[%get3A_238, %get3A_239] {strides = array<i32>} : memref<32x1024xf32, #tpu.memory_space<vmem>>, vector<1x16xf32>,
        %get3A_241 = vector.shape_cast %get3A_240 : vector<1x16xf32> to vector<16xf32>
        %mul3A_242 = arith.mulf %get3A_41, %get3A_241 : vector<16xf32>
        %get3A_243 = arith.index_cast %scan3A_36 : i32 to index
        %get3A_244 = arith.constant 192 : index
        %get3A_245 = tpu.vector_load %arg13[%get3A_243, %get3A_244] {strides = array<i32>} : memref<32x1024xf32, #tpu.memory_space<vmem>>, vector<1x16xf32>,
        %get3A_246 = vector.shape_cast %get3A_245 : vector<1x16xf32> to vector<16xf32>
        %mul3A_247 = arith.mulf %get3A_46, %get3A_246 : vector<16xf32>
        %add3A_248 = arith.addf %mul3A_242, %mul3A_247 : vector<16xf32>
        %swap3A_249 = arith.index_cast %scan3A_36 : i32 to index
        %swap3A_250 = arith.constant 192 : index
        %swap3A_251 = tpu.vector_load %arg14[%swap3A_249, %swap3A_250] {strides = array<i32>} : memref<32x1024xf32, #tpu.memory_space<vmem>>, vector<1x16xf32>,
        %swap3A_252 = vector.shape_cast %swap3A_251 : vector<1x16xf32> to vector<16xf32>
        %swap3A_253 = vector.shape_cast %add3A_248 : vector<16xf32> to vector<1x16xf32>
        tpu.vector_store %arg14[%swap3A_249, %swap3A_250], %swap3A_253 {strides = array<i32>} : memref<32x1024xf32, #tpu.memory_space<vmem>>, vector<1x16xf32>,
        %get3A_254 = arith.index_cast %scan3A_36 : i32 to index
        %get3A_255 = arith.constant 208 : index
        %get3A_256 = tpu.vector_load %arg12[%get3A_254, %get3A_255] {strides = array<i32>} : memref<32x1024xf32, #tpu.memory_space<vmem>>, vector<1x16xf32>,
        %get3A_257 = vector.shape_cast %get3A_256 : vector<1x16xf32> to vector<16xf32>
        %mul3A_258 = arith.mulf %get3A_41, %get3A_257 : vector<16xf32>
        %get3A_259 = arith.index_cast %scan3A_36 : i32 to index
        %get3A_260 = arith.constant 208 : index
        %get3A_261 = tpu.vector_load %arg13[%get3A_259, %get3A_260] {strides = array<i32>} : memref<32x1024xf32, #tpu.memory_space<vmem>>, vector<1x16xf32>,
        %get3A_262 = vector.shape_cast %get3A_261 : vector<1x16xf32> to vector<16xf32>
        %mul3A_263 = arith.mulf %get3A_46, %get3A_262 : vector<16xf32>
        %add3A_264 = arith.addf %mul3A_258, %mul3A_263 : vector<16xf32>
        %swap3A_265 = arith.index_cast %scan3A_36 : i32 to index
        %swap3A_266 = arith.constant 208 : index
        %swap3A_267 = tpu.vector_load %arg14[%swap3A_265, %swap3A_266] {strides = array<i32>} : memref<32x1024xf32, #tpu.memory_space<vmem>>, vector<1x16xf32>,
        %swap3A_268 = vector.shape_cast %swap3A_267 : vector<1x16xf32> to vector<16xf32>
        %swap3A_269 = vector.shape_cast %add3A_264 : vector<16xf32> to vector<1x16xf32>
        tpu.vector_store %arg14[%swap3A_265, %swap3A_266], %swap3A_269 {strides = array<i32>} : memref<32x1024xf32, #tpu.memory_space<vmem>>, vector<1x16xf32>,
        %get3A_270 = arith.index_cast %scan3A_36 : i32 to index
        %get3A_271 = arith.constant 224 : index
        %get3A_272 = tpu.vector_load %arg12[%get3A_270, %get3A_271] {strides = array<i32>} : memref<32x1024xf32, #tpu.memory_space<vmem>>, vector<1x16xf32>,
        %get3A_273 = vector.shape_cast %get3A_272 : vector<1x16xf32> to vector<16xf32>
        %mul3A_274 = arith.mulf %get3A_41, %get3A_273 : vector<16xf32>
        %get3A_275 = arith.index_cast %scan3A_36 : i32 to index
        %get3A_276 = arith.constant 224 : index
        %get3A_277 = tpu.vector_load %arg13[%get3A_275, %get3A_276] {strides = array<i32>} : memref<32x1024xf32, #tpu.memory_space<vmem>>, vector<1x16xf32>,
        %get3A_278 = vector.shape_cast %get3A_277 : vector<1x16xf32> to vector<16xf32>
        %mul3A_279 = arith.mulf %get3A_46, %get3A_278 : vector<16xf32>
        %add3A_280 = arith.addf %mul3A_274, %mul3A_279 : vector<16xf32>
        %swap3A_281 = arith.index_cast %scan3A_36 : i32 to index
        %swap3A_282 = arith.constant 224 : index
        %swap3A_283 = tpu.vector_load %arg14[%swap3A_281, %swap3A_282] {strides = array<i32>} : memref<32x1024xf32, #tpu.memory_space<vmem>>, vector<1x16xf32>,
        %swap3A_284 = vector.shape_cast %swap3A_283 : vector<1x16xf32> to vector<16xf32>
        %swap3A_285 = vector.shape_cast %add3A_280 : vector<16xf32> to vector<1x16xf32>
        tpu.vector_store %arg14[%swap3A_281, %swap3A_282], %swap3A_285 {strides = array<i32>} : memref<32x1024xf32, #tpu.memory_space<vmem>>, vector<1x16xf32>,
        %get3A_286 = arith.index_cast %scan3A_36 : i32 to index
        %get3A_287 = arith.constant 240 : index
        %get3A_288 = tpu.vector_load %arg12[%get3A_286, %get3A_287] {strides = array<i32>} : memref<32x1024xf32, #tpu.memory_space<vmem>>, vector<1x16xf32>,
        %get3A_289 = vector.shape_cast %get3A_288 : vector<1x16xf32> to vector<16xf32>
        %mul3A_290 = arith.mulf %get3A_41, %get3A_289 : vector<16xf32>
        %get3A_291 = arith.index_cast %scan3A_36 : i32 to index
        %get3A_292 = arith.constant 240 : index
        %get3A_293 = tpu.vector_load %arg13[%get3A_291, %get3A_292] {strides = array<i32>} : memref<32x1024xf32, #tpu.memory_space<vmem>>, vector<1x16xf32>,
        %get3A_294 = vector.shape_cast %get3A_293 : vector<1x16xf32> to vector<16xf32>
        %mul3A_295 = arith.mulf %get3A_46, %get3A_294 : vector<16xf32>
        %add3A_296 = arith.addf %mul3A_290, %mul3A_295 : vector<16xf32>
        %swap3A_297 = arith.index_cast %scan3A_36 : i32 to index
        %swap3A_298 = arith.constant 240 : index
        %swap3A_299 = tpu.vector_load %arg14[%swap3A_297, %swap3A_298] {strides = array<i32>} : memref<32x1024xf32, #tpu.memory_space<vmem>>, vector<1x16xf32>,
        %swap3A_300 = vector.shape_cast %swap3A_299 : vector<1x16xf32> to vector<16xf32>
        %swap3A_301 = vector.shape_cast %add3A_296 : vector<16xf32> to vector<1x16xf32>
        tpu.vector_store %arg14[%swap3A_297, %swap3A_298], %swap3A_301 {strides = array<i32>} : memref<32x1024xf32, #tpu.memory_space<vmem>>, vector<1x16xf32>,
        %get3A_302 = arith.index_cast %scan3A_36 : i32 to index
        %get3A_303 = arith.constant 256 : index
        %get3A_304 = tpu.vector_load %arg12[%get3A_302, %get3A_303] {strides = array<i32>} : memref<32x1024xf32, #tpu.memory_space<vmem>>, vector<1x16xf32>,
        %get3A_305 = vector.shape_cast %get3A_304 : vector<1x16xf32> to vector<16xf32>
        %mul3A_306 = arith.mulf %get3A_41, %get3A_305 : vector<16xf32>
        %get3A_307 = arith.index_cast %scan3A_36 : i32 to index
        %get3A_308 = arith.constant 256 : index
        %get3A_309 = tpu.vector_load %arg13[%get3A_307, %get3A_308] {strides = array<i32>} : memref<32x1024xf32, #tpu.memory_space<vmem>>, vector<1x16xf32>,
        %get3A_310 = vector.shape_cast %get3A_309 : vector<1x16xf32> to vector<16xf32>
        %mul3A_311 = arith.mulf %get3A_46, %get3A_310 : vector<16xf32>
        %add3A_312 = arith.addf %mul3A_306, %mul3A_311 : vector<16xf32>
        %swap3A_313 = arith.index_cast %scan3A_36 : i32 to index
        %swap3A_314 = arith.constant 256 : index
        %swap3A_315 = tpu.vector_load %arg14[%swap3A_313, %swap3A_314] {strides = array<i32>} : memref<32x1024xf32, #tpu.memory_space<vmem>>, vector<1x16xf32>,
        %swap3A_316 = vector.shape_cast %swap3A_315 : vector<1x16xf32> to vector<16xf32>
        %swap3A_317 = vector.shape_cast %add3A_312 : vector<16xf32> to vector<1x16xf32>
        tpu.vector_store %arg14[%swap3A_313, %swap3A_314], %swap3A_317 {strides = array<i32>} : memref<32x1024xf32, #tpu.memory_space<vmem>>, vector<1x16xf32>,
        %get3A_318 = arith.index_cast %scan3A_36 : i32 to index
        %get3A_319 = arith.constant 272 : index
        %get3A_320 = tpu.vector_load %arg12[%get3A_318, %get3A_319] {strides = array<i32>} : memref<32x1024xf32, #tpu.memory_space<vmem>>, vector<1x16xf32>,
        %get3A_321 = vector.shape_cast %get3A_320 : vector<1x16xf32> to vector<16xf32>
        %mul3A_322 = arith.mulf %get3A_41, %get3A_321 : vector<16xf32>
        %get3A_323 = arith.index_cast %scan3A_36 : i32 to index
        %get3A_324 = arith.constant 272 : index
        %get3A_325 = tpu.vector_load %arg13[%get3A_323, %get3A_324] {strides = array<i32>} : memref<32x1024xf32, #tpu.memory_space<vmem>>, vector<1x16xf32>,
        %get3A_326 = vector.shape_cast %get3A_325 : vector<1x16xf32> to vector<16xf32>
        %mul3A_327 = arith.mulf %get3A_46, %get3A_326 : vector<16xf32>
        %add3A_328 = arith.addf %mul3A_322, %mul3A_327 : vector<16xf32>
        %swap3A_329 = arith.index_cast %scan3A_36 : i32 to index
        %swap3A_330 = arith.constant 272 : index
        %swap3A_331 = tpu.vector_load %arg14[%swap3A_329, %swap3A_330] {strides = array<i32>} : memref<32x1024xf32, #tpu.memory_space<vmem>>, vector<1x16xf32>,
        %swap3A_332 = vector.shape_cast %swap3A_331 : vector<1x16xf32> to vector<16xf32>
        %swap3A_333 = vector.shape_cast %add3A_328 : vector<16xf32> to vector<1x16xf32>
        tpu.vector_store %arg14[%swap3A_329, %swap3A_330], %swap3A_333 {strides = array<i32>} : memref<32x1024xf32, #tpu.memory_space<vmem>>, vector<1x16xf32>,
        %get3A_334 = arith.index_cast %scan3A_36 : i32 to index
        %get3A_335 = arith.constant 288 : index
        %get3A_336 = tpu.vector_load %arg12[%get3A_334, %get3A_335] {strides = array<i32>} : memref<32x1024xf32, #tpu.memory_space<vmem>>, vector<1x16xf32>,
        %get3A_337 = vector.shape_cast %get3A_336 : vector<1x16xf32> to vector<16xf32>
        %mul3A_338 = arith.mulf %get3A_41, %get3A_337 : vector<16xf32>
        %get3A_339 = arith.index_cast %scan3A_36 : i32 to index
        %get3A_340 = arith.constant 288 : index
        %get3A_341 = tpu.vector_load %arg13[%get3A_339, %get3A_340] {strides = array<i32>} : memref<32x1024xf32, #tpu.memory_space<vmem>>, vector<1x16xf32>,
        %get3A_342 = vector.shape_cast %get3A_341 : vector<1x16xf32> to vector<16xf32>
        %mul3A_343 = arith.mulf %get3A_46, %get3A_342 : vector<16xf32>
        %add3A_344 = arith.addf %mul3A_338, %mul3A_343 : vector<16xf32>
        %swap3A_345 = arith.index_cast %scan3A_36 : i32 to index
        %swap3A_346 = arith.constant 288 : index
        %swap3A_347 = tpu.vector_load %arg14[%swap3A_345, %swap3A_346] {strides = array<i32>} : memref<32x1024xf32, #tpu.memory_space<vmem>>, vector<1x16xf32>,
        %swap3A_348 = vector.shape_cast %swap3A_347 : vector<1x16xf32> to vector<16xf32>
        %swap3A_349 = vector.shape_cast %add3A_344 : vector<16xf32> to vector<1x16xf32>
        tpu.vector_store %arg14[%swap3A_345, %swap3A_346], %swap3A_349 {strides = array<i32>} : memref<32x1024xf32, #tpu.memory_space<vmem>>, vector<1x16xf32>,
        %get3A_350 = arith.index_cast %scan3A_36 : i32 to index
        %get3A_351 = arith.constant 304 : index
        %get3A_352 = tpu.vector_load %arg12[%get3A_350, %get3A_351] {strides = array<i32>} : memref<32x1024xf32, #tpu.memory_space<vmem>>, vector<1x16xf32>,
        %get3A_353 = vector.shape_cast %get3A_352 : vector<1x16xf32> to vector<16xf32>
        %mul3A_354 = arith.mulf %get3A_41, %get3A_353 : vector<16xf32>
        %get3A_355 = arith.index_cast %scan3A_36 : i32 to index
        %get3A_356 = arith.constant 304 : index
        %get3A_357 = tpu.vector_load %arg13[%get3A_355, %get3A_356] {strides = array<i32>} : memref<32x1024xf32, #tpu.memory_space<vmem>>, vector<1x16xf32>,
        %get3A_358 = vector.shape_cast %get3A_357 : vector<1x16xf32> to vector<16xf32>
        %mul3A_359 = arith.mulf %get3A_46, %get3A_358 : vector<16xf32>
        %add3A_360 = arith.addf %mul3A_354, %mul3A_359 : vector<16xf32>
        %swap3A_361 = arith.index_cast %scan3A_36 : i32 to index
        %swap3A_362 = arith.constant 304 : index
        %swap3A_363 = tpu.vector_load %arg14[%swap3A_361, %swap3A_362] {strides = array<i32>} : memref<32x1024xf32, #tpu.memory_space<vmem>>, vector<1x16xf32>,
        %swap3A_364 = vector.shape_cast %swap3A_363 : vector<1x16xf32> to vector<16xf32>
        %swap3A_365 = vector.shape_cast %add3A_360 : vector<16xf32> to vector<1x16xf32>
        tpu.vector_store %arg14[%swap3A_361, %swap3A_362], %swap3A_365 {strides = array<i32>} : memref<32x1024xf32, #tpu.memory_space<vmem>>, vector<1x16xf32>,
        %get3A_366 = arith.index_cast %scan3A_36 : i32 to index
        %get3A_367 = arith.constant 320 : index
        %get3A_368 = tpu.vector_load %arg12[%get3A_366, %get3A_367] {strides = array<i32>} : memref<32x1024xf32, #tpu.memory_space<vmem>>, vector<1x16xf32>,
        %get3A_369 = vector.shape_cast %get3A_368 : vector<1x16xf32> to vector<16xf32>
        %mul3A_370 = arith.mulf %get3A_41, %get3A_369 : vector<16xf32>
        %get3A_371 = arith.index_cast %scan3A_36 : i32 to index
        %get3A_372 = arith.constant 320 : index
        %get3A_373 = tpu.vector_load %arg13[%get3A_371, %get3A_372] {strides = array<i32>} : memref<32x1024xf32, #tpu.memory_space<vmem>>, vector<1x16xf32>,
        %get3A_374 = vector.shape_cast %get3A_373 : vector<1x16xf32> to vector<16xf32>
        %mul3A_375 = arith.mulf %get3A_46, %get3A_374 : vector<16xf32>
        %add3A_376 = arith.addf %mul3A_370, %mul3A_375 : vector<16xf32>
        %swap3A_377 = arith.index_cast %scan3A_36 : i32 to index
        %swap3A_378 = arith.constant 320 : index
        %swap3A_379 = tpu.vector_load %arg14[%swap3A_377, %swap3A_378] {strides = array<i32>} : memref<32x1024xf32, #tpu.memory_space<vmem>>, vector<1x16xf32>,
        %swap3A_380 = vector.shape_cast %swap3A_379 : vector<1x16xf32> to vector<16xf32>
        %swap3A_381 = vector.shape_cast %add3A_376 : vector<16xf32> to vector<1x16xf32>
        tpu.vector_store %arg14[%swap3A_377, %swap3A_378], %swap3A_381 {strides = array<i32>} : memref<32x1024xf32, #tpu.memory_space<vmem>>, vector<1x16xf32>,
        %get3A_382 = arith.index_cast %scan3A_36 : i32 to index
        %get3A_383 = arith.constant 336 : index
        %get3A_384 = tpu.vector_load %arg12[%get3A_382, %get3A_383] {strides = array<i32>} : memref<32x1024xf32, #tpu.memory_space<vmem>>, vector<1x16xf32>,
        %get3A_385 = vector.shape_cast %get3A_384 : vector<1x16xf32> to vector<16xf32>
        %mul3A_386 = arith.mulf %get3A_41, %get3A_385 : vector<16xf32>
        %get3A_387 = arith.index_cast %scan3A_36 : i32 to index
        %get3A_388 = arith.constant 336 : index
        %get3A_389 = tpu.vector_load %arg13[%get3A_387, %get3A_388] {strides = array<i32>} : memref<32x1024xf32, #tpu.memory_space<vmem>>, vector<1x16xf32>,
        %get3A_390 = vector.shape_cast %get3A_389 : vector<1x16xf32> to vector<16xf32>
        %mul3A_391 = arith.mulf %get3A_46, %get3A_390 : vector<16xf32>
        %add3A_392 = arith.addf %mul3A_386, %mul3A_391 : vector<16xf32>
        %swap3A_393 = arith.index_cast %scan3A_36 : i32 to index
        %swap3A_394 = arith.constant 336 : index
        %swap3A_395 = tpu.vector_load %arg14[%swap3A_393, %swap3A_394] {strides = array<i32>} : memref<32x1024xf32, #tpu.memory_space<vmem>>, vector<1x16xf32>,
        %swap3A_396 = vector.shape_cast %swap3A_395 : vector<1x16xf32> to vector<16xf32>
        %swap3A_397 = vector.shape_cast %add3A_392 : vector<16xf32> to vector<1x16xf32>
        tpu.vector_store %arg14[%swap3A_393, %swap3A_394], %swap3A_397 {strides = array<i32>} : memref<32x1024xf32, #tpu.memory_space<vmem>>, vector<1x16xf32>,
        %get3A_398 = arith.index_cast %scan3A_36 : i32 to index
        %get3A_399 = arith.constant 352 : index
        %get3A_400 = tpu.vector_load %arg12[%get3A_398, %get3A_399] {strides = array<i32>} : memref<32x1024xf32, #tpu.memory_space<vmem>>, vector<1x16xf32>,
        %get3A_401 = vector.shape_cast %get3A_400 : vector<1x16xf32> to vector<16xf32>
        %mul3A_402 = arith.mulf %get3A_41, %get3A_401 : vector<16xf32>
        %get3A_403 = arith.index_cast %scan3A_36 : i32 to index
        %get3A_404 = arith.constant 352 : index
        %get3A_405 = tpu.vector_load %arg13[%get3A_403, %get3A_404] {strides = array<i32>} : memref<32x1024xf32, #tpu.memory_space<vmem>>, vector<1x16xf32>,
        %get3A_406 = vector.shape_cast %get3A_405 : vector<1x16xf32> to vector<16xf32>
        %mul3A_407 = arith.mulf %get3A_46, %get3A_406 : vector<16xf32>
        %add3A_408 = arith.addf %mul3A_402, %mul3A_407 : vector<16xf32>
        %swap3A_409 = arith.index_cast %scan3A_36 : i32 to index
        %swap3A_410 = arith.constant 352 : index
        %swap3A_411 = tpu.vector_load %arg14[%swap3A_409, %swap3A_410] {strides = array<i32>} : memref<32x1024xf32, #tpu.memory_space<vmem>>, vector<1x16xf32>,
        %swap3A_412 = vector.shape_cast %swap3A_411 : vector<1x16xf32> to vector<16xf32>
        %swap3A_413 = vector.shape_cast %add3A_408 : vector<16xf32> to vector<1x16xf32>
        tpu.vector_store %arg14[%swap3A_409, %swap3A_410], %swap3A_413 {strides = array<i32>} : memref<32x1024xf32, #tpu.memory_space<vmem>>, vector<1x16xf32>,
        %get3A_414 = arith.index_cast %scan3A_36 : i32 to index
        %get3A_415 = arith.constant 368 : index
        %get3A_416 = tpu.vector_load %arg12[%get3A_414, %get3A_415] {strides = array<i32>} : memref<32x1024xf32, #tpu.memory_space<vmem>>, vector<1x16xf32>,
        %get3A_417 = vector.shape_cast %get3A_416 : vector<1x16xf32> to vector<16xf32>
        %mul3A_418 = arith.mulf %get3A_41, %get3A_417 : vector<16xf32>
        %get3A_419 = arith.index_cast %scan3A_36 : i32 to index
        %get3A_420 = arith.constant 368 : index
        %get3A_421 = tpu.vector_load %arg13[%get3A_419, %get3A_420] {strides = array<i32>} : memref<32x1024xf32, #tpu.memory_space<vmem>>, vector<1x16xf32>,
        %get3A_422 = vector.shape_cast %get3A_421 : vector<1x16xf32> to vector<16xf32>
        %mul3A_423 = arith.mulf %get3A_46, %get3A_422 : vector<16xf32>
        %add3A_424 = arith.addf %mul3A_418, %mul3A_423 : vector<16xf32>
        %swap3A_425 = arith.index_cast %scan3A_36 : i32 to index
        %swap3A_426 = arith.constant 368 : index
        %swap3A_427 = tpu.vector_load %arg14[%swap3A_425, %swap3A_426] {strides = array<i32>} : memref<32x1024xf32, #tpu.memory_space<vmem>>, vector<1x16xf32>,
        %swap3A_428 = vector.shape_cast %swap3A_427 : vector<1x16xf32> to vector<16xf32>
        %swap3A_429 = vector.shape_cast %add3A_424 : vector<16xf32> to vector<1x16xf32>
        tpu.vector_store %arg14[%swap3A_425, %swap3A_426], %swap3A_429 {strides = array<i32>} : memref<32x1024xf32, #tpu.memory_space<vmem>>, vector<1x16xf32>,
        %get3A_430 = arith.index_cast %scan3A_36 : i32 to index
        %get3A_431 = arith.constant 384 : index
        %get3A_432 = tpu.vector_load %arg12[%get3A_430, %get3A_431] {strides = array<i32>} : memref<32x1024xf32, #tpu.memory_space<vmem>>, vector<1x16xf32>,
        %get3A_433 = vector.shape_cast %get3A_432 : vector<1x16xf32> to vector<16xf32>
        %mul3A_434 = arith.mulf %get3A_41, %get3A_433 : vector<16xf32>
        %get3A_435 = arith.index_cast %scan3A_36 : i32 to index
        %get3A_436 = arith.constant 384 : index
        %get3A_437 = tpu.vector_load %arg13[%get3A_435, %get3A_436] {strides = array<i32>} : memref<32x1024xf32, #tpu.memory_space<vmem>>, vector<1x16xf32>,
        %get3A_438 = vector.shape_cast %get3A_437 : vector<1x16xf32> to vector<16xf32>
        %mul3A_439 = arith.mulf %get3A_46, %get3A_438 : vector<16xf32>
        %add3A_440 = arith.addf %mul3A_434, %mul3A_439 : vector<16xf32>
        %swap3A_441 = arith.index_cast %scan3A_36 : i32 to index
        %swap3A_442 = arith.constant 384 : index
        %swap3A_443 = tpu.vector_load %arg14[%swap3A_441, %swap3A_442] {strides = array<i32>} : memref<32x1024xf32, #tpu.memory_space<vmem>>, vector<1x16xf32>,
        %swap3A_444 = vector.shape_cast %swap3A_443 : vector<1x16xf32> to vector<16xf32>
        %swap3A_445 = vector.shape_cast %add3A_440 : vector<16xf32> to vector<1x16xf32>
        tpu.vector_store %arg14[%swap3A_441, %swap3A_442], %swap3A_445 {strides = array<i32>} : memref<32x1024xf32, #tpu.memory_space<vmem>>, vector<1x16xf32>,
        %get3A_446 = arith.index_cast %scan3A_36 : i32 to index
        %get3A_447 = arith.constant 400 : index
        %get3A_448 = tpu.vector_load %arg12[%get3A_446, %get3A_447] {strides = array<i32>} : memref<32x1024xf32, #tpu.memory_space<vmem>>, vector<1x16xf32>,
        %get3A_449 = vector.shape_cast %get3A_448 : vector<1x16xf32> to vector<16xf32>
        %mul3A_450 = arith.mulf %get3A_41, %get3A_449 : vector<16xf32>
        %get3A_451 = arith.index_cast %scan3A_36 : i32 to index
        %get3A_452 = arith.constant 400 : index
        %get3A_453 = tpu.vector_load %arg13[%get3A_451, %get3A_452] {strides = array<i32>} : memref<32x1024xf32, #tpu.memory_space<vmem>>, vector<1x16xf32>,
        %get3A_454 = vector.shape_cast %get3A_453 : vector<1x16xf32> to vector<16xf32>
        %mul3A_455 = arith.mulf %get3A_46, %get3A_454 : vector<16xf32>
        %add3A_456 = arith.addf %mul3A_450, %mul3A_455 : vector<16xf32>
        %swap3A_457 = arith.index_cast %scan3A_36 : i32 to index
        %swap3A_458 = arith.constant 400 : index
        %swap3A_459 = tpu.vector_load %arg14[%swap3A_457, %swap3A_458] {strides = array<i32>} : memref<32x1024xf32, #tpu.memory_space<vmem>>, vector<1x16xf32>,
        %swap3A_460 = vector.shape_cast %swap3A_459 : vector<1x16xf32> to vector<16xf32>
        %swap3A_461 = vector.shape_cast %add3A_456 : vector<16xf32> to vector<1x16xf32>
        tpu.vector_store %arg14[%swap3A_457, %swap3A_458], %swap3A_461 {strides = array<i32>} : memref<32x1024xf32, #tpu.memory_space<vmem>>, vector<1x16xf32>,
        %get3A_462 = arith.index_cast %scan3A_36 : i32 to index
        %get3A_463 = arith.constant 416 : index
        %get3A_464 = tpu.vector_load %arg12[%get3A_462, %get3A_463] {strides = array<i32>} : memref<32x1024xf32, #tpu.memory_space<vmem>>, vector<1x16xf32>,
        %get3A_465 = vector.shape_cast %get3A_464 : vector<1x16xf32> to vector<16xf32>
        %mul3A_466 = arith.mulf %get3A_41, %get3A_465 : vector<16xf32>
        %get3A_467 = arith.index_cast %scan3A_36 : i32 to index
        %get3A_468 = arith.constant 416 : index
        %get3A_469 = tpu.vector_load %arg13[%get3A_467, %get3A_468] {strides = array<i32>} : memref<32x1024xf32, #tpu.memory_space<vmem>>, vector<1x16xf32>,
        %get3A_470 = vector.shape_cast %get3A_469 : vector<1x16xf32> to vector<16xf32>
        %mul3A_471 = arith.mulf %get3A_46, %get3A_470 : vector<16xf32>
        %add3A_472 = arith.addf %mul3A_466, %mul3A_471 : vector<16xf32>
        %swap3A_473 = arith.index_cast %scan3A_36 : i32 to index
        %swap3A_474 = arith.constant 416 : index
        %swap3A_475 = tpu.vector_load %arg14[%swap3A_473, %swap3A_474] {strides = array<i32>} : memref<32x1024xf32, #tpu.memory_space<vmem>>, vector<1x16xf32>,
        %swap3A_476 = vector.shape_cast %swap3A_475 : vector<1x16xf32> to vector<16xf32>
        %swap3A_477 = vector.shape_cast %add3A_472 : vector<16xf32> to vector<1x16xf32>
        tpu.vector_store %arg14[%swap3A_473, %swap3A_474], %swap3A_477 {strides = array<i32>} : memref<32x1024xf32, #tpu.memory_space<vmem>>, vector<1x16xf32>,
        %get3A_478 = arith.index_cast %scan3A_36 : i32 to index
        %get3A_479 = arith.constant 432 : index
        %get3A_480 = tpu.vector_load %arg12[%get3A_478, %get3A_479] {strides = array<i32>} : memref<32x1024xf32, #tpu.memory_space<vmem>>, vector<1x16xf32>,
        %get3A_481 = vector.shape_cast %get3A_480 : vector<1x16xf32> to vector<16xf32>
        %mul3A_482 = arith.mulf %get3A_41, %get3A_481 : vector<16xf32>
        %get3A_483 = arith.index_cast %scan3A_36 : i32 to index
        %get3A_484 = arith.constant 432 : index
        %get3A_485 = tpu.vector_load %arg13[%get3A_483, %get3A_484] {strides = array<i32>} : memref<32x1024xf32, #tpu.memory_space<vmem>>, vector<1x16xf32>,
        %get3A_486 = vector.shape_cast %get3A_485 : vector<1x16xf32> to vector<16xf32>
        %mul3A_487 = arith.mulf %get3A_46, %get3A_486 : vector<16xf32>
        %add3A_488 = arith.addf %mul3A_482, %mul3A_487 : vector<16xf32>
        %swap3A_489 = arith.index_cast %scan3A_36 : i32 to index
        %swap3A_490 = arith.constant 432 : index
        %swap3A_491 = tpu.vector_load %arg14[%swap3A_489, %swap3A_490] {strides = array<i32>} : memref<32x1024xf32, #tpu.memory_space<vmem>>, vector<1x16xf32>,
        %swap3A_492 = vector.shape_cast %swap3A_491 : vector<1x16xf32> to vector<16xf32>
        %swap3A_493 = vector.shape_cast %add3A_488 : vector<16xf32> to vector<1x16xf32>
        tpu.vector_store %arg14[%swap3A_489, %swap3A_490], %swap3A_493 {strides = array<i32>} : memref<32x1024xf32, #tpu.memory_space<vmem>>, vector<1x16xf32>,
        %get3A_494 = arith.index_cast %scan3A_36 : i32 to index
        %get3A_495 = arith.constant 448 : index
        %get3A_496 = tpu.vector_load %arg12[%get3A_494, %get3A_495] {strides = array<i32>} : memref<32x1024xf32, #tpu.memory_space<vmem>>, vector<1x16xf32>,
        %get3A_497 = vector.shape_cast %get3A_496 : vector<1x16xf32> to vector<16xf32>
        %mul3A_498 = arith.mulf %get3A_41, %get3A_497 : vector<16xf32>
        %get3A_499 = arith.index_cast %scan3A_36 : i32 to index
        %get3A_500 = arith.constant 448 : index
        %get3A_501 = tpu.vector_load %arg13[%get3A_499, %get3A_500] {strides = array<i32>} : memref<32x1024xf32, #tpu.memory_space<vmem>>, vector<1x16xf32>,
        %get3A_502 = vector.shape_cast %get3A_501 : vector<1x16xf32> to vector<16xf32>
        %mul3A_503 = arith.mulf %get3A_46, %get3A_502 : vector<16xf32>
        %add3A_504 = arith.addf %mul3A_498, %mul3A_503 : vector<16xf32>
        %swap3A_505 = arith.index_cast %scan3A_36 : i32 to index
        %swap3A_506 = arith.constant 448 : index
        %swap3A_507 = tpu.vector_load %arg14[%swap3A_505, %swap3A_506] {strides = array<i32>} : memref<32x1024xf32, #tpu.memory_space<vmem>>, vector<1x16xf32>,
        %swap3A_508 = vector.shape_cast %swap3A_507 : vector<1x16xf32> to vector<16xf32>
        %swap3A_509 = vector.shape_cast %add3A_504 : vector<16xf32> to vector<1x16xf32>
        tpu.vector_store %arg14[%swap3A_505, %swap3A_506], %swap3A_509 {strides = array<i32>} : memref<32x1024xf32, #tpu.memory_space<vmem>>, vector<1x16xf32>,
        %get3A_510 = arith.index_cast %scan3A_36 : i32 to index
        %get3A_511 = arith.constant 464 : index
        %get3A_512 = tpu.vector_load %arg12[%get3A_510, %get3A_511] {strides = array<i32>} : memref<32x1024xf32, #tpu.memory_space<vmem>>, vector<1x16xf32>,
        %get3A_513 = vector.shape_cast %get3A_512 : vector<1x16xf32> to vector<16xf32>
        %mul3A_514 = arith.mulf %get3A_41, %get3A_513 : vector<16xf32>
        %get3A_515 = arith.index_cast %scan3A_36 : i32 to index
        %get3A_516 = arith.constant 464 : index
        %get3A_517 = tpu.vector_load %arg13[%get3A_515, %get3A_516] {strides = array<i32>} : memref<32x1024xf32, #tpu.memory_space<vmem>>, vector<1x16xf32>,
        %get3A_518 = vector.shape_cast %get3A_517 : vector<1x16xf32> to vector<16xf32>
        %mul3A_519 = arith.mulf %get3A_46, %get3A_518 : vector<16xf32>
        %add3A_520 = arith.addf %mul3A_514, %mul3A_519 : vector<16xf32>
        %swap3A_521 = arith.index_cast %scan3A_36 : i32 to index
        %swap3A_522 = arith.constant 464 : index
        %swap3A_523 = tpu.vector_load %arg14[%swap3A_521, %swap3A_522] {strides = array<i32>} : memref<32x1024xf32, #tpu.memory_space<vmem>>, vector<1x16xf32>,
        %swap3A_524 = vector.shape_cast %swap3A_523 : vector<1x16xf32> to vector<16xf32>
        %swap3A_525 = vector.shape_cast %add3A_520 : vector<16xf32> to vector<1x16xf32>
        tpu.vector_store %arg14[%swap3A_521, %swap3A_522], %swap3A_525 {strides = array<i32>} : memref<32x1024xf32, #tpu.memory_space<vmem>>, vector<1x16xf32>,
        %get3A_526 = arith.index_cast %scan3A_36 : i32 to index
        %get3A_527 = arith.constant 480 : index
        %get3A_528 = tpu.vector_load %arg12[%get3A_526, %get3A_527] {strides = array<i32>} : memref<32x1024xf32, #tpu.memory_space<vmem>>, vector<1x16xf32>,
        %get3A_529 = vector.shape_cast %get3A_528 : vector<1x16xf32> to vector<16xf32>
        %mul3A_530 = arith.mulf %get3A_41, %get3A_529 : vector<16xf32>
        %get3A_531 = arith.index_cast %scan3A_36 : i32 to index
        %get3A_532 = arith.constant 480 : index
        %get3A_533 = tpu.vector_load %arg13[%get3A_531, %get3A_532] {strides = array<i32>} : memref<32x1024xf32, #tpu.memory_space<vmem>>, vector<1x16xf32>,
        %get3A_534 = vector.shape_cast %get3A_533 : vector<1x16xf32> to vector<16xf32>
        %mul3A_535 = arith.mulf %get3A_46, %get3A_534 : vector<16xf32>
        %add3A_536 = arith.addf %mul3A_530, %mul3A_535 : vector<16xf32>
        %swap3A_537 = arith.index_cast %scan3A_36 : i32 to index
        %swap3A_538 = arith.constant 480 : index
        %swap3A_539 = tpu.vector_load %arg14[%swap3A_537, %swap3A_538] {strides = array<i32>} : memref<32x1024xf32, #tpu.memory_space<vmem>>, vector<1x16xf32>,
        %swap3A_540 = vector.shape_cast %swap3A_539 : vector<1x16xf32> to vector<16xf32>
        %swap3A_541 = vector.shape_cast %add3A_536 : vector<16xf32> to vector<1x16xf32>
        tpu.vector_store %arg14[%swap3A_537, %swap3A_538], %swap3A_541 {strides = array<i32>} : memref<32x1024xf32, #tpu.memory_space<vmem>>, vector<1x16xf32>,
        %get3A_542 = arith.index_cast %scan3A_36 : i32 to index
        %get3A_543 = arith.constant 496 : index
        %get3A_544 = tpu.vector_load %arg12[%get3A_542, %get3A_543] {strides = array<i32>} : memref<32x1024xf32, #tpu.memory_space<vmem>>, vector<1x16xf32>,
        %get3A_545 = vector.shape_cast %get3A_544 : vector<1x16xf32> to vector<16xf32>
        %mul3A_546 = arith.mulf %get3A_41, %get3A_545 : vector<16xf32>
        %get3A_547 = arith.index_cast %scan3A_36 : i32 to index
        %get3A_548 = arith.constant 496 : index
        %get3A_549 = tpu.vector_load %arg13[%get3A_547, %get3A_548] {strides = array<i32>} : memref<32x1024xf32, #tpu.memory_space<vmem>>, vector<1x16xf32>,
        %get3A_550 = vector.shape_cast %get3A_549 : vector<1x16xf32> to vector<16xf32>
        %mul3A_551 = arith.mulf %get3A_46, %get3A_550 : vector<16xf32>
        %add3A_552 = arith.addf %mul3A_546, %mul3A_551 : vector<16xf32>
        %swap3A_553 = arith.index_cast %scan3A_36 : i32 to index
        %swap3A_554 = arith.constant 496 : index
        %swap3A_555 = tpu.vector_load %arg14[%swap3A_553, %swap3A_554] {strides = array<i32>} : memref<32x1024xf32, #tpu.memory_space<vmem>>, vector<1x16xf32>,
        %swap3A_556 = vector.shape_cast %swap3A_555 : vector<1x16xf32> to vector<16xf32>
        %swap3A_557 = vector.shape_cast %add3A_552 : vector<16xf32> to vector<1x16xf32>
        tpu.vector_store %arg14[%swap3A_553, %swap3A_554], %swap3A_557 {strides = array<i32>} : memref<32x1024xf32, #tpu.memory_space<vmem>>, vector<1x16xf32>,
        %get3A_558 = arith.index_cast %scan3A_36 : i32 to index
        %get3A_559 = arith.constant 512 : index
        %get3A_560 = tpu.vector_load %arg12[%get3A_558, %get3A_559] {strides = array<i32>} : memref<32x1024xf32, #tpu.memory_space<vmem>>, vector<1x16xf32>,
        %get3A_561 = vector.shape_cast %get3A_560 : vector<1x16xf32> to vector<16xf32>
        %mul3A_562 = arith.mulf %get3A_41, %get3A_561 : vector<16xf32>
        %get3A_563 = arith.index_cast %scan3A_36 : i32 to index
        %get3A_564 = arith.constant 512 : index
        %get3A_565 = tpu.vector_load %arg13[%get3A_563, %get3A_564] {strides = array<i32>} : memref<32x1024xf32, #tpu.memory_space<vmem>>, vector<1x16xf32>,
        %get3A_566 = vector.shape_cast %get3A_565 : vector<1x16xf32> to vector<16xf32>
        %mul3A_567 = arith.mulf %get3A_46, %get3A_566 : vector<16xf32>
        %add3A_568 = arith.addf %mul3A_562, %mul3A_567 : vector<16xf32>
        %swap3A_569 = arith.index_cast %scan3A_36 : i32 to index
        %swap3A_570 = arith.constant 512 : index
        %swap3A_571 = tpu.vector_load %arg14[%swap3A_569, %swap3A_570] {strides = array<i32>} : memref<32x1024xf32, #tpu.memory_space<vmem>>, vector<1x16xf32>,
        %swap3A_572 = vector.shape_cast %swap3A_571 : vector<1x16xf32> to vector<16xf32>
        %swap3A_573 = vector.shape_cast %add3A_568 : vector<16xf32> to vector<1x16xf32>
        tpu.vector_store %arg14[%swap3A_569, %swap3A_570], %swap3A_573 {strides = array<i32>} : memref<32x1024xf32, #tpu.memory_space<vmem>>, vector<1x16xf32>,
        %get3A_574 = arith.index_cast %scan3A_36 : i32 to index
        %get3A_575 = arith.constant 528 : index
        %get3A_576 = tpu.vector_load %arg12[%get3A_574, %get3A_575] {strides = array<i32>} : memref<32x1024xf32, #tpu.memory_space<vmem>>, vector<1x16xf32>,
        %get3A_577 = vector.shape_cast %get3A_576 : vector<1x16xf32> to vector<16xf32>
        %mul3A_578 = arith.mulf %get3A_41, %get3A_577 : vector<16xf32>
        %get3A_579 = arith.index_cast %scan3A_36 : i32 to index
        %get3A_580 = arith.constant 528 : index
        %get3A_581 = tpu.vector_load %arg13[%get3A_579, %get3A_580] {strides = array<i32>} : memref<32x1024xf32, #tpu.memory_space<vmem>>, vector<1x16xf32>,
        %get3A_582 = vector.shape_cast %get3A_581 : vector<1x16xf32> to vector<16xf32>
        %mul3A_583 = arith.mulf %get3A_46, %get3A_582 : vector<16xf32>
        %add3A_584 = arith.addf %mul3A_578, %mul3A_583 : vector<16xf32>
        %swap3A_585 = arith.index_cast %scan3A_36 : i32 to index
        %swap3A_586 = arith.constant 528 : index
        %swap3A_587 = tpu.vector_load %arg14[%swap3A_585, %swap3A_586] {strides = array<i32>} : memref<32x1024xf32, #tpu.memory_space<vmem>>, vector<1x16xf32>,
        %swap3A_588 = vector.shape_cast %swap3A_587 : vector<1x16xf32> to vector<16xf32>
        %swap3A_589 = vector.shape_cast %add3A_584 : vector<16xf32> to vector<1x16xf32>
        tpu.vector_store %arg14[%swap3A_585, %swap3A_586], %swap3A_589 {strides = array<i32>} : memref<32x1024xf32, #tpu.memory_space<vmem>>, vector<1x16xf32>,
        %get3A_590 = arith.index_cast %scan3A_36 : i32 to index
        %get3A_591 = arith.constant 544 : index
        %get3A_592 = tpu.vector_load %arg12[%get3A_590, %get3A_591] {strides = array<i32>} : memref<32x1024xf32, #tpu.memory_space<vmem>>, vector<1x16xf32>,
        %get3A_593 = vector.shape_cast %get3A_592 : vector<1x16xf32> to vector<16xf32>
        %mul3A_594 = arith.mulf %get3A_41, %get3A_593 : vector<16xf32>
        %get3A_595 = arith.index_cast %scan3A_36 : i32 to index
        %get3A_596 = arith.constant 544 : index
        %get3A_597 = tpu.vector_load %arg13[%get3A_595, %get3A_596] {strides = array<i32>} : memref<32x1024xf32, #tpu.memory_space<vmem>>, vector<1x16xf32>,
        %get3A_598 = vector.shape_cast %get3A_597 : vector<1x16xf32> to vector<16xf32>
        %mul3A_599 = arith.mulf %get3A_46, %get3A_598 : vector<16xf32>
        %add3A_600 = arith.addf %mul3A_594, %mul3A_599 : vector<16xf32>
        %swap3A_601 = arith.index_cast %scan3A_36 : i32 to index
        %swap3A_602 = arith.constant 544 : index
        %swap3A_603 = tpu.vector_load %arg14[%swap3A_601, %swap3A_602] {strides = array<i32>} : memref<32x1024xf32, #tpu.memory_space<vmem>>, vector<1x16xf32>,
        %swap3A_604 = vector.shape_cast %swap3A_603 : vector<1x16xf32> to vector<16xf32>
        %swap3A_605 = vector.shape_cast %add3A_600 : vector<16xf32> to vector<1x16xf32>
        tpu.vector_store %arg14[%swap3A_601, %swap3A_602], %swap3A_605 {strides = array<i32>} : memref<32x1024xf32, #tpu.memory_space<vmem>>, vector<1x16xf32>,
        %get3A_606 = arith.index_cast %scan3A_36 : i32 to index
        %get3A_607 = arith.constant 560 : index
        %get3A_608 = tpu.vector_load %arg12[%get3A_606, %get3A_607] {strides = array<i32>} : memref<32x1024xf32, #tpu.memory_space<vmem>>, vector<1x16xf32>,
        %get3A_609 = vector.shape_cast %get3A_608 : vector<1x16xf32> to vector<16xf32>
        %mul3A_610 = arith.mulf %get3A_41, %get3A_609 : vector<16xf32>
        %get3A_611 = arith.index_cast %scan3A_36 : i32 to index
        %get3A_612 = arith.constant 560 : index
        %get3A_613 = tpu.vector_load %arg13[%get3A_611, %get3A_612] {strides = array<i32>} : memref<32x1024xf32, #tpu.memory_space<vmem>>, vector<1x16xf32>,
        %get3A_614 = vector.shape_cast %get3A_613 : vector<1x16xf32> to vector<16xf32>
        %mul3A_615 = arith.mulf %get3A_46, %get3A_614 : vector<16xf32>
        %add3A_616 = arith.addf %mul3A_610, %mul3A_615 : vector<16xf32>
        %swap3A_617 = arith.index_cast %scan3A_36 : i32 to index
        %swap3A_618 = arith.constant 560 : index
        %swap3A_619 = tpu.vector_load %arg14[%swap3A_617, %swap3A_618] {strides = array<i32>} : memref<32x1024xf32, #tpu.memory_space<vmem>>, vector<1x16xf32>,
        %swap3A_620 = vector.shape_cast %swap3A_619 : vector<1x16xf32> to vector<16xf32>
        %swap3A_621 = vector.shape_cast %add3A_616 : vector<16xf32> to vector<1x16xf32>
        tpu.vector_store %arg14[%swap3A_617, %swap3A_618], %swap3A_621 {strides = array<i32>} : memref<32x1024xf32, #tpu.memory_space<vmem>>, vector<1x16xf32>,
        %get3A_622 = arith.index_cast %scan3A_36 : i32 to index
        %get3A_623 = arith.constant 576 : index
        %get3A_624 = tpu.vector_load %arg12[%get3A_622, %get3A_623] {strides = array<i32>} : memref<32x1024xf32, #tpu.memory_space<vmem>>, vector<1x16xf32>,
        %get3A_625 = vector.shape_cast %get3A_624 : vector<1x16xf32> to vector<16xf32>
        %mul3A_626 = arith.mulf %get3A_41, %get3A_625 : vector<16xf32>
        %get3A_627 = arith.index_cast %scan3A_36 : i32 to index
        %get3A_628 = arith.constant 576 : index
        %get3A_629 = tpu.vector_load %arg13[%get3A_627, %get3A_628] {strides = array<i32>} : memref<32x1024xf32, #tpu.memory_space<vmem>>, vector<1x16xf32>,
        %get3A_630 = vector.shape_cast %get3A_629 : vector<1x16xf32> to vector<16xf32>
        %mul3A_631 = arith.mulf %get3A_46, %get3A_630 : vector<16xf32>
        %add3A_632 = arith.addf %mul3A_626, %mul3A_631 : vector<16xf32>
        %swap3A_633 = arith.index_cast %scan3A_36 : i32 to index
        %swap3A_634 = arith.constant 576 : index
        %swap3A_635 = tpu.vector_load %arg14[%swap3A_633, %swap3A_634] {strides = array<i32>} : memref<32x1024xf32, #tpu.memory_space<vmem>>, vector<1x16xf32>,
        %swap3A_636 = vector.shape_cast %swap3A_635 : vector<1x16xf32> to vector<16xf32>
        %swap3A_637 = vector.shape_cast %add3A_632 : vector<16xf32> to vector<1x16xf32>
        tpu.vector_store %arg14[%swap3A_633, %swap3A_634], %swap3A_637 {strides = array<i32>} : memref<32x1024xf32, #tpu.memory_space<vmem>>, vector<1x16xf32>,
        %get3A_638 = arith.index_cast %scan3A_36 : i32 to index
        %get3A_639 = arith.constant 592 : index
        %get3A_640 = tpu.vector_load %arg12[%get3A_638, %get3A_639] {strides = array<i32>} : memref<32x1024xf32, #tpu.memory_space<vmem>>, vector<1x16xf32>,
        %get3A_641 = vector.shape_cast %get3A_640 : vector<1x16xf32> to vector<16xf32>
        %mul3A_642 = arith.mulf %get3A_41, %get3A_641 : vector<16xf32>
        %get3A_643 = arith.index_cast %scan3A_36 : i32 to index
        %get3A_644 = arith.constant 592 : index
        %get3A_645 = tpu.vector_load %arg13[%get3A_643, %get3A_644] {strides = array<i32>} : memref<32x1024xf32, #tpu.memory_space<vmem>>, vector<1x16xf32>,
        %get3A_646 = vector.shape_cast %get3A_645 : vector<1x16xf32> to vector<16xf32>
        %mul3A_647 = arith.mulf %get3A_46, %get3A_646 : vector<16xf32>
        %add3A_648 = arith.addf %mul3A_642, %mul3A_647 : vector<16xf32>
        %swap3A_649 = arith.index_cast %scan3A_36 : i32 to index
        %swap3A_650 = arith.constant 592 : index
        %swap3A_651 = tpu.vector_load %arg14[%swap3A_649, %swap3A_650] {strides = array<i32>} : memref<32x1024xf32, #tpu.memory_space<vmem>>, vector<1x16xf32>,
        %swap3A_652 = vector.shape_cast %swap3A_651 : vector<1x16xf32> to vector<16xf32>
        %swap3A_653 = vector.shape_cast %add3A_648 : vector<16xf32> to vector<1x16xf32>
        tpu.vector_store %arg14[%swap3A_649, %swap3A_650], %swap3A_653 {strides = array<i32>} : memref<32x1024xf32, #tpu.memory_space<vmem>>, vector<1x16xf32>,
        %get3A_654 = arith.index_cast %scan3A_36 : i32 to index
        %get3A_655 = arith.constant 608 : index
        %get3A_656 = tpu.vector_load %arg12[%get3A_654, %get3A_655] {strides = array<i32>} : memref<32x1024xf32, #tpu.memory_space<vmem>>, vector<1x16xf32>,
        %get3A_657 = vector.shape_cast %get3A_656 : vector<1x16xf32> to vector<16xf32>
        %mul3A_658 = arith.mulf %get3A_41, %get3A_657 : vector<16xf32>
        %get3A_659 = arith.index_cast %scan3A_36 : i32 to index
        %get3A_660 = arith.constant 608 : index
        %get3A_661 = tpu.vector_load %arg13[%get3A_659, %get3A_660] {strides = array<i32>} : memref<32x1024xf32, #tpu.memory_space<vmem>>, vector<1x16xf32>,
        %get3A_662 = vector.shape_cast %get3A_661 : vector<1x16xf32> to vector<16xf32>
        %mul3A_663 = arith.mulf %get3A_46, %get3A_662 : vector<16xf32>
        %add3A_664 = arith.addf %mul3A_658, %mul3A_663 : vector<16xf32>
        %swap3A_665 = arith.index_cast %scan3A_36 : i32 to index
        %swap3A_666 = arith.constant 608 : index
        %swap3A_667 = tpu.vector_load %arg14[%swap3A_665, %swap3A_666] {strides = array<i32>} : memref<32x1024xf32, #tpu.memory_space<vmem>>, vector<1x16xf32>,
        %swap3A_668 = vector.shape_cast %swap3A_667 : vector<1x16xf32> to vector<16xf32>
        %swap3A_669 = vector.shape_cast %add3A_664 : vector<16xf32> to vector<1x16xf32>
        tpu.vector_store %arg14[%swap3A_665, %swap3A_666], %swap3A_669 {strides = array<i32>} : memref<32x1024xf32, #tpu.memory_space<vmem>>, vector<1x16xf32>,
        %get3A_670 = arith.index_cast %scan3A_36 : i32 to index
        %get3A_671 = arith.constant 624 : index
        %get3A_672 = tpu.vector_load %arg12[%get3A_670, %get3A_671] {strides = array<i32>} : memref<32x1024xf32, #tpu.memory_space<vmem>>, vector<1x16xf32>,
        %get3A_673 = vector.shape_cast %get3A_672 : vector<1x16xf32> to vector<16xf32>
        %mul3A_674 = arith.mulf %get3A_41, %get3A_673 : vector<16xf32>
        %get3A_675 = arith.index_cast %scan3A_36 : i32 to index
        %get3A_676 = arith.constant 624 : index
        %get3A_677 = tpu.vector_load %arg13[%get3A_675, %get3A_676] {strides = array<i32>} : memref<32x1024xf32, #tpu.memory_space<vmem>>, vector<1x16xf32>,
        %get3A_678 = vector.shape_cast %get3A_677 : vector<1x16xf32> to vector<16xf32>
        %mul3A_679 = arith.mulf %get3A_46, %get3A_678 : vector<16xf32>
        %add3A_680 = arith.addf %mul3A_674, %mul3A_679 : vector<16xf32>
        %swap3A_681 = arith.index_cast %scan3A_36 : i32 to index
        %swap3A_682 = arith.constant 624 : index
        %swap3A_683 = tpu.vector_load %arg14[%swap3A_681, %swap3A_682] {strides = array<i32>} : memref<32x1024xf32, #tpu.memory_space<vmem>>, vector<1x16xf32>,
        %swap3A_684 = vector.shape_cast %swap3A_683 : vector<1x16xf32> to vector<16xf32>
        %swap3A_685 = vector.shape_cast %add3A_680 : vector<16xf32> to vector<1x16xf32>
        tpu.vector_store %arg14[%swap3A_681, %swap3A_682], %swap3A_685 {strides = array<i32>} : memref<32x1024xf32, #tpu.memory_space<vmem>>, vector<1x16xf32>,
        %get3A_686 = arith.index_cast %scan3A_36 : i32 to index
        %get3A_687 = arith.constant 640 : index
        %get3A_688 = tpu.vector_load %arg12[%get3A_686, %get3A_687] {strides = array<i32>} : memref<32x1024xf32, #tpu.memory_space<vmem>>, vector<1x16xf32>,
        %get3A_689 = vector.shape_cast %get3A_688 : vector<1x16xf32> to vector<16xf32>
        %mul3A_690 = arith.mulf %get3A_41, %get3A_689 : vector<16xf32>
        %get3A_691 = arith.index_cast %scan3A_36 : i32 to index
        %get3A_692 = arith.constant 640 : index
        %get3A_693 = tpu.vector_load %arg13[%get3A_691, %get3A_692] {strides = array<i32>} : memref<32x1024xf32, #tpu.memory_space<vmem>>, vector<1x16xf32>,
        %get3A_694 = vector.shape_cast %get3A_693 : vector<1x16xf32> to vector<16xf32>
        %mul3A_695 = arith.mulf %get3A_46, %get3A_694 : vector<16xf32>
        %add3A_696 = arith.addf %mul3A_690, %mul3A_695 : vector<16xf32>
        %swap3A_697 = arith.index_cast %scan3A_36 : i32 to index
        %swap3A_698 = arith.constant 640 : index
        %swap3A_699 = tpu.vector_load %arg14[%swap3A_697, %swap3A_698] {strides = array<i32>} : memref<32x1024xf32, #tpu.memory_space<vmem>>, vector<1x16xf32>,
        %swap3A_700 = vector.shape_cast %swap3A_699 : vector<1x16xf32> to vector<16xf32>
        %swap3A_701 = vector.shape_cast %add3A_696 : vector<16xf32> to vector<1x16xf32>
        tpu.vector_store %arg14[%swap3A_697, %swap3A_698], %swap3A_701 {strides = array<i32>} : memref<32x1024xf32, #tpu.memory_space<vmem>>, vector<1x16xf32>,
        %get3A_702 = arith.index_cast %scan3A_36 : i32 to index
        %get3A_703 = arith.constant 656 : index
        %get3A_704 = tpu.vector_load %arg12[%get3A_702, %get3A_703] {strides = array<i32>} : memref<32x1024xf32, #tpu.memory_space<vmem>>, vector<1x16xf32>,
        %get3A_705 = vector.shape_cast %get3A_704 : vector<1x16xf32> to vector<16xf32>
        %mul3A_706 = arith.mulf %get3A_41, %get3A_705 : vector<16xf32>
        %get3A_707 = arith.index_cast %scan3A_36 : i32 to index
        %get3A_708 = arith.constant 656 : index
        %get3A_709 = tpu.vector_load %arg13[%get3A_707, %get3A_708] {strides = array<i32>} : memref<32x1024xf32, #tpu.memory_space<vmem>>, vector<1x16xf32>,
        %get3A_710 = vector.shape_cast %get3A_709 : vector<1x16xf32> to vector<16xf32>
        %mul3A_711 = arith.mulf %get3A_46, %get3A_710 : vector<16xf32>
        %add3A_712 = arith.addf %mul3A_706, %mul3A_711 : vector<16xf32>
        %swap3A_713 = arith.index_cast %scan3A_36 : i32 to index
        %swap3A_714 = arith.constant 656 : index
        %swap3A_715 = tpu.vector_load %arg14[%swap3A_713, %swap3A_714] {strides = array<i32>} : memref<32x1024xf32, #tpu.memory_space<vmem>>, vector<1x16xf32>,
        %swap3A_716 = vector.shape_cast %swap3A_715 : vector<1x16xf32> to vector<16xf32>
        %swap3A_717 = vector.shape_cast %add3A_712 : vector<16xf32> to vector<1x16xf32>
        tpu.vector_store %arg14[%swap3A_713, %swap3A_714], %swap3A_717 {strides = array<i32>} : memref<32x1024xf32, #tpu.memory_space<vmem>>, vector<1x16xf32>,
        %get3A_718 = arith.index_cast %scan3A_36 : i32 to index
        %get3A_719 = arith.constant 672 : index
        %get3A_720 = tpu.vector_load %arg12[%get3A_718, %get3A_719] {strides = array<i32>} : memref<32x1024xf32, #tpu.memory_space<vmem>>, vector<1x16xf32>,
        %get3A_721 = vector.shape_cast %get3A_720 : vector<1x16xf32> to vector<16xf32>
        %mul3A_722 = arith.mulf %get3A_41, %get3A_721 : vector<16xf32>
        %get3A_723 = arith.index_cast %scan3A_36 : i32 to index
        %get3A_724 = arith.constant 672 : index
        %get3A_725 = tpu.vector_load %arg13[%get3A_723, %get3A_724] {strides = array<i32>} : memref<32x1024xf32, #tpu.memory_space<vmem>>, vector<1x16xf32>,
        %get3A_726 = vector.shape_cast %get3A_725 : vector<1x16xf32> to vector<16xf32>
        %mul3A_727 = arith.mulf %get3A_46, %get3A_726 : vector<16xf32>
        %add3A_728 = arith.addf %mul3A_722, %mul3A_727 : vector<16xf32>
        %swap3A_729 = arith.index_cast %scan3A_36 : i32 to index
        %swap3A_730 = arith.constant 672 : index
        %swap3A_731 = tpu.vector_load %arg14[%swap3A_729, %swap3A_730] {strides = array<i32>} : memref<32x1024xf32, #tpu.memory_space<vmem>>, vector<1x16xf32>,
        %swap3A_732 = vector.shape_cast %swap3A_731 : vector<1x16xf32> to vector<16xf32>
        %swap3A_733 = vector.shape_cast %add3A_728 : vector<16xf32> to vector<1x16xf32>
        tpu.vector_store %arg14[%swap3A_729, %swap3A_730], %swap3A_733 {strides = array<i32>} : memref<32x1024xf32, #tpu.memory_space<vmem>>, vector<1x16xf32>,
        %get3A_734 = arith.index_cast %scan3A_36 : i32 to index
        %get3A_735 = arith.constant 688 : index
        %get3A_736 = tpu.vector_load %arg12[%get3A_734, %get3A_735] {strides = array<i32>} : memref<32x1024xf32, #tpu.memory_space<vmem>>, vector<1x16xf32>,
        %get3A_737 = vector.shape_cast %get3A_736 : vector<1x16xf32> to vector<16xf32>
        %mul3A_738 = arith.mulf %get3A_41, %get3A_737 : vector<16xf32>
        %get3A_739 = arith.index_cast %scan3A_36 : i32 to index
        %get3A_740 = arith.constant 688 : index
        %get3A_741 = tpu.vector_load %arg13[%get3A_739, %get3A_740] {strides = array<i32>} : memref<32x1024xf32, #tpu.memory_space<vmem>>, vector<1x16xf32>,
        %get3A_742 = vector.shape_cast %get3A_741 : vector<1x16xf32> to vector<16xf32>
        %mul3A_743 = arith.mulf %get3A_46, %get3A_742 : vector<16xf32>
        %add3A_744 = arith.addf %mul3A_738, %mul3A_743 : vector<16xf32>
        %swap3A_745 = arith.index_cast %scan3A_36 : i32 to index
        %swap3A_746 = arith.constant 688 : index
        %swap3A_747 = tpu.vector_load %arg14[%swap3A_745, %swap3A_746] {strides = array<i32>} : memref<32x1024xf32, #tpu.memory_space<vmem>>, vector<1x16xf32>,
        %swap3A_748 = vector.shape_cast %swap3A_747 : vector<1x16xf32> to vector<16xf32>
        %swap3A_749 = vector.shape_cast %add3A_744 : vector<16xf32> to vector<1x16xf32>
        tpu.vector_store %arg14[%swap3A_745, %swap3A_746], %swap3A_749 {strides = array<i32>} : memref<32x1024xf32, #tpu.memory_space<vmem>>, vector<1x16xf32>,
        %get3A_750 = arith.index_cast %scan3A_36 : i32 to index
        %get3A_751 = arith.constant 704 : index
        %get3A_752 = tpu.vector_load %arg12[%get3A_750, %get3A_751] {strides = array<i32>} : memref<32x1024xf32, #tpu.memory_space<vmem>>, vector<1x16xf32>,
        %get3A_753 = vector.shape_cast %get3A_752 : vector<1x16xf32> to vector<16xf32>
        %mul3A_754 = arith.mulf %get3A_41, %get3A_753 : vector<16xf32>
        %get3A_755 = arith.index_cast %scan3A_36 : i32 to index
        %get3A_756 = arith.constant 704 : index
        %get3A_757 = tpu.vector_load %arg13[%get3A_755, %get3A_756] {strides = array<i32>} : memref<32x1024xf32, #tpu.memory_space<vmem>>, vector<1x16xf32>,
        %get3A_758 = vector.shape_cast %get3A_757 : vector<1x16xf32> to vector<16xf32>
        %mul3A_759 = arith.mulf %get3A_46, %get3A_758 : vector<16xf32>
        %add3A_760 = arith.addf %mul3A_754, %mul3A_759 : vector<16xf32>
        %swap3A_761 = arith.index_cast %scan3A_36 : i32 to index
        %swap3A_762 = arith.constant 704 : index
        %swap3A_763 = tpu.vector_load %arg14[%swap3A_761, %swap3A_762] {strides = array<i32>} : memref<32x1024xf32, #tpu.memory_space<vmem>>, vector<1x16xf32>,
        %swap3A_764 = vector.shape_cast %swap3A_763 : vector<1x16xf32> to vector<16xf32>
        %swap3A_765 = vector.shape_cast %add3A_760 : vector<16xf32> to vector<1x16xf32>
        tpu.vector_store %arg14[%swap3A_761, %swap3A_762], %swap3A_765 {strides = array<i32>} : memref<32x1024xf32, #tpu.memory_space<vmem>>, vector<1x16xf32>,
        %get3A_766 = arith.index_cast %scan3A_36 : i32 to index
        %get3A_767 = arith.constant 720 : index
        %get3A_768 = tpu.vector_load %arg12[%get3A_766, %get3A_767] {strides = array<i32>} : memref<32x1024xf32, #tpu.memory_space<vmem>>, vector<1x16xf32>,
        %get3A_769 = vector.shape_cast %get3A_768 : vector<1x16xf32> to vector<16xf32>
        %mul3A_770 = arith.mulf %get3A_41, %get3A_769 : vector<16xf32>
        %get3A_771 = arith.index_cast %scan3A_36 : i32 to index
        %get3A_772 = arith.constant 720 : index
        %get3A_773 = tpu.vector_load %arg13[%get3A_771, %get3A_772] {strides = array<i32>} : memref<32x1024xf32, #tpu.memory_space<vmem>>, vector<1x16xf32>,
        %get3A_774 = vector.shape_cast %get3A_773 : vector<1x16xf32> to vector<16xf32>
        %mul3A_775 = arith.mulf %get3A_46, %get3A_774 : vector<16xf32>
        %add3A_776 = arith.addf %mul3A_770, %mul3A_775 : vector<16xf32>
        %swap3A_777 = arith.index_cast %scan3A_36 : i32 to index
        %swap3A_778 = arith.constant 720 : index
        %swap3A_779 = tpu.vector_load %arg14[%swap3A_777, %swap3A_778] {strides = array<i32>} : memref<32x1024xf32, #tpu.memory_space<vmem>>, vector<1x16xf32>,
        %swap3A_780 = vector.shape_cast %swap3A_779 : vector<1x16xf32> to vector<16xf32>
        %swap3A_781 = vector.shape_cast %add3A_776 : vector<16xf32> to vector<1x16xf32>
        tpu.vector_store %arg14[%swap3A_777, %swap3A_778], %swap3A_781 {strides = array<i32>} : memref<32x1024xf32, #tpu.memory_space<vmem>>, vector<1x16xf32>,
        %get3A_782 = arith.index_cast %scan3A_36 : i32 to index
        %get3A_783 = arith.constant 736 : index
        %get3A_784 = tpu.vector_load %arg12[%get3A_782, %get3A_783] {strides = array<i32>} : memref<32x1024xf32, #tpu.memory_space<vmem>>, vector<1x16xf32>,
        %get3A_785 = vector.shape_cast %get3A_784 : vector<1x16xf32> to vector<16xf32>
        %mul3A_786 = arith.mulf %get3A_41, %get3A_785 : vector<16xf32>
        %get3A_787 = arith.index_cast %scan3A_36 : i32 to index
        %get3A_788 = arith.constant 736 : index
        %get3A_789 = tpu.vector_load %arg13[%get3A_787, %get3A_788] {strides = array<i32>} : memref<32x1024xf32, #tpu.memory_space<vmem>>, vector<1x16xf32>,
        %get3A_790 = vector.shape_cast %get3A_789 : vector<1x16xf32> to vector<16xf32>
        %mul3A_791 = arith.mulf %get3A_46, %get3A_790 : vector<16xf32>
        %add3A_792 = arith.addf %mul3A_786, %mul3A_791 : vector<16xf32>
        %swap3A_793 = arith.index_cast %scan3A_36 : i32 to index
        %swap3A_794 = arith.constant 736 : index
        %swap3A_795 = tpu.vector_load %arg14[%swap3A_793, %swap3A_794] {strides = array<i32>} : memref<32x1024xf32, #tpu.memory_space<vmem>>, vector<1x16xf32>,
        %swap3A_796 = vector.shape_cast %swap3A_795 : vector<1x16xf32> to vector<16xf32>
        %swap3A_797 = vector.shape_cast %add3A_792 : vector<16xf32> to vector<1x16xf32>
        tpu.vector_store %arg14[%swap3A_793, %swap3A_794], %swap3A_797 {strides = array<i32>} : memref<32x1024xf32, #tpu.memory_space<vmem>>, vector<1x16xf32>,
        %get3A_798 = arith.index_cast %scan3A_36 : i32 to index
        %get3A_799 = arith.constant 752 : index
        %get3A_800 = tpu.vector_load %arg12[%get3A_798, %get3A_799] {strides = array<i32>} : memref<32x1024xf32, #tpu.memory_space<vmem>>, vector<1x16xf32>,
        %get3A_801 = vector.shape_cast %get3A_800 : vector<1x16xf32> to vector<16xf32>
        %mul3A_802 = arith.mulf %get3A_41, %get3A_801 : vector<16xf32>
        %get3A_803 = arith.index_cast %scan3A_36 : i32 to index
        %get3A_804 = arith.constant 752 : index
        %get3A_805 = tpu.vector_load %arg13[%get3A_803, %get3A_804] {strides = array<i32>} : memref<32x1024xf32, #tpu.memory_space<vmem>>, vector<1x16xf32>,
        %get3A_806 = vector.shape_cast %get3A_805 : vector<1x16xf32> to vector<16xf32>
        %mul3A_807 = arith.mulf %get3A_46, %get3A_806 : vector<16xf32>
        %add3A_808 = arith.addf %mul3A_802, %mul3A_807 : vector<16xf32>
        %swap3A_809 = arith.index_cast %scan3A_36 : i32 to index
        %swap3A_810 = arith.constant 752 : index
        %swap3A_811 = tpu.vector_load %arg14[%swap3A_809, %swap3A_810] {strides = array<i32>} : memref<32x1024xf32, #tpu.memory_space<vmem>>, vector<1x16xf32>,
        %swap3A_812 = vector.shape_cast %swap3A_811 : vector<1x16xf32> to vector<16xf32>
        %swap3A_813 = vector.shape_cast %add3A_808 : vector<16xf32> to vector<1x16xf32>
        tpu.vector_store %arg14[%swap3A_809, %swap3A_810], %swap3A_813 {strides = array<i32>} : memref<32x1024xf32, #tpu.memory_space<vmem>>, vector<1x16xf32>,
        %get3A_814 = arith.index_cast %scan3A_36 : i32 to index
        %get3A_815 = arith.constant 768 : index
        %get3A_816 = tpu.vector_load %arg12[%get3A_814, %get3A_815] {strides = array<i32>} : memref<32x1024xf32, #tpu.memory_space<vmem>>, vector<1x16xf32>,
        %get3A_817 = vector.shape_cast %get3A_816 : vector<1x16xf32> to vector<16xf32>
        %mul3A_818 = arith.mulf %get3A_41, %get3A_817 : vector<16xf32>
        %get3A_819 = arith.index_cast %scan3A_36 : i32 to index
        %get3A_820 = arith.constant 768 : index
        %get3A_821 = tpu.vector_load %arg13[%get3A_819, %get3A_820] {strides = array<i32>} : memref<32x1024xf32, #tpu.memory_space<vmem>>, vector<1x16xf32>,
        %get3A_822 = vector.shape_cast %get3A_821 : vector<1x16xf32> to vector<16xf32>
        %mul3A_823 = arith.mulf %get3A_46, %get3A_822 : vector<16xf32>
        %add3A_824 = arith.addf %mul3A_818, %mul3A_823 : vector<16xf32>
        %swap3A_825 = arith.index_cast %scan3A_36 : i32 to index
        %swap3A_826 = arith.constant 768 : index
        %swap3A_827 = tpu.vector_load %arg14[%swap3A_825, %swap3A_826] {strides = array<i32>} : memref<32x1024xf32, #tpu.memory_space<vmem>>, vector<1x16xf32>,
        %swap3A_828 = vector.shape_cast %swap3A_827 : vector<1x16xf32> to vector<16xf32>
        %swap3A_829 = vector.shape_cast %add3A_824 : vector<16xf32> to vector<1x16xf32>
        tpu.vector_store %arg14[%swap3A_825, %swap3A_826], %swap3A_829 {strides = array<i32>} : memref<32x1024xf32, #tpu.memory_space<vmem>>, vector<1x16xf32>,
        %get3A_830 = arith.index_cast %scan3A_36 : i32 to index
        %get3A_831 = arith.constant 784 : index
        %get3A_832 = tpu.vector_load %arg12[%get3A_830, %get3A_831] {strides = array<i32>} : memref<32x1024xf32, #tpu.memory_space<vmem>>, vector<1x16xf32>,
        %get3A_833 = vector.shape_cast %get3A_832 : vector<1x16xf32> to vector<16xf32>
        %mul3A_834 = arith.mulf %get3A_41, %get3A_833 : vector<16xf32>
        %get3A_835 = arith.index_cast %scan3A_36 : i32 to index
        %get3A_836 = arith.constant 784 : index
        %get3A_837 = tpu.vector_load %arg13[%get3A_835, %get3A_836] {strides = array<i32>} : memref<32x1024xf32, #tpu.memory_space<vmem>>, vector<1x16xf32>,
        %get3A_838 = vector.shape_cast %get3A_837 : vector<1x16xf32> to vector<16xf32>
        %mul3A_839 = arith.mulf %get3A_46, %get3A_838 : vector<16xf32>
        %add3A_840 = arith.addf %mul3A_834, %mul3A_839 : vector<16xf32>
        %swap3A_841 = arith.index_cast %scan3A_36 : i32 to index
        %swap3A_842 = arith.constant 784 : index
        %swap3A_843 = tpu.vector_load %arg14[%swap3A_841, %swap3A_842] {strides = array<i32>} : memref<32x1024xf32, #tpu.memory_space<vmem>>, vector<1x16xf32>,
        %swap3A_844 = vector.shape_cast %swap3A_843 : vector<1x16xf32> to vector<16xf32>
        %swap3A_845 = vector.shape_cast %add3A_840 : vector<16xf32> to vector<1x16xf32>
        tpu.vector_store %arg14[%swap3A_841, %swap3A_842], %swap3A_845 {strides = array<i32>} : memref<32x1024xf32, #tpu.memory_space<vmem>>, vector<1x16xf32>,
        %get3A_846 = arith.index_cast %scan3A_36 : i32 to index
        %get3A_847 = arith.constant 800 : index
        %get3A_848 = tpu.vector_load %arg12[%get3A_846, %get3A_847] {strides = array<i32>} : memref<32x1024xf32, #tpu.memory_space<vmem>>, vector<1x16xf32>,
        %get3A_849 = vector.shape_cast %get3A_848 : vector<1x16xf32> to vector<16xf32>
        %mul3A_850 = arith.mulf %get3A_41, %get3A_849 : vector<16xf32>
        %get3A_851 = arith.index_cast %scan3A_36 : i32 to index
        %get3A_852 = arith.constant 800 : index
        %get3A_853 = tpu.vector_load %arg13[%get3A_851, %get3A_852] {strides = array<i32>} : memref<32x1024xf32, #tpu.memory_space<vmem>>, vector<1x16xf32>,
        %get3A_854 = vector.shape_cast %get3A_853 : vector<1x16xf32> to vector<16xf32>
        %mul3A_855 = arith.mulf %get3A_46, %get3A_854 : vector<16xf32>
        %add3A_856 = arith.addf %mul3A_850, %mul3A_855 : vector<16xf32>
        %swap3A_857 = arith.index_cast %scan3A_36 : i32 to index
        %swap3A_858 = arith.constant 800 : index
        %swap3A_859 = tpu.vector_load %arg14[%swap3A_857, %swap3A_858] {strides = array<i32>} : memref<32x1024xf32, #tpu.memory_space<vmem>>, vector<1x16xf32>,
        %swap3A_860 = vector.shape_cast %swap3A_859 : vector<1x16xf32> to vector<16xf32>
        %swap3A_861 = vector.shape_cast %add3A_856 : vector<16xf32> to vector<1x16xf32>
        tpu.vector_store %arg14[%swap3A_857, %swap3A_858], %swap3A_861 {strides = array<i32>} : memref<32x1024xf32, #tpu.memory_space<vmem>>, vector<1x16xf32>,
        %get3A_862 = arith.index_cast %scan3A_36 : i32 to index
        %get3A_863 = arith.constant 816 : index
        %get3A_864 = tpu.vector_load %arg12[%get3A_862, %get3A_863] {strides = array<i32>} : memref<32x1024xf32, #tpu.memory_space<vmem>>, vector<1x16xf32>,
        %get3A_865 = vector.shape_cast %get3A_864 : vector<1x16xf32> to vector<16xf32>
        %mul3A_866 = arith.mulf %get3A_41, %get3A_865 : vector<16xf32>
        %get3A_867 = arith.index_cast %scan3A_36 : i32 to index
        %get3A_868 = arith.constant 816 : index
        %get3A_869 = tpu.vector_load %arg13[%get3A_867, %get3A_868] {strides = array<i32>} : memref<32x1024xf32, #tpu.memory_space<vmem>>, vector<1x16xf32>,
        %get3A_870 = vector.shape_cast %get3A_869 : vector<1x16xf32> to vector<16xf32>
        %mul3A_871 = arith.mulf %get3A_46, %get3A_870 : vector<16xf32>
        %add3A_872 = arith.addf %mul3A_866, %mul3A_871 : vector<16xf32>
        %swap3A_873 = arith.index_cast %scan3A_36 : i32 to index
        %swap3A_874 = arith.constant 816 : index
        %swap3A_875 = tpu.vector_load %arg14[%swap3A_873, %swap3A_874] {strides = array<i32>} : memref<32x1024xf32, #tpu.memory_space<vmem>>, vector<1x16xf32>,
        %swap3A_876 = vector.shape_cast %swap3A_875 : vector<1x16xf32> to vector<16xf32>
        %swap3A_877 = vector.shape_cast %add3A_872 : vector<16xf32> to vector<1x16xf32>
        tpu.vector_store %arg14[%swap3A_873, %swap3A_874], %swap3A_877 {strides = array<i32>} : memref<32x1024xf32, #tpu.memory_space<vmem>>, vector<1x16xf32>,
        %get3A_878 = arith.index_cast %scan3A_36 : i32 to index
        %get3A_879 = arith.constant 832 : index
        %get3A_880 = tpu.vector_load %arg12[%get3A_878, %get3A_879] {strides = array<i32>} : memref<32x1024xf32, #tpu.memory_space<vmem>>, vector<1x16xf32>,
        %get3A_881 = vector.shape_cast %get3A_880 : vector<1x16xf32> to vector<16xf32>
        %mul3A_882 = arith.mulf %get3A_41, %get3A_881 : vector<16xf32>
        %get3A_883 = arith.index_cast %scan3A_36 : i32 to index
        %get3A_884 = arith.constant 832 : index
        %get3A_885 = tpu.vector_load %arg13[%get3A_883, %get3A_884] {strides = array<i32>} : memref<32x1024xf32, #tpu.memory_space<vmem>>, vector<1x16xf32>,
        %get3A_886 = vector.shape_cast %get3A_885 : vector<1x16xf32> to vector<16xf32>
        %mul3A_887 = arith.mulf %get3A_46, %get3A_886 : vector<16xf32>
        %add3A_888 = arith.addf %mul3A_882, %mul3A_887 : vector<16xf32>
        %swap3A_889 = arith.index_cast %scan3A_36 : i32 to index
        %swap3A_890 = arith.constant 832 : index
        %swap3A_891 = tpu.vector_load %arg14[%swap3A_889, %swap3A_890] {strides = array<i32>} : memref<32x1024xf32, #tpu.memory_space<vmem>>, vector<1x16xf32>,
        %swap3A_892 = vector.shape_cast %swap3A_891 : vector<1x16xf32> to vector<16xf32>
        %swap3A_893 = vector.shape_cast %add3A_888 : vector<16xf32> to vector<1x16xf32>
        tpu.vector_store %arg14[%swap3A_889, %swap3A_890], %swap3A_893 {strides = array<i32>} : memref<32x1024xf32, #tpu.memory_space<vmem>>, vector<1x16xf32>,
        %get3A_894 = arith.index_cast %scan3A_36 : i32 to index
        %get3A_895 = arith.constant 848 : index
        %get3A_896 = tpu.vector_load %arg12[%get3A_894, %get3A_895] {strides = array<i32>} : memref<32x1024xf32, #tpu.memory_space<vmem>>, vector<1x16xf32>,
        %get3A_897 = vector.shape_cast %get3A_896 : vector<1x16xf32> to vector<16xf32>
        %mul3A_898 = arith.mulf %get3A_41, %get3A_897 : vector<16xf32>
        %get3A_899 = arith.index_cast %scan3A_36 : i32 to index
        %get3A_900 = arith.constant 848 : index
        %get3A_901 = tpu.vector_load %arg13[%get3A_899, %get3A_900] {strides = array<i32>} : memref<32x1024xf32, #tpu.memory_space<vmem>>, vector<1x16xf32>,
        %get3A_902 = vector.shape_cast %get3A_901 : vector<1x16xf32> to vector<16xf32>
        %mul3A_903 = arith.mulf %get3A_46, %get3A_902 : vector<16xf32>
        %add3A_904 = arith.addf %mul3A_898, %mul3A_903 : vector<16xf32>
        %swap3A_905 = arith.index_cast %scan3A_36 : i32 to index
        %swap3A_906 = arith.constant 848 : index
        %swap3A_907 = tpu.vector_load %arg14[%swap3A_905, %swap3A_906] {strides = array<i32>} : memref<32x1024xf32, #tpu.memory_space<vmem>>, vector<1x16xf32>,
        %swap3A_908 = vector.shape_cast %swap3A_907 : vector<1x16xf32> to vector<16xf32>
        %swap3A_909 = vector.shape_cast %add3A_904 : vector<16xf32> to vector<1x16xf32>
        tpu.vector_store %arg14[%swap3A_905, %swap3A_906], %swap3A_909 {strides = array<i32>} : memref<32x1024xf32, #tpu.memory_space<vmem>>, vector<1x16xf32>,
        %get3A_910 = arith.index_cast %scan3A_36 : i32 to index
        %get3A_911 = arith.constant 864 : index
        %get3A_912 = tpu.vector_load %arg12[%get3A_910, %get3A_911] {strides = array<i32>} : memref<32x1024xf32, #tpu.memory_space<vmem>>, vector<1x16xf32>,
        %get3A_913 = vector.shape_cast %get3A_912 : vector<1x16xf32> to vector<16xf32>
        %mul3A_914 = arith.mulf %get3A_41, %get3A_913 : vector<16xf32>
        %get3A_915 = arith.index_cast %scan3A_36 : i32 to index
        %get3A_916 = arith.constant 864 : index
        %get3A_917 = tpu.vector_load %arg13[%get3A_915, %get3A_916] {strides = array<i32>} : memref<32x1024xf32, #tpu.memory_space<vmem>>, vector<1x16xf32>,
        %get3A_918 = vector.shape_cast %get3A_917 : vector<1x16xf32> to vector<16xf32>
        %mul3A_919 = arith.mulf %get3A_46, %get3A_918 : vector<16xf32>
        %add3A_920 = arith.addf %mul3A_914, %mul3A_919 : vector<16xf32>
        %swap3A_921 = arith.index_cast %scan3A_36 : i32 to index
        %swap3A_922 = arith.constant 864 : index
        %swap3A_923 = tpu.vector_load %arg14[%swap3A_921, %swap3A_922] {strides = array<i32>} : memref<32x1024xf32, #tpu.memory_space<vmem>>, vector<1x16xf32>,
        %swap3A_924 = vector.shape_cast %swap3A_923 : vector<1x16xf32> to vector<16xf32>
        %swap3A_925 = vector.shape_cast %add3A_920 : vector<16xf32> to vector<1x16xf32>
        tpu.vector_store %arg14[%swap3A_921, %swap3A_922], %swap3A_925 {strides = array<i32>} : memref<32x1024xf32, #tpu.memory_space<vmem>>, vector<1x16xf32>,
        %get3A_926 = arith.index_cast %scan3A_36 : i32 to index
        %get3A_927 = arith.constant 880 : index
        %get3A_928 = tpu.vector_load %arg12[%get3A_926, %get3A_927] {strides = array<i32>} : memref<32x1024xf32, #tpu.memory_space<vmem>>, vector<1x16xf32>,
        %get3A_929 = vector.shape_cast %get3A_928 : vector<1x16xf32> to vector<16xf32>
        %mul3A_930 = arith.mulf %get3A_41, %get3A_929 : vector<16xf32>
        %get3A_931 = arith.index_cast %scan3A_36 : i32 to index
        %get3A_932 = arith.constant 880 : index
        %get3A_933 = tpu.vector_load %arg13[%get3A_931, %get3A_932] {strides = array<i32>} : memref<32x1024xf32, #tpu.memory_space<vmem>>, vector<1x16xf32>,
        %get3A_934 = vector.shape_cast %get3A_933 : vector<1x16xf32> to vector<16xf32>
        %mul3A_935 = arith.mulf %get3A_46, %get3A_934 : vector<16xf32>
        %add3A_936 = arith.addf %mul3A_930, %mul3A_935 : vector<16xf32>
        %swap3A_937 = arith.index_cast %scan3A_36 : i32 to index
        %swap3A_938 = arith.constant 880 : index
        %swap3A_939 = tpu.vector_load %arg14[%swap3A_937, %swap3A_938] {strides = array<i32>} : memref<32x1024xf32, #tpu.memory_space<vmem>>, vector<1x16xf32>,
        %swap3A_940 = vector.shape_cast %swap3A_939 : vector<1x16xf32> to vector<16xf32>
        %swap3A_941 = vector.shape_cast %add3A_936 : vector<16xf32> to vector<1x16xf32>
        tpu.vector_store %arg14[%swap3A_937, %swap3A_938], %swap3A_941 {strides = array<i32>} : memref<32x1024xf32, #tpu.memory_space<vmem>>, vector<1x16xf32>,
        %get3A_942 = arith.index_cast %scan3A_36 : i32 to index
        %get3A_943 = arith.constant 896 : index
        %get3A_944 = tpu.vector_load %arg12[%get3A_942, %get3A_943] {strides = array<i32>} : memref<32x1024xf32, #tpu.memory_space<vmem>>, vector<1x16xf32>,
        %get3A_945 = vector.shape_cast %get3A_944 : vector<1x16xf32> to vector<16xf32>
        %mul3A_946 = arith.mulf %get3A_41, %get3A_945 : vector<16xf32>
        %get3A_947 = arith.index_cast %scan3A_36 : i32 to index
        %get3A_948 = arith.constant 896 : index
        %get3A_949 = tpu.vector_load %arg13[%get3A_947, %get3A_948] {strides = array<i32>} : memref<32x1024xf32, #tpu.memory_space<vmem>>, vector<1x16xf32>,
        %get3A_950 = vector.shape_cast %get3A_949 : vector<1x16xf32> to vector<16xf32>
        %mul3A_951 = arith.mulf %get3A_46, %get3A_950 : vector<16xf32>
        %add3A_952 = arith.addf %mul3A_946, %mul3A_951 : vector<16xf32>
        %swap3A_953 = arith.index_cast %scan3A_36 : i32 to index
        %swap3A_954 = arith.constant 896 : index
        %swap3A_955 = tpu.vector_load %arg14[%swap3A_953, %swap3A_954] {strides = array<i32>} : memref<32x1024xf32, #tpu.memory_space<vmem>>, vector<1x16xf32>,
        %swap3A_956 = vector.shape_cast %swap3A_955 : vector<1x16xf32> to vector<16xf32>
        %swap3A_957 = vector.shape_cast %add3A_952 : vector<16xf32> to vector<1x16xf32>
        tpu.vector_store %arg14[%swap3A_953, %swap3A_954], %swap3A_957 {strides = array<i32>} : memref<32x1024xf32, #tpu.memory_space<vmem>>, vector<1x16xf32>,
        %get3A_958 = arith.index_cast %scan3A_36 : i32 to index
        %get3A_959 = arith.constant 912 : index
        %get3A_960 = tpu.vector_load %arg12[%get3A_958, %get3A_959] {strides = array<i32>} : memref<32x1024xf32, #tpu.memory_space<vmem>>, vector<1x16xf32>,
        %get3A_961 = vector.shape_cast %get3A_960 : vector<1x16xf32> to vector<16xf32>
        %mul3A_962 = arith.mulf %get3A_41, %get3A_961 : vector<16xf32>
        %get3A_963 = arith.index_cast %scan3A_36 : i32 to index
        %get3A_964 = arith.constant 912 : index
        %get3A_965 = tpu.vector_load %arg13[%get3A_963, %get3A_964] {strides = array<i32>} : memref<32x1024xf32, #tpu.memory_space<vmem>>, vector<1x16xf32>,
        %get3A_966 = vector.shape_cast %get3A_965 : vector<1x16xf32> to vector<16xf32>
        %mul3A_967 = arith.mulf %get3A_46, %get3A_966 : vector<16xf32>
        %add3A_968 = arith.addf %mul3A_962, %mul3A_967 : vector<16xf32>
        %swap3A_969 = arith.index_cast %scan3A_36 : i32 to index
        %swap3A_970 = arith.constant 912 : index
        %swap3A_971 = tpu.vector_load %arg14[%swap3A_969, %swap3A_970] {strides = array<i32>} : memref<32x1024xf32, #tpu.memory_space<vmem>>, vector<1x16xf32>,
        %swap3A_972 = vector.shape_cast %swap3A_971 : vector<1x16xf32> to vector<16xf32>
        %swap3A_973 = vector.shape_cast %add3A_968 : vector<16xf32> to vector<1x16xf32>
        tpu.vector_store %arg14[%swap3A_969, %swap3A_970], %swap3A_973 {strides = array<i32>} : memref<32x1024xf32, #tpu.memory_space<vmem>>, vector<1x16xf32>,
        %get3A_974 = arith.index_cast %scan3A_36 : i32 to index
        %get3A_975 = arith.constant 928 : index
        %get3A_976 = tpu.vector_load %arg12[%get3A_974, %get3A_975] {strides = array<i32>} : memref<32x1024xf32, #tpu.memory_space<vmem>>, vector<1x16xf32>,
        %get3A_977 = vector.shape_cast %get3A_976 : vector<1x16xf32> to vector<16xf32>
        %mul3A_978 = arith.mulf %get3A_41, %get3A_977 : vector<16xf32>
        %get3A_979 = arith.index_cast %scan3A_36 : i32 to index
        %get3A_980 = arith.constant 928 : index
        %get3A_981 = tpu.vector_load %arg13[%get3A_979, %get3A_980] {strides = array<i32>} : memref<32x1024xf32, #tpu.memory_space<vmem>>, vector<1x16xf32>,
        %get3A_982 = vector.shape_cast %get3A_981 : vector<1x16xf32> to vector<16xf32>
        %mul3A_983 = arith.mulf %get3A_46, %get3A_982 : vector<16xf32>
        %add3A_984 = arith.addf %mul3A_978, %mul3A_983 : vector<16xf32>
        %swap3A_985 = arith.index_cast %scan3A_36 : i32 to index
        %swap3A_986 = arith.constant 928 : index
        %swap3A_987 = tpu.vector_load %arg14[%swap3A_985, %swap3A_986] {strides = array<i32>} : memref<32x1024xf32, #tpu.memory_space<vmem>>, vector<1x16xf32>,
        %swap3A_988 = vector.shape_cast %swap3A_987 : vector<1x16xf32> to vector<16xf32>
        %swap3A_989 = vector.shape_cast %add3A_984 : vector<16xf32> to vector<1x16xf32>
        tpu.vector_store %arg14[%swap3A_985, %swap3A_986], %swap3A_989 {strides = array<i32>} : memref<32x1024xf32, #tpu.memory_space<vmem>>, vector<1x16xf32>,
        %get3A_990 = arith.index_cast %scan3A_36 : i32 to index
        %get3A_991 = arith.constant 944 : index
        %get3A_992 = tpu.vector_load %arg12[%get3A_990, %get3A_991] {strides = array<i32>} : memref<32x1024xf32, #tpu.memory_space<vmem>>, vector<1x16xf32>,
        %get3A_993 = vector.shape_cast %get3A_992 : vector<1x16xf32> to vector<16xf32>
        %mul3A_994 = arith.mulf %get3A_41, %get3A_993 : vector<16xf32>
        %get3A_995 = arith.index_cast %scan3A_36 : i32 to index
        %get3A_996 = arith.constant 944 : index
        %get3A_997 = tpu.vector_load %arg13[%get3A_995, %get3A_996] {strides = array<i32>} : memref<32x1024xf32, #tpu.memory_space<vmem>>, vector<1x16xf32>,
        %get3A_998 = vector.shape_cast %get3A_997 : vector<1x16xf32> to vector<16xf32>
        %mul3A_999 = arith.mulf %get3A_46, %get3A_998 : vector<16xf32>
        %add3A_1000 = arith.addf %mul3A_994, %mul3A_999 : vector<16xf32>
        %swap3A_1001 = arith.index_cast %scan3A_36 : i32 to index
        %swap3A_1002 = arith.constant 944 : index
        %swap3A_1003 = tpu.vector_load %arg14[%swap3A_1001, %swap3A_1002] {strides = array<i32>} : memref<32x1024xf32, #tpu.memory_space<vmem>>, vector<1x16xf32>,
        %swap3A_1004 = vector.shape_cast %swap3A_1003 : vector<1x16xf32> to vector<16xf32>
        %swap3A_1005 = vector.shape_cast %add3A_1000 : vector<16xf32> to vector<1x16xf32>
        tpu.vector_store %arg14[%swap3A_1001, %swap3A_1002], %swap3A_1005 {strides = array<i32>} : memref<32x1024xf32, #tpu.memory_space<vmem>>, vector<1x16xf32>,
        %get3A_1006 = arith.index_cast %scan3A_36 : i32 to index
        %get3A_1007 = arith.constant 960 : index
        %get3A_1008 = tpu.vector_load %arg12[%get3A_1006, %get3A_1007] {strides = array<i32>} : memref<32x1024xf32, #tpu.memory_space<vmem>>, vector<1x16xf32>,
        %get3A_1009 = vector.shape_cast %get3A_1008 : vector<1x16xf32> to vector<16xf32>
        %mul3A_1010 = arith.mulf %get3A_41, %get3A_1009 : vector<16xf32>
        %get3A_1011 = arith.index_cast %scan3A_36 : i32 to index
        %get3A_1012 = arith.constant 960 : index
        %get3A_1013 = tpu.vector_load %arg13[%get3A_1011, %get3A_1012] {strides = array<i32>} : memref<32x1024xf32, #tpu.memory_space<vmem>>, vector<1x16xf32>,
        %get3A_1014 = vector.shape_cast %get3A_1013 : vector<1x16xf32> to vector<16xf32>
        %mul3A_1015 = arith.mulf %get3A_46, %get3A_1014 : vector<16xf32>
        %add3A_1016 = arith.addf %mul3A_1010, %mul3A_1015 : vector<16xf32>
        %swap3A_1017 = arith.index_cast %scan3A_36 : i32 to index
        %swap3A_1018 = arith.constant 960 : index
        %swap3A_1019 = tpu.vector_load %arg14[%swap3A_1017, %swap3A_1018] {strides = array<i32>} : memref<32x1024xf32, #tpu.memory_space<vmem>>, vector<1x16xf32>,
        %swap3A_1020 = vector.shape_cast %swap3A_1019 : vector<1x16xf32> to vector<16xf32>
        %swap3A_1021 = vector.shape_cast %add3A_1016 : vector<16xf32> to vector<1x16xf32>
        tpu.vector_store %arg14[%swap3A_1017, %swap3A_1018], %swap3A_1021 {strides = array<i32>} : memref<32x1024xf32, #tpu.memory_space<vmem>>, vector<1x16xf32>,
        %get3A_1022 = arith.index_cast %scan3A_36 : i32 to index
        %get3A_1023 = arith.constant 976 : index
        %get3A_1024 = tpu.vector_load %arg12[%get3A_1022, %get3A_1023] {strides = array<i32>} : memref<32x1024xf32, #tpu.memory_space<vmem>>, vector<1x16xf32>,
        %get3A_1025 = vector.shape_cast %get3A_1024 : vector<1x16xf32> to vector<16xf32>
        %mul3A_1026 = arith.mulf %get3A_41, %get3A_1025 : vector<16xf32>
        %get3A_1027 = arith.index_cast %scan3A_36 : i32 to index
        %get3A_1028 = arith.constant 976 : index
        %get3A_1029 = tpu.vector_load %arg13[%get3A_1027, %get3A_1028] {strides = array<i32>} : memref<32x1024xf32, #tpu.memory_space<vmem>>, vector<1x16xf32>,
        %get3A_1030 = vector.shape_cast %get3A_1029 : vector<1x16xf32> to vector<16xf32>
        %mul3A_1031 = arith.mulf %get3A_46, %get3A_1030 : vector<16xf32>
        %add3A_1032 = arith.addf %mul3A_1026, %mul3A_1031 : vector<16xf32>
        %swap3A_1033 = arith.index_cast %scan3A_36 : i32 to index
        %swap3A_1034 = arith.constant 976 : index
        %swap3A_1035 = tpu.vector_load %arg14[%swap3A_1033, %swap3A_1034] {strides = array<i32>} : memref<32x1024xf32, #tpu.memory_space<vmem>>, vector<1x16xf32>,
        %swap3A_1036 = vector.shape_cast %swap3A_1035 : vector<1x16xf32> to vector<16xf32>
        %swap3A_1037 = vector.shape_cast %add3A_1032 : vector<16xf32> to vector<1x16xf32>
        tpu.vector_store %arg14[%swap3A_1033, %swap3A_1034], %swap3A_1037 {strides = array<i32>} : memref<32x1024xf32, #tpu.memory_space<vmem>>, vector<1x16xf32>,
        %get3A_1038 = arith.index_cast %scan3A_36 : i32 to index
        %get3A_1039 = arith.constant 992 : index
        %get3A_1040 = tpu.vector_load %arg12[%get3A_1038, %get3A_1039] {strides = array<i32>} : memref<32x1024xf32, #tpu.memory_space<vmem>>, vector<1x16xf32>,
        %get3A_1041 = vector.shape_cast %get3A_1040 : vector<1x16xf32> to vector<16xf32>
        %mul3A_1042 = arith.mulf %get3A_41, %get3A_1041 : vector<16xf32>
        %get3A_1043 = arith.index_cast %scan3A_36 : i32 to index
        %get3A_1044 = arith.constant 992 : index
        %get3A_1045 = tpu.vector_load %arg13[%get3A_1043, %get3A_1044] {strides = array<i32>} : memref<32x1024xf32, #tpu.memory_space<vmem>>, vector<1x16xf32>,
        %get3A_1046 = vector.shape_cast %get3A_1045 : vector<1x16xf32> to vector<16xf32>
        %mul3A_1047 = arith.mulf %get3A_46, %get3A_1046 : vector<16xf32>
        %add3A_1048 = arith.addf %mul3A_1042, %mul3A_1047 : vector<16xf32>
        %swap3A_1049 = arith.index_cast %scan3A_36 : i32 to index
        %swap3A_1050 = arith.constant 992 : index
        %swap3A_1051 = tpu.vector_load %arg14[%swap3A_1049, %swap3A_1050] {strides = array<i32>} : memref<32x1024xf32, #tpu.memory_space<vmem>>, vector<1x16xf32>,
        %swap3A_1052 = vector.shape_cast %swap3A_1051 : vector<1x16xf32> to vector<16xf32>
        %swap3A_1053 = vector.shape_cast %add3A_1048 : vector<16xf32> to vector<1x16xf32>
        tpu.vector_store %arg14[%swap3A_1049, %swap3A_1050], %swap3A_1053 {strides = array<i32>} : memref<32x1024xf32, #tpu.memory_space<vmem>>, vector<1x16xf32>,
        %get3A_1054 = arith.index_cast %scan3A_36 : i32 to index
        %get3A_1055 = arith.constant 1008 : index
        %get3A_1056 = tpu.vector_load %arg12[%get3A_1054, %get3A_1055] {strides = array<i32>} : memref<32x1024xf32, #tpu.memory_space<vmem>>, vector<1x16xf32>,
        %get3A_1057 = vector.shape_cast %get3A_1056 : vector<1x16xf32> to vector<16xf32>
        %mul3A_1058 = arith.mulf %get3A_41, %get3A_1057 : vector<16xf32>
        %get3A_1059 = arith.index_cast %scan3A_36 : i32 to index
        %get3A_1060 = arith.constant 1008 : index
        %get3A_1061 = tpu.vector_load %arg13[%get3A_1059, %get3A_1060] {strides = array<i32>} : memref<32x1024xf32, #tpu.memory_space<vmem>>, vector<1x16xf32>,
        %get3A_1062 = vector.shape_cast %get3A_1061 : vector<1x16xf32> to vector<16xf32>
        %mul3A_1063 = arith.mulf %get3A_46, %get3A_1062 : vector<16xf32>
        %add3A_1064 = arith.addf %mul3A_1058, %mul3A_1063 : vector<16xf32>
        %swap3A_1065 = arith.index_cast %scan3A_36 : i32 to index
        %swap3A_1066 = arith.constant 1008 : index
        %swap3A_1067 = tpu.vector_load %arg14[%swap3A_1065, %swap3A_1066] {strides = array<i32>} : memref<32x1024xf32, #tpu.memory_space<vmem>>, vector<1x16xf32>,
        %swap3A_1068 = vector.shape_cast %swap3A_1067 : vector<1x16xf32> to vector<16xf32>
        %swap3A_1069 = vector.shape_cast %add3A_1064 : vector<16xf32> to vector<1x16xf32>
        tpu.vector_store %arg14[%swap3A_1065, %swap3A_1066], %swap3A_1069 {strides = array<i32>} : memref<32x1024xf32, #tpu.memory_space<vmem>>, vector<1x16xf32>,
        %scan3A_1070 = arith.constant 0 : i32
        scf.yield %scan3A_1070 : i32
      }
      %scan3A_33 = arith.constant 32 : i32
      %add3A_34 = arith.addi %mul3A_2, %mul3A_12 : i32
      "tpu.region"() ({
        %run_scoped3A = tpu.sem_alloc : memref<!tpu.dma_semaphore, #tpu.memory_space<semaphore_mem>>
        %dma_start3A_36 = arith.constant 0 : i32
        %dma_start3A_37 = tpu.memref_slice %arg7[%add3A_34, %dma_start3A_36] : memref<2048x1024xf32, #tpu.memory_space<hbm>> -> memref<32x1024xf32, #tpu.memory_space<hbm>>
        %dma_start3A_38 = arith.constant 0 : i32
        %dma_start3A_39 = tpu.memref_slice %arg7[%add3A_34, %dma_start3A_38] : memref<2048x1024xf32, #tpu.memory_space<hbm>> -> memref<32x1024xf32, #tpu.memory_space<hbm>>
        tpu.enqueue_dma source(%arg14 : memref<32x1024xf32, #tpu.memory_space<vmem>>) target(%dma_start3A_39 : memref<32x1024xf32, #tpu.memory_space<hbm>>) target_semaphore(%run_scoped3A : memref<!tpu.dma_semaphore, #tpu.memory_space<semaphore_mem>>)
        %dma_wait3A_40 = arith.constant 0 : i32
        %dma_wait3A_41 = tpu.memref_slice %arg7[%add3A_34, %dma_wait3A_40] : memref<2048x1024xf32, #tpu.memory_space<hbm>> -> memref<32x1024xf32, #tpu.memory_space<hbm>>
        %dma_wait3A_42 = arith.constant 0 : i32
        %dma_wait3A_43 = tpu.memref_slice %arg7[%add3A_34, %dma_wait3A_42] : memref<2048x1024xf32, #tpu.memory_space<hbm>> -> memref<32x1024xf32, #tpu.memory_space<hbm>>
        tpu.wait_dma2 semaphore(%run_scoped3A : memref<!tpu.dma_semaphore, #tpu.memory_space<semaphore_mem>>) src(%arg14 : memref<32x1024xf32, #tpu.memory_space<vmem>>) dst(%dma_wait3A_43 : memref<32x1024xf32, #tpu.memory_space<hbm>>)
        tpu.yield
      }) : () -> ()
      %scan3A_35 = arith.constant 0 : i32
      scf.yield %scan3A_35 : i32
    }
    %scan3A_8 = arith.constant 2 : i32
    return
  }
}

module attributes {stable_mosaic.version = 14 : i64} {
  func.func @_router_meta_body(%arg0: memref<2048x1024xf32, #tpu.memory_space<vmem>>, %arg1: memref<1024x16xf32, #tpu.memory_space<vmem>>, %arg2: memref<2048x8xi32, #tpu.memory_space<vmem>>, %arg3: memref<2048x16xf32, #tpu.memory_space<vmem>>, %arg4: memref<2048x16xf32, #tpu.memory_space<vmem>>, %arg5: memref<8x16xi32, #tpu.memory_space<vmem>>) attributes {dimension_semantics = [], scalar_prefetch = 0 : i64, scratch_operands = 0 : i64, tpu.core_type = #tpu.core_type<tc>} {
    %get3A = arith.constant 0 : index
    %get3A_0 = arith.constant 0 : index
    %get3A_1 = vector.load %arg0[%get3A, %get3A_0] : memref<2048x1024xf32, #tpu.memory_space<vmem>>, vector<2048x1024xf32>
    %get3A_2 = arith.constant 0 : index
    %get3A_3 = arith.constant 0 : index
    %get3A_4 = vector.load %arg1[%get3A_2, %get3A_3] : memref<1024x16xf32, #tpu.memory_space<vmem>>, vector<1024x16xf32>
    %dot_general3A = arith.constant dense<0.000000e+00> : vector<2048x16xf32>
    %dot_general3A_5 = tpu.matmul %get3A_1, %get3A_4, %dot_general3A {dimension_numbers = #tpu.dot_dimension_numbers<[1], [0], [0], [1], [0, 0, 1, 1], [], []>, transpose_lhs_hint = false} : vector<2048x1024xf32>, vector<1024x16xf32>, vector<2048x16xf32> -> vector<2048x16xf32>
    %reduce_max3A = arith.constant dense<0xFF800000> : vector<2048xf32>
    %reduce_max3A_6 = vector.multi_reduction <maximumf>, %dot_general3A_5, %reduce_max3A [1] : vector<2048x16xf32> to vector<2048xf32>
    %max3A = arith.constant 0xFF800000 : f32
    %max3A_7 = vector.broadcast %max3A : f32 to vector<2048xf32>
    %max3A_8 = arith.maximumf %max3A_7, %reduce_max3A_6 : vector<2048xf32>
    %broadcast_in_dim3A = vector.shape_cast %max3A_8 : vector<2048xf32> to vector<2048x1xf32>
    %sub3A = vector.broadcast %broadcast_in_dim3A : vector<2048x1xf32> to vector<2048x16xf32>
    %sub3A_9 = arith.subf %dot_general3A_5, %sub3A : vector<2048x16xf32>
    %exp3A = math.exp %sub3A_9 : vector<2048x16xf32>
    %reduce_sum3A = arith.constant dense<0.000000e+00> : vector<2048xf32>
    %reduce_sum3A_10 = vector.multi_reduction <add>, %exp3A, %reduce_sum3A [1] : vector<2048x16xf32> to vector<2048xf32>
    %broadcast_in_dim3A_11 = vector.shape_cast %reduce_sum3A_10 : vector<2048xf32> to vector<2048x1xf32>
    %div3A = vector.broadcast %broadcast_in_dim3A_11 : vector<2048x1xf32> to vector<2048x16xf32>
    %div3A_12 = arith.divf %exp3A, %div3A : vector<2048x16xf32>
    %iota3A = tpu.iota {dimensions = array<i32: 1>} : vector<2048x16xi32>
    %reduce_max3A_13 = arith.constant dense<0xFF800000> : vector<2048xf32>
    %reduce_max3A_14 = vector.multi_reduction <maximumf>, %div3A_12, %reduce_max3A_13 [1] : vector<2048x16xf32> to vector<2048xf32>
    %broadcast_in_dim3A_15 = vector.shape_cast %reduce_max3A_14 : vector<2048xf32> to vector<2048x1xf32>
    %eq3A = vector.broadcast %broadcast_in_dim3A_15 : vector<2048x1xf32> to vector<2048x16xf32>
    %eq3A_16 = arith.cmpf oeq, %div3A_12, %eq3A : vector<2048x16xf32>
    %jit3A = arith.constant 16 : i32
    %broadcast_in_dim3A_17 = vector.broadcast %jit3A : i32 to vector<2048x16xi32>
    %select_n3A = arith.select %eq3A_16, %iota3A, %broadcast_in_dim3A_17 : vector<2048x16xi1>, vector<2048x16xi32>
    %reduce_min3A = arith.constant dense<2147483647> : vector<2048xi32>
    %reduce_min3A_18 = vector.multi_reduction <minsi>, %select_n3A, %reduce_min3A [1] : vector<2048x16xi32> to vector<2048xi32>
    %broadcast_in_dim3A_19 = vector.shape_cast %reduce_min3A_18 : vector<2048xi32> to vector<2048x1xi32>
    %eq3A_20 = vector.broadcast %broadcast_in_dim3A_19 : vector<2048x1xi32> to vector<2048x16xi32>
    %eq3A_21 = arith.cmpi eq, %iota3A, %eq3A_20 : vector<2048x16xi32>
    %jit3A_22 = arith.constant 0xFF800000 : f32
    %broadcast_in_dim3A_23 = vector.broadcast %jit3A_22 : f32 to vector<2048x16xf32>
    %select_n3A_24 = arith.select %eq3A_21, %broadcast_in_dim3A_23, %div3A_12 : vector<2048x16xi1>, vector<2048x16xf32>
    %reduce_max3A_25 = arith.constant dense<0xFF800000> : vector<2048xf32>
    %reduce_max3A_26 = vector.multi_reduction <maximumf>, %select_n3A_24, %reduce_max3A_25 [1] : vector<2048x16xf32> to vector<2048xf32>
    %broadcast_in_dim3A_27 = vector.shape_cast %reduce_max3A_26 : vector<2048xf32> to vector<2048x1xf32>
    %eq3A_28 = vector.broadcast %broadcast_in_dim3A_27 : vector<2048x1xf32> to vector<2048x16xf32>
    %eq3A_29 = arith.cmpf oeq, %select_n3A_24, %eq3A_28 : vector<2048x16xf32>
    %jit3A_30 = arith.constant 16 : i32
    %broadcast_in_dim3A_31 = vector.broadcast %jit3A_30 : i32 to vector<2048x16xi32>
    %select_n3A_32 = arith.select %eq3A_29, %iota3A, %broadcast_in_dim3A_31 : vector<2048x16xi1>, vector<2048x16xi32>
    %reduce_min3A_33 = arith.constant dense<2147483647> : vector<2048xi32>
    %reduce_min3A_34 = vector.multi_reduction <minsi>, %select_n3A_32, %reduce_min3A_33 [1] : vector<2048x16xi32> to vector<2048xi32>
    %broadcast_in_dim3A_35 = vector.shape_cast %reduce_min3A_34 : vector<2048xi32> to vector<2048x1xi32>
    %add3A = arith.addf %broadcast_in_dim3A_15, %broadcast_in_dim3A_27 : vector<2048x1xf32>
    %eq3A_36 = vector.broadcast %broadcast_in_dim3A_19 : vector<2048x1xi32> to vector<2048x16xi32>
    %eq3A_37 = arith.cmpi eq, %iota3A, %eq3A_36 : vector<2048x16xi32>
    %eq3A_38 = vector.broadcast %broadcast_in_dim3A_35 : vector<2048x1xi32> to vector<2048x16xi32>
    %eq3A_39 = arith.cmpi eq, %iota3A, %eq3A_38 : vector<2048x16xi32>
    %or3A = arith.ori %eq3A_37, %eq3A_39 : vector<2048x16xi1>
    %eq3A_40 = vector.broadcast %broadcast_in_dim3A_19 : vector<2048x1xi32> to vector<2048x16xi32>
    %eq3A_41 = arith.cmpi eq, %iota3A, %eq3A_40 : vector<2048x16xi32>
    %eq3A_42 = vector.broadcast %broadcast_in_dim3A_35 : vector<2048x1xi32> to vector<2048x16xi32>
    %eq3A_43 = arith.cmpi eq, %iota3A, %eq3A_42 : vector<2048x16xi32>
    %jit3A_44 = arith.constant 0.000000e+00 : f32
    %broadcast_in_dim3A_45 = vector.shape_cast %broadcast_in_dim3A_27 : vector<2048x1xf32> to vector<2048x1xf32>
    %broadcast_in_dim3A_46 = vector.broadcast %broadcast_in_dim3A_45 : vector<2048x1xf32> to vector<2048x16xf32>
    %broadcast_in_dim3A_47 = vector.broadcast %jit3A_44 : f32 to vector<2048x16xf32>
    %select_n3A_48 = arith.select %eq3A_43, %broadcast_in_dim3A_46, %broadcast_in_dim3A_47 : vector<2048x16xi1>, vector<2048x16xf32>
    %broadcast_in_dim3A_49 = vector.shape_cast %broadcast_in_dim3A_15 : vector<2048x1xf32> to vector<2048x1xf32>
    %broadcast_in_dim3A_50 = vector.broadcast %broadcast_in_dim3A_49 : vector<2048x1xf32> to vector<2048x16xf32>
    %select_n3A_51 = arith.select %eq3A_41, %broadcast_in_dim3A_50, %select_n3A_48 : vector<2048x16xi1>, vector<2048x16xf32>
    %div3A_52 = vector.broadcast %add3A : vector<2048x1xf32> to vector<2048x16xf32>
    %div3A_53 = arith.divf %select_n3A_51, %div3A_52 : vector<2048x16xf32>
    %convert_element_type3A = arith.extui %or3A : vector<2048x16xi1> to vector<2048x16xi32>
    %convert_element_type3A_54 = arith.sitofp %convert_element_type3A : vector<2048x16xi32> to vector<2048x16xf32>
    %iota3A_55 = tpu.iota {dimensions = array<i32: 0>} : vector<256x256xi32>
    %iota3A_56 = tpu.iota {dimensions = array<i32: 1>} : vector<256x256xi32>
    %ge3A = arith.cmpi sge, %iota3A_55, %iota3A_56 : vector<256x256xi32>
    %convert_element_type3A_57 = arith.extui %ge3A : vector<256x256xi1> to vector<256x256xi32>
    %convert_element_type3A_58 = arith.sitofp %convert_element_type3A_57 : vector<256x256xi32> to vector<256x256xf32>
    %broadcast_in_dim3A_59 = arith.constant 0.000000e+00 : f32
    %broadcast_in_dim3A_60 = vector.broadcast %broadcast_in_dim3A_59 : f32 to vector<1x16xf32>
    %slice3A = vector.extract_strided_slice %convert_element_type3A_54 {offsets = [0, 0], sizes = [256, 16], strides = [1, 1]} : vector<2048x16xf32> to vector<256x16xf32>
    %dot_general3A_61 = arith.constant dense<0.000000e+00> : vector<256x16xf32>
    %dot_general3A_62 = tpu.matmul %convert_element_type3A_58, %slice3A, %dot_general3A_61 {dimension_numbers = #tpu.dot_dimension_numbers<[1], [0], [0], [1], [0, 0, 1, 1], [], []>, transpose_lhs_hint = false} : vector<256x256xf32>, vector<256x16xf32>, vector<256x16xf32> -> vector<256x16xf32>
    %add3A_63 = vector.broadcast %broadcast_in_dim3A_60 : vector<1x16xf32> to vector<256x16xf32>
    %add3A_64 = arith.addf %dot_general3A_62, %add3A_63 : vector<256x16xf32>
    %slice3A_65 = vector.extract_strided_slice %add3A_64 {offsets = [255, 0], sizes = [1, 16], strides = [1, 1]} : vector<256x16xf32> to vector<1x16xf32>
    %slice3A_66 = vector.extract_strided_slice %convert_element_type3A_54 {offsets = [256, 0], sizes = [256, 16], strides = [1, 1]} : vector<2048x16xf32> to vector<256x16xf32>
    %dot_general3A_67 = arith.constant dense<0.000000e+00> : vector<256x16xf32>
    %dot_general3A_68 = tpu.matmul %convert_element_type3A_58, %slice3A_66, %dot_general3A_67 {dimension_numbers = #tpu.dot_dimension_numbers<[1], [0], [0], [1], [0, 0, 1, 1], [], []>, transpose_lhs_hint = false} : vector<256x256xf32>, vector<256x16xf32>, vector<256x16xf32> -> vector<256x16xf32>
    %add3A_69 = vector.broadcast %slice3A_65 : vector<1x16xf32> to vector<256x16xf32>
    %add3A_70 = arith.addf %dot_general3A_68, %add3A_69 : vector<256x16xf32>
    %slice3A_71 = vector.extract_strided_slice %add3A_70 {offsets = [255, 0], sizes = [1, 16], strides = [1, 1]} : vector<256x16xf32> to vector<1x16xf32>
    %slice3A_72 = vector.extract_strided_slice %convert_element_type3A_54 {offsets = [512, 0], sizes = [256, 16], strides = [1, 1]} : vector<2048x16xf32> to vector<256x16xf32>
    %dot_general3A_73 = arith.constant dense<0.000000e+00> : vector<256x16xf32>
    %dot_general3A_74 = tpu.matmul %convert_element_type3A_58, %slice3A_72, %dot_general3A_73 {dimension_numbers = #tpu.dot_dimension_numbers<[1], [0], [0], [1], [0, 0, 1, 1], [], []>, transpose_lhs_hint = false} : vector<256x256xf32>, vector<256x16xf32>, vector<256x16xf32> -> vector<256x16xf32>
    %add3A_75 = vector.broadcast %slice3A_71 : vector<1x16xf32> to vector<256x16xf32>
    %add3A_76 = arith.addf %dot_general3A_74, %add3A_75 : vector<256x16xf32>
    %slice3A_77 = vector.extract_strided_slice %add3A_76 {offsets = [255, 0], sizes = [1, 16], strides = [1, 1]} : vector<256x16xf32> to vector<1x16xf32>
    %slice3A_78 = vector.extract_strided_slice %convert_element_type3A_54 {offsets = [768, 0], sizes = [256, 16], strides = [1, 1]} : vector<2048x16xf32> to vector<256x16xf32>
    %dot_general3A_79 = arith.constant dense<0.000000e+00> : vector<256x16xf32>
    %dot_general3A_80 = tpu.matmul %convert_element_type3A_58, %slice3A_78, %dot_general3A_79 {dimension_numbers = #tpu.dot_dimension_numbers<[1], [0], [0], [1], [0, 0, 1, 1], [], []>, transpose_lhs_hint = false} : vector<256x256xf32>, vector<256x16xf32>, vector<256x16xf32> -> vector<256x16xf32>
    %add3A_81 = vector.broadcast %slice3A_77 : vector<1x16xf32> to vector<256x16xf32>
    %add3A_82 = arith.addf %dot_general3A_80, %add3A_81 : vector<256x16xf32>
    %slice3A_83 = vector.extract_strided_slice %add3A_82 {offsets = [255, 0], sizes = [1, 16], strides = [1, 1]} : vector<256x16xf32> to vector<1x16xf32>
    %slice3A_84 = vector.extract_strided_slice %convert_element_type3A_54 {offsets = [1024, 0], sizes = [256, 16], strides = [1, 1]} : vector<2048x16xf32> to vector<256x16xf32>
    %dot_general3A_85 = arith.constant dense<0.000000e+00> : vector<256x16xf32>
    %dot_general3A_86 = tpu.matmul %convert_element_type3A_58, %slice3A_84, %dot_general3A_85 {dimension_numbers = #tpu.dot_dimension_numbers<[1], [0], [0], [1], [0, 0, 1, 1], [], []>, transpose_lhs_hint = false} : vector<256x256xf32>, vector<256x16xf32>, vector<256x16xf32> -> vector<256x16xf32>
    %add3A_87 = vector.broadcast %slice3A_83 : vector<1x16xf32> to vector<256x16xf32>
    %add3A_88 = arith.addf %dot_general3A_86, %add3A_87 : vector<256x16xf32>
    %slice3A_89 = vector.extract_strided_slice %add3A_88 {offsets = [255, 0], sizes = [1, 16], strides = [1, 1]} : vector<256x16xf32> to vector<1x16xf32>
    %slice3A_90 = vector.extract_strided_slice %convert_element_type3A_54 {offsets = [1280, 0], sizes = [256, 16], strides = [1, 1]} : vector<2048x16xf32> to vector<256x16xf32>
    %dot_general3A_91 = arith.constant dense<0.000000e+00> : vector<256x16xf32>
    %dot_general3A_92 = tpu.matmul %convert_element_type3A_58, %slice3A_90, %dot_general3A_91 {dimension_numbers = #tpu.dot_dimension_numbers<[1], [0], [0], [1], [0, 0, 1, 1], [], []>, transpose_lhs_hint = false} : vector<256x256xf32>, vector<256x16xf32>, vector<256x16xf32> -> vector<256x16xf32>
    %add3A_93 = vector.broadcast %slice3A_89 : vector<1x16xf32> to vector<256x16xf32>
    %add3A_94 = arith.addf %dot_general3A_92, %add3A_93 : vector<256x16xf32>
    %slice3A_95 = vector.extract_strided_slice %add3A_94 {offsets = [255, 0], sizes = [1, 16], strides = [1, 1]} : vector<256x16xf32> to vector<1x16xf32>
    %slice3A_96 = vector.extract_strided_slice %convert_element_type3A_54 {offsets = [1536, 0], sizes = [256, 16], strides = [1, 1]} : vector<2048x16xf32> to vector<256x16xf32>
    %dot_general3A_97 = arith.constant dense<0.000000e+00> : vector<256x16xf32>
    %dot_general3A_98 = tpu.matmul %convert_element_type3A_58, %slice3A_96, %dot_general3A_97 {dimension_numbers = #tpu.dot_dimension_numbers<[1], [0], [0], [1], [0, 0, 1, 1], [], []>, transpose_lhs_hint = false} : vector<256x256xf32>, vector<256x16xf32>, vector<256x16xf32> -> vector<256x16xf32>
    %add3A_99 = vector.broadcast %slice3A_95 : vector<1x16xf32> to vector<256x16xf32>
    %add3A_100 = arith.addf %dot_general3A_98, %add3A_99 : vector<256x16xf32>
    %slice3A_101 = vector.extract_strided_slice %add3A_100 {offsets = [255, 0], sizes = [1, 16], strides = [1, 1]} : vector<256x16xf32> to vector<1x16xf32>
    %slice3A_102 = vector.extract_strided_slice %convert_element_type3A_54 {offsets = [1792, 0], sizes = [256, 16], strides = [1, 1]} : vector<2048x16xf32> to vector<256x16xf32>
    %dot_general3A_103 = arith.constant dense<0.000000e+00> : vector<256x16xf32>
    %dot_general3A_104 = tpu.matmul %convert_element_type3A_58, %slice3A_102, %dot_general3A_103 {dimension_numbers = #tpu.dot_dimension_numbers<[1], [0], [0], [1], [0, 0, 1, 1], [], []>, transpose_lhs_hint = false} : vector<256x256xf32>, vector<256x16xf32>, vector<256x16xf32> -> vector<256x16xf32>
    %add3A_105 = vector.broadcast %slice3A_101 : vector<1x16xf32> to vector<256x16xf32>
    %add3A_106 = arith.addf %dot_general3A_104, %add3A_105 : vector<256x16xf32>
    %slice3A_107 = vector.extract_strided_slice %add3A_106 {offsets = [255, 0], sizes = [1, 16], strides = [1, 1]} : vector<256x16xf32> to vector<1x16xf32>
    %concatenate3A = tpu.concatenate %add3A_64, %add3A_70, %add3A_76, %add3A_82, %add3A_88, %add3A_94, %add3A_100, %add3A_106 in 0 : vector<256x16xf32>, vector<256x16xf32>, vector<256x16xf32>, vector<256x16xf32>, vector<256x16xf32>, vector<256x16xf32>, vector<256x16xf32>, vector<256x16xf32> -> vector<2048x16xf32>
    %convert_element_type3A_108 = arith.fptosi %slice3A_107 : vector<1x16xf32> to vector<1x16xi32>
    %add3A_109 = arith.constant 255 : i32
    %add3A_110 = vector.broadcast %add3A_109 : i32 to vector<1x16xi32>
    %add3A_111 = arith.addi %convert_element_type3A_108, %add3A_110 : vector<1x16xi32>
    %shift_right_arithmetic3A = arith.constant 8 : i32
    %shift_right_arithmetic3A_112 = vector.broadcast %shift_right_arithmetic3A : i32 to vector<1x16xi32>
    %shift_right_arithmetic3A_113 = arith.shrsi %add3A_111, %shift_right_arithmetic3A_112 : vector<1x16xi32>
    %convert_element_type3A_114 = arith.sitofp %shift_right_arithmetic3A_113 : vector<1x16xi32> to vector<1x16xf32>
    %broadcast_in_dim3A_115 = vector.shape_cast %convert_element_type3A_114 : vector<1x16xf32> to vector<1x16xf32>
    %broadcast_in_dim3A_116 = vector.broadcast %broadcast_in_dim3A_115 : vector<1x16xf32> to vector<8x16xf32>
    %iota3A_117 = tpu.iota {dimensions = array<i32: 0>} : vector<16x16xi32>
    %iota3A_118 = tpu.iota {dimensions = array<i32: 1>} : vector<16x16xi32>
    %lt3A = arith.cmpi slt, %iota3A_117, %iota3A_118 : vector<16x16xi32>
    %convert_element_type3A_119 = arith.extui %lt3A : vector<16x16xi1> to vector<16x16xi32>
    %convert_element_type3A_120 = arith.sitofp %convert_element_type3A_119 : vector<16x16xi32> to vector<16x16xf32>
    %dot_general3A_121 = arith.constant dense<0.000000e+00> : vector<8x16xf32>
    %dot_general3A_122 = tpu.matmul %broadcast_in_dim3A_116, %convert_element_type3A_120, %dot_general3A_121 {dimension_numbers = #tpu.dot_dimension_numbers<[1], [0], [0], [1], [0, 0, 1, 1], [], []>, transpose_lhs_hint = false} : vector<8x16xf32>, vector<16x16xf32>, vector<8x16xf32> -> vector<8x16xf32>
    %slice3A_123 = vector.extract_strided_slice %dot_general3A_122 {offsets = [0, 0], sizes = [1, 16], strides = [1, 1]} : vector<8x16xf32> to vector<1x16xf32>
    %mul3A = arith.constant 2.560000e+02 : f32
    %mul3A_124 = vector.broadcast %mul3A : f32 to vector<1x16xf32>
    %mul3A_125 = arith.mulf %slice3A_123, %mul3A_124 : vector<1x16xf32>
    %add3A_126 = vector.broadcast %mul3A_125 : vector<1x16xf32> to vector<2048x16xf32>
    %add3A_127 = arith.addf %add3A_126, %concatenate3A : vector<2048x16xf32>
    %sub3A_128 = arith.constant 1.000000e+00 : f32
    %sub3A_129 = vector.broadcast %sub3A_128 : f32 to vector<2048x16xf32>
    %sub3A_130 = arith.subf %add3A_127, %sub3A_129 : vector<2048x16xf32>
    %min3A = arith.minsi %broadcast_in_dim3A_19, %broadcast_in_dim3A_35 : vector<2048x1xi32>
    %max3A_131 = arith.maxsi %broadcast_in_dim3A_19, %broadcast_in_dim3A_35 : vector<2048x1xi32>
    %eq3A_132 = vector.broadcast %min3A : vector<2048x1xi32> to vector<2048x16xi32>
    %eq3A_133 = arith.cmpi eq, %iota3A, %eq3A_132 : vector<2048x16xi32>
    %jit3A_134 = arith.constant 0.000000e+00 : f32
    %broadcast_in_dim3A_135 = vector.broadcast %jit3A_134 : f32 to vector<2048x16xf32>
    %select_n3A_136 = arith.select %eq3A_133, %sub3A_130, %broadcast_in_dim3A_135 : vector<2048x16xi1>, vector<2048x16xf32>
    %reduce_sum3A_137 = arith.constant dense<0.000000e+00> : vector<2048xf32>
    %reduce_sum3A_138 = vector.multi_reduction <add>, %select_n3A_136, %reduce_sum3A_137 [1] : vector<2048x16xf32> to vector<2048xf32>
    %broadcast_in_dim3A_139 = vector.shape_cast %reduce_sum3A_138 : vector<2048xf32> to vector<2048x1xf32>
    %eq3A_140 = vector.broadcast %max3A_131 : vector<2048x1xi32> to vector<2048x16xi32>
    %eq3A_141 = arith.cmpi eq, %iota3A, %eq3A_140 : vector<2048x16xi32>
    %jit3A_142 = arith.constant 0.000000e+00 : f32
    %broadcast_in_dim3A_143 = vector.broadcast %jit3A_142 : f32 to vector<2048x16xf32>
    %select_n3A_144 = arith.select %eq3A_141, %sub3A_130, %broadcast_in_dim3A_143 : vector<2048x16xi1>, vector<2048x16xf32>
    %reduce_sum3A_145 = arith.constant dense<0.000000e+00> : vector<2048xf32>
    %reduce_sum3A_146 = vector.multi_reduction <add>, %select_n3A_144, %reduce_sum3A_145 [1] : vector<2048x16xf32> to vector<2048xf32>
    %broadcast_in_dim3A_147 = vector.shape_cast %reduce_sum3A_146 : vector<2048xf32> to vector<2048x1xf32>
    %eq3A_148 = vector.broadcast %min3A : vector<2048x1xi32> to vector<2048x16xi32>
    %eq3A_149 = arith.cmpi eq, %iota3A, %eq3A_148 : vector<2048x16xi32>
    %jit3A_150 = arith.constant 0.000000e+00 : f32
    %broadcast_in_dim3A_151 = vector.broadcast %jit3A_150 : f32 to vector<2048x16xf32>
    %select_n3A_152 = arith.select %eq3A_149, %div3A_53, %broadcast_in_dim3A_151 : vector<2048x16xi1>, vector<2048x16xf32>
    %reduce_sum3A_153 = arith.constant dense<0.000000e+00> : vector<2048xf32>
    %reduce_sum3A_154 = vector.multi_reduction <add>, %select_n3A_152, %reduce_sum3A_153 [1] : vector<2048x16xf32> to vector<2048xf32>
    %broadcast_in_dim3A_155 = vector.shape_cast %reduce_sum3A_154 : vector<2048xf32> to vector<2048x1xf32>
    %eq3A_156 = vector.broadcast %max3A_131 : vector<2048x1xi32> to vector<2048x16xi32>
    %eq3A_157 = arith.cmpi eq, %iota3A, %eq3A_156 : vector<2048x16xi32>
    %jit3A_158 = arith.constant 0.000000e+00 : f32
    %broadcast_in_dim3A_159 = vector.broadcast %jit3A_158 : f32 to vector<2048x16xf32>
    %select_n3A_160 = arith.select %eq3A_157, %div3A_53, %broadcast_in_dim3A_159 : vector<2048x16xi1>, vector<2048x16xf32>
    %reduce_sum3A_161 = arith.constant dense<0.000000e+00> : vector<2048xf32>
    %reduce_sum3A_162 = vector.multi_reduction <add>, %select_n3A_160, %reduce_sum3A_161 [1] : vector<2048x16xf32> to vector<2048xf32>
    %broadcast_in_dim3A_163 = vector.shape_cast %reduce_sum3A_162 : vector<2048xf32> to vector<2048x1xf32>
    %iota3A_164 = tpu.iota {dimensions = array<i32: 1>} : vector<2048x8xi32>
    %eq3A_165 = arith.constant 0 : i32
    %eq3A_166 = vector.broadcast %eq3A_165 : i32 to vector<2048x8xi32>
    %eq3A_167 = arith.cmpi eq, %iota3A_164, %eq3A_166 : vector<2048x8xi32>
    %convert_element_type3A_168 = arith.fptosi %broadcast_in_dim3A_139 : vector<2048x1xf32> to vector<2048x1xi32>
    %eq3A_169 = arith.constant 1 : i32
    %eq3A_170 = vector.broadcast %eq3A_169 : i32 to vector<2048x8xi32>
    %eq3A_171 = arith.cmpi eq, %iota3A_164, %eq3A_170 : vector<2048x8xi32>
    %convert_element_type3A_172 = arith.fptosi %broadcast_in_dim3A_147 : vector<2048x1xf32> to vector<2048x1xi32>
    %jit3A_173 = arith.constant 0 : i32
    %broadcast_in_dim3A_174 = vector.shape_cast %convert_element_type3A_172 : vector<2048x1xi32> to vector<2048x1xi32>
    %broadcast_in_dim3A_175 = vector.broadcast %broadcast_in_dim3A_174 : vector<2048x1xi32> to vector<2048x8xi32>
    %broadcast_in_dim3A_176 = vector.broadcast %jit3A_173 : i32 to vector<2048x8xi32>
    %select_n3A_177 = arith.select %eq3A_171, %broadcast_in_dim3A_175, %broadcast_in_dim3A_176 : vector<2048x8xi1>, vector<2048x8xi32>
    %broadcast_in_dim3A_178 = vector.shape_cast %convert_element_type3A_168 : vector<2048x1xi32> to vector<2048x1xi32>
    %broadcast_in_dim3A_179 = vector.broadcast %broadcast_in_dim3A_178 : vector<2048x1xi32> to vector<2048x8xi32>
    %select_n3A_180 = arith.select %eq3A_167, %broadcast_in_dim3A_179, %select_n3A_177 : vector<2048x8xi1>, vector<2048x8xi32>
    %swap3A = arith.constant 0 : index
    %swap3A_181 = arith.constant 0 : index
    %swap3A_182 = vector.load %arg2[%swap3A, %swap3A_181] : memref<2048x8xi32, #tpu.memory_space<vmem>>, vector<2048x8xi32>
    tpu.vector_store %arg2[%swap3A, %swap3A_181], %select_n3A_180 {strides = array<i32>} : memref<2048x8xi32, #tpu.memory_space<vmem>>, vector<2048x8xi32>,
    %broadcast_in_dim3A_183 = vector.shape_cast %broadcast_in_dim3A_155 : vector<2048x1xf32> to vector<2048x1xf32>
    %broadcast_in_dim3A_184 = vector.broadcast %broadcast_in_dim3A_183 : vector<2048x1xf32> to vector<2048x16xf32>
    %swap3A_185 = arith.constant 0 : index
    %swap3A_186 = arith.constant 0 : index
    %swap3A_187 = vector.load %arg3[%swap3A_185, %swap3A_186] : memref<2048x16xf32, #tpu.memory_space<vmem>>, vector<2048x16xf32>
    tpu.vector_store %arg3[%swap3A_185, %swap3A_186], %broadcast_in_dim3A_184 {strides = array<i32>} : memref<2048x16xf32, #tpu.memory_space<vmem>>, vector<2048x16xf32>,
    %broadcast_in_dim3A_188 = vector.shape_cast %broadcast_in_dim3A_163 : vector<2048x1xf32> to vector<2048x1xf32>
    %broadcast_in_dim3A_189 = vector.broadcast %broadcast_in_dim3A_188 : vector<2048x1xf32> to vector<2048x16xf32>
    %swap3A_190 = arith.constant 0 : index
    %swap3A_191 = arith.constant 0 : index
    %swap3A_192 = vector.load %arg4[%swap3A_190, %swap3A_191] : memref<2048x16xf32, #tpu.memory_space<vmem>>, vector<2048x16xf32>
    tpu.vector_store %arg4[%swap3A_190, %swap3A_191], %broadcast_in_dim3A_189 {strides = array<i32>} : memref<2048x16xf32, #tpu.memory_space<vmem>>, vector<2048x16xf32>,
    %broadcast_in_dim3A_193 = vector.shape_cast %convert_element_type3A_108 : vector<1x16xi32> to vector<1x16xi32>
    %broadcast_in_dim3A_194 = vector.broadcast %broadcast_in_dim3A_193 : vector<1x16xi32> to vector<8x16xi32>
    %swap3A_195 = arith.constant 0 : index
    %swap3A_196 = arith.constant 0 : index
    %swap3A_197 = vector.load %arg5[%swap3A_195, %swap3A_196] : memref<8x16xi32, #tpu.memory_space<vmem>>, vector<8x16xi32>
    tpu.vector_store %arg5[%swap3A_195, %swap3A_196], %broadcast_in_dim3A_194 {strides = array<i32>} : memref<8x16xi32, #tpu.memory_space<vmem>>, vector<8x16xi32>,
    return
  }
}

module attributes {stable_mosaic.version = 14 : i64} {
  func.func @_group_ffn_body(%arg0: i32, %arg1: memref<32xi32, #tpu.memory_space<smem>>, %arg2: memref<32xi32, #tpu.memory_space<smem>>, %arg3: memref<256x1024xf32, #tpu.memory_space<vmem>>, %arg4: memref<1x1024x768xf32, #tpu.memory_space<vmem>>, %arg5: memref<1x1024x768xf32, #tpu.memory_space<vmem>>, %arg6: memref<1x768x1024xf32, #tpu.memory_space<vmem>>, %arg7: memref<256x1024xf32, #tpu.memory_space<vmem>>) attributes {dimension_semantics = [#tpu.dimension_semantics<arbitrary>], iteration_bounds = array<i64: 32>, scalar_prefetch = 2 : i64, scratch_operands = 0 : i64, tpu.core_type = #tpu.core_type<tc>, window_params = [{transform_indices = @transform_0, window_bounds = array<i64: 256, 1024>}, {transform_indices = @transform_1, window_bounds = array<i64: 1, 1024, 768>}, {transform_indices = @transform_2, window_bounds = array<i64: 1, 1024, 768>}, {transform_indices = @transform_3, window_bounds = array<i64: 1, 768, 1024>}, {transform_indices = @transform_4, window_bounds = array<i64: 256, 1024>}]} {
    %get3A = arith.index_cast %arg0 : i32 to index
    %get3A_0 = memref.load %arg2[%get3A] : memref<32xi32, #tpu.memory_space<smem>>
    %gt3A = arith.constant 0 : i32
    %gt3A_1 = arith.cmpi sgt, %get3A_0, %gt3A : i32
    %convert_element_type3A = arith.extui %gt3A_1 : i1 to i32
    %cond3A = arith.constant 0 : i32
    %cond3A_2 = arith.cmpi ne, %convert_element_type3A, %cond3A : i32
    scf.if %cond3A_2 {
      %get3A_3 = arith.constant 0 : index
      %get3A_4 = arith.constant 0 : index
      %get3A_5 = vector.load %arg3[%get3A_3, %get3A_4] : memref<256x1024xf32, #tpu.memory_space<vmem>>, vector<256x1024xf32>
      %get3A_6 = arith.constant 0 : index
      %get3A_7 = arith.constant 0 : index
      %get3A_8 = arith.constant 0 : index
      %get3A_9 = vector.load %arg4[%get3A_6, %get3A_7, %get3A_8] : memref<1x1024x768xf32, #tpu.memory_space<vmem>>, vector<1x1024x768xf32>
      %get3A_10 = vector.shape_cast %get3A_9 : vector<1x1024x768xf32> to vector<1024x768xf32>
      %dot_general3A = arith.constant dense<0.000000e+00> : vector<256x768xf32>
      %dot_general3A_11 = tpu.matmul %get3A_5, %get3A_10, %dot_general3A {dimension_numbers = #tpu.dot_dimension_numbers<[1], [0], [0], [1], [0, 0, 1, 1], [], []>, transpose_lhs_hint = false} : vector<256x1024xf32>, vector<1024x768xf32>, vector<256x768xf32> -> vector<256x768xf32>
      %get3A_12 = arith.constant 0 : index
      %get3A_13 = arith.constant 0 : index
      %get3A_14 = arith.constant 0 : index
      %get3A_15 = vector.load %arg5[%get3A_12, %get3A_13, %get3A_14] : memref<1x1024x768xf32, #tpu.memory_space<vmem>>, vector<1x1024x768xf32>
      %get3A_16 = vector.shape_cast %get3A_15 : vector<1x1024x768xf32> to vector<1024x768xf32>
      %dot_general3A_17 = arith.constant dense<0.000000e+00> : vector<256x768xf32>
      %dot_general3A_18 = tpu.matmul %get3A_5, %get3A_16, %dot_general3A_17 {dimension_numbers = #tpu.dot_dimension_numbers<[1], [0], [0], [1], [0, 0, 1, 1], [], []>, transpose_lhs_hint = false} : vector<256x1024xf32>, vector<1024x768xf32>, vector<256x768xf32> -> vector<256x768xf32>
      %logistic3A = arith.negf %dot_general3A_11 : vector<256x768xf32>
      %logistic3A_19 = math.exp %logistic3A : vector<256x768xf32>
      %logistic3A_20 = arith.constant 1.000000e+00 : f32
      %logistic3A_21 = vector.broadcast %logistic3A_20 : f32 to vector<256x768xf32>
      %logistic3A_22 = arith.addf %logistic3A_21, %logistic3A_19 : vector<256x768xf32>
      %logistic3A_23 = arith.divf %logistic3A_21, %logistic3A_22 : vector<256x768xf32>
      %mul3A = arith.mulf %dot_general3A_11, %logistic3A_23 : vector<256x768xf32>
      %mul3A_24 = arith.mulf %mul3A, %dot_general3A_18 : vector<256x768xf32>
      %get3A_25 = arith.constant 0 : index
      %get3A_26 = arith.constant 0 : index
      %get3A_27 = arith.constant 0 : index
      %get3A_28 = vector.load %arg6[%get3A_25, %get3A_26, %get3A_27] : memref<1x768x1024xf32, #tpu.memory_space<vmem>>, vector<1x768x1024xf32>
      %get3A_29 = vector.shape_cast %get3A_28 : vector<1x768x1024xf32> to vector<768x1024xf32>
      %dot_general3A_30 = arith.constant dense<0.000000e+00> : vector<256x1024xf32>
      %dot_general3A_31 = tpu.matmul %mul3A_24, %get3A_29, %dot_general3A_30 {dimension_numbers = #tpu.dot_dimension_numbers<[1], [0], [0], [1], [0, 0, 1, 1], [], []>, transpose_lhs_hint = false} : vector<256x768xf32>, vector<768x1024xf32>, vector<256x1024xf32> -> vector<256x1024xf32>
      %swap3A = arith.constant 0 : index
      %swap3A_32 = arith.constant 0 : index
      %swap3A_33 = vector.load %arg7[%swap3A, %swap3A_32] : memref<256x1024xf32, #tpu.memory_space<vmem>>, vector<256x1024xf32>
      tpu.vector_store %arg7[%swap3A, %swap3A_32], %dot_general3A_31 {strides = array<i32>} : memref<256x1024xf32, #tpu.memory_space<vmem>>, vector<256x1024xf32>,
    } else {
    }
    return
  }
  func.func @transform_0(%arg0: i32, %arg1: memref<32xi32, #tpu.memory_space<smem>>, %arg2: memref<32xi32, #tpu.memory_space<smem>>) -> (i32, i32) {
    %get3A = arith.index_cast %arg0 : i32 to index
    %get3A_0 = memref.load %arg2[%get3A] : memref<32xi32, #tpu.memory_space<smem>>
    %gt3A = arith.constant 0 : i32
    %gt3A_1 = arith.cmpi sgt, %get3A_0, %gt3A : i32
    %jit3A = arith.constant 31 : i32
    %select_n3A = arith.select %gt3A_1, %arg0, %jit3A : i32
    %c0_i32 = arith.constant 0 : i32
    %c0_i32_2 = arith.constant 0 : i32
    return %select_n3A, %c0_i32 : i32, i32
  }
  func.func @transform_1(%arg0: i32, %arg1: memref<32xi32, #tpu.memory_space<smem>>, %arg2: memref<32xi32, #tpu.memory_space<smem>>) -> (i32, i32, i32) {
    %get3A = arith.index_cast %arg0 : i32 to index
    %get3A_0 = memref.load %arg1[%get3A] : memref<32xi32, #tpu.memory_space<smem>>
    %c0_i32 = arith.constant 0 : i32
    %c0_i32_1 = arith.constant 0 : i32
    %c0_i32_2 = arith.constant 0 : i32
    return %get3A_0, %c0_i32, %c0_i32_1 : i32, i32, i32
  }
  func.func @transform_2(%arg0: i32, %arg1: memref<32xi32, #tpu.memory_space<smem>>, %arg2: memref<32xi32, #tpu.memory_space<smem>>) -> (i32, i32, i32) {
    %get3A = arith.index_cast %arg0 : i32 to index
    %get3A_0 = memref.load %arg1[%get3A] : memref<32xi32, #tpu.memory_space<smem>>
    %c0_i32 = arith.constant 0 : i32
    %c0_i32_1 = arith.constant 0 : i32
    %c0_i32_2 = arith.constant 0 : i32
    return %get3A_0, %c0_i32, %c0_i32_1 : i32, i32, i32
  }
  func.func @transform_3(%arg0: i32, %arg1: memref<32xi32, #tpu.memory_space<smem>>, %arg2: memref<32xi32, #tpu.memory_space<smem>>) -> (i32, i32, i32) {
    %get3A = arith.index_cast %arg0 : i32 to index
    %get3A_0 = memref.load %arg1[%get3A] : memref<32xi32, #tpu.memory_space<smem>>
    %c0_i32 = arith.constant 0 : i32
    %c0_i32_1 = arith.constant 0 : i32
    %c0_i32_2 = arith.constant 0 : i32
    return %get3A_0, %c0_i32, %c0_i32_1 : i32, i32, i32
  }
  func.func @transform_4(%arg0: i32, %arg1: memref<32xi32, #tpu.memory_space<smem>>, %arg2: memref<32xi32, #tpu.memory_space<smem>>) -> (i32, i32) {
    %get3A = arith.index_cast %arg0 : i32 to index
    %get3A_0 = memref.load %arg2[%get3A] : memref<32xi32, #tpu.memory_space<smem>>
    %gt3A = arith.constant 0 : i32
    %gt3A_1 = arith.cmpi sgt, %get3A_0, %gt3A : i32
    %jit3A = arith.constant 31 : i32
    %select_n3A = arith.select %gt3A_1, %arg0, %jit3A : i32
    %c0_i32 = arith.constant 0 : i32
    %c0_i32_2 = arith.constant 0 : i32
    return %select_n3A, %c0_i32 : i32, i32
  }
}

</mosaic_0001>

<sc_bundles>
// kernel: kernel.6.cloned.1.call-start
scs
__scs_entry_jumppad:
0x0: {  	(pc) =	sbr.rel $0x88, $3  }
0x1: {  	(tag) =	ssettag $0x0;
	lr =	simm.s32 $0x1  }
0x2: {  	[smem:$0x3F9C] =	sst lr;
	_ =	strace $0xD0000000  }
0x3: {  	_ = 	snop  }
0x4: {  	_ = 	snop  }
0x5: {  	_ = 	snop  }
0x6: {  	_ = 	snop  }
0x7: {  	_ = 	snop  }
__scs_overlays_trampoline_lowered:
0x8: {  	[smem:$0x3FAB] =	sst s0  }
0x9: {  	[smem:$0x3FAC] =	sst s1  }
0xa: {  	[smem:$0x3FAD] =	sst s2  }
0xb: {  	[smem:$0x3FAE] =	sst s3  }
0xc: {  	[smem:$0x3FAF] =	sst s4  }
0xd: {  	[smem:$0x3FB0] =	sst s5  }
0xe: {  	[smem:$0x3FB1] =	sst s6  }
0xf: {  	[smem:$0x3FB2] =	sst s7  }
0x10: {  	[smem:$0x3FB3] =	sst s8  }
0x11: {  	[smem:$0x3FB4] =	sst s9;
	s0 =	simm.s32 @!p0 $0x0  }
0x12: {  	s1 =	sld [smem:$0x3F9A];
	s0 =	simm.s32 @p0 $0x1  }
0x13: {  	[smem:$0x3FB5] =	sst s0;
	s0 =	simm.s32 @!p1 $0x0  }
0x14: {  	s2 =	sld [smem:$0x3F99];
	s0 =	simm.s32 @p1 $0x1  }
0x15: {  	[smem:$0x3FB6] =	sst s0;
	s0 =	simm.s32 @!p2 $0x0  }
0x16: {  	s3 =	sld [smem:$0x3FDB];
	s0 =	simm.s32 @p2 $0x1  }
0x17: {  	s4 =	simm.s32 $0x1BF5;
	[smem:$0x3FB8] =	sst s0  }
0x18: {  	s0 =	sld [smem:$0x3F9B];
	_ =	swait.ge [sflag:s4], $0x0  }
0x19: {  	s7 =	sld [smem:$0x3F9C]  }
0x1a: {  	s8 =	sadd.s32 $0xFFFFE003, lr  }
0x1b: {  	s9 =	sadd.s32 $0xFFFFFEF7, lr;
	s5 =	simm.s32 $0xFFFFFFFF;
	p2 =	slt.u32 s8, $0xFFFFF086  }
0x1c: {  	p1 =	slt.u32 s9, $0xF7A;
	s5 =	simm.s32 @!p2 $0x0  }
0x1d: {  	s5 =	simm.s32 @p1 $0x1;
	p0 =	seq.s32 s7, s2  }
0x1e: {  	s7 =	smul.u32 @!p0 $0xF7A, s2;
	p2 =	seq.s32 @!p0 s5, $0x0  }
0x1f: {  	s9 =	smul.u32 $0xF7A, s1;
	s8 =	simm.s32 @!p0 $0x1BF5;
	p2 =	por !p2, p0  }
0x20: {  	[sflag:s8] =	ssyncset.s32 @!p0 $0xFFFFF086;
	s6 =	sadd.s32 @!p0 s3, s7;
	s7 =	simm.s32 @!p0 $0x108  }
0x21: {  	s3 =	sadd.s32 s3, s9;
	s6 =	sadd.s32 @!p0 $0x88, s6;
	s7 =	simm.s32 @p2 $0x1082  }
0x22: {  	[simem:s7], [sflag:s8] =	dma.local @!p0 [hbm:s6], $0xF7A  }
0x23: {  	s9 =	sor.u32 $0xD0000000, s2;
	s6 =	simm.s32 $0x108;
	_ =	swait.ge @!p0 [sflag:s8], $0x0  }
0x24: {  	s3 =	sadd.s32 $0x88, s3;
	s6 =	simm.s32 @!p1 $0x1082;
	[sflag:s4] =	ssyncset.s32 $0xFFFFF086  }
0x25: {  	[simem:s6], [sflag:s4] =	dma.local [hbm:s3], $0xF7A  }
0x26: {  	[smem:$0x3F9C] =	sst s1;
	(tag) =	ssettag s2;
	_ =	strace s9  }
0x27: {  	s1 =	sld [smem:$0x3FAC]  }
0x28: {  	s2 =	sld [smem:$0x3FAD]  }
0x29: {  	s4 =	sld [smem:$0x3FAF]  }
0x2a: {  	p0 =	seq.s32 s5, $0x0;
	s5 =	sld [smem:$0x3FB0]  }
0x2b: {  	s6 =	sld [smem:$0x3FB1]  }
0x2c: {  	s7 =	sld [smem:$0x3FB2]  }
0x2d: {  	s3 =	simm.s32 $0x108;
	s8 =	sld [smem:$0x3FB3]  }
0x2e: {  	s3 =	simm.s32 @!p0 $0x1082;
	s9 =	sld [smem:$0x3FB4]  }
0x2f: {  	lr =	sadd.s32 s0, s3;
	s0 =	sld [smem:$0x3FAB]  }
0x30: {  	s3 =	sld [smem:$0x3FAE]  }
0x31: {  	[smem:$0x3FB7] =	sst s10  }
0x32: {  	s10 =	sld [smem:$0x3FB5];
	_ =	sdelay $0x3  }
0x33: {  	p0 =	seq.s32 s10, $0x1;
	s10 =	sld [smem:$0x3FB7];
	_ =	sdelay $0x3  }
0x34: {  	[smem:$0x3FB7] =	sst s10  }
0x35: {  	s10 =	sld [smem:$0x3FB6];
	_ =	sdelay $0x3  }
0x36: {  	p1 =	seq.s32 s10, $0x1;
	s10 =	sld [smem:$0x3FB7];
	_ =	sdelay $0x3  }
0x37: {  	[smem:$0x3FB7] =	sst s10  }
0x38: {  	s10 =	sld [smem:$0x3FB8]  }
0x39: {  	_ = 	snop;
	(pc) =	sbr.ind lr, $3  }
0x3a: {  	_ = 	snop  }
0x3b: {  	_ = 	snop  }
0x3c: {  	p2 =	seq.s32 s10, $0x1;
	s10 =	sld [smem:$0x3FB7]  }
0x3d: {  	_ =	shalt  }
0x3e: {  	_ =	shalt  }
0x3f: {  	_ =	shalt  }
0x40: {  	_ =	shalt  }
0x41: {  	_ =	shalt  }
0x42: {  	_ =	shalt  }
0x43: {  	_ =	shalt  }
0x44: {  	_ =	shalt  }
0x45: {  	_ =	shalt  }
0x46: {  	_ =	shalt  }
0x47: {  	_ =	shalt  }
0x48: {  	_ =	shalt  }
0x49: {  	_ =	shalt  }
0x4a: {  	_ =	shalt  }
0x4b: {  	_ =	shalt  }
0x4c: {  	_ =	shalt  }
0x4d: {  	_ =	shalt  }
0x4e: {  	_ =	shalt  }
0x4f: {  	_ =	shalt  }
0x50: {  	_ =	shalt  }
0x51: {  	_ =	shalt  }
0x52: {  	_ =	shalt  }
0x53: {  	_ =	shalt  }
0x54: {  	_ =	shalt  }
0x55: {  	_ =	shalt  }
0x56: {  	_ =	shalt  }
0x57: {  	_ =	shalt  }
0x58: {  	_ =	shalt  }
0x59: {  	_ =	shalt  }
0x5a: {  	_ =	shalt  }
0x5b: {  	_ =	shalt  }
0x5c: {  	_ =	shalt  }
0x5d: {  	_ =	shalt  }
0x5e: {  	_ =	shalt  }
0x5f: {  	_ =	shalt  }
0x60: {  	_ =	shalt  }
0x61: {  	_ =	shalt  }
0x62: {  	_ =	shalt  }
0x63: {  	_ =	shalt  }
0x64: {  	_ =	shalt  }
0x65: {  	_ =	shalt  }
0x66: {  	_ =	shalt  }
0x67: {  	_ =	shalt  }
0x68: {  	_ =	shalt  }
0x69: {  	_ =	shalt  }
0x6a: {  	_ =	shalt  }
0x6b: {  	_ =	shalt  }
0x6c: {  	_ =	shalt  }
0x6d: {  	_ =	shalt  }
0x6e: {  	_ =	shalt  }
0x6f: {  	_ =	shalt  }
0x70: {  	_ =	shalt  }
0x71: {  	_ =	shalt  }
0x72: {  	_ =	shalt  }
0x73: {  	_ =	shalt  }
0x74: {  	_ =	shalt  }
0x75: {  	_ =	shalt  }
0x76: {  	_ =	shalt  }
0x77: {  	_ =	shalt  }
0x78: {  	_ =	shalt  }
0x79: {  	_ =	shalt  }
0x7a: {  	_ =	shalt  }
0x7b: {  	_ =	shalt  }
0x7c: {  	_ =	shalt  }
0x7d: {  	_ =	shalt  }
0x7e: {  	_ =	shalt  }
0x7f: {  	_ =	shalt  }
0x80: {  	_ =	shalt  }
0x81: {  	_ =	shalt  }
0x82: {  	_ =	shalt  }
0x83: {  	_ =	shalt  }
0x84: {  	_ =	shalt  }
0x85: {  	_ =	shalt  }
0x86: {  	_ =	shalt  }
0x87: {  	_ =	shalt  }
.Lfunc_end0:
.L_simem_size_0:
called_computation_lowered:
.L_overlay_start_0:
0x88: {  	s2 =	sld [smem:$0x3FD9]  }
0x89: {  	s3 =	sld [smem:$0x3FFE];
	_ =	sdelay $0x1  }
0x8a: {  	s1 =	srdreg.scid  }
0x8b: {  	s0 =	sand.u32 $0x1, s1  }
0x8c: {  	s17 =	sshll.u32 s0, $0xA;
	s2 =	sadd.s32 s3, s2  }
0x8d: {  	s2 =	sadd.s32 s2, s17  }
0x8e: {  	[smem:$0x3FC3] =	sst s2  }
0x8f: {  	_ = 	snop  }
0x90: {  	s2 =	sld [smem:$0x3FC9]  }
0x91: {  	s18 =	sld [smem:$0x3FD0];
	(tm) =	ssettm $0x1  }
0x92: {  	s4 =	sld [smem:$0x3FFB];
	_ =	sdelay $0x3  }
0x93: {  	_ =	strace s4  }
0x94: {  	s4 =	sld [smem:$0x3FFC];
	_ =	sdelay $0x3  }
0x95: {  	_ =	strace s4  }
0x96: {  	s4 =	sld [smem:$0x3FFD];
	_ =	sdelay $0x3  }
0x97: {  	_ =	strace s4  }
0x98: {  	_ =	strace $0x8FFFFFFF  }
0x99: {  	s19 =	sld [smem:$0x3FDB];
	_ =	sdelay $0x1  }
0x9a: {  	s5 =	simm.s32 $_scs_section_size  }
0x9b: {  	s6 =	simm.s32 $_size__tile_overlayer_lowered;
	s7 =	simm.s32 $_tile_overlayer_lowered  }
0x9c: {  	s22 =	simm.s32 $0x1BFF;
	s21 =	sshll.u32 s7, $0x1;
	s4 =	sadd.s32 s5, s19  }
0x9d: {  	s8 =	simm.s32 $0x0;
	s20 =	sshll.u32 s6, $0x1;
	s6 =	sadd.s32 s21, s4  }
0x9e: {  	[timem:s8], [sflag:s22] =	dma.local [hbm:s6], s20  }
0x9f: {  	_ =	swait.ge [sflag:s22], s20  }
0xa0: {  	s5 =	ssub.s32 $0x0, s20;
	[sflag:s22] =	ssyncset.done $0x0  }
0xa1: {  	[sflag:s22] =	ssyncadd.s32 s5;
	_ =	sdelay $0x1  }
0xa2: {  	s23 =	simm.s32 $0x1B8B  }
0xa3: {  	_ =	swait.ge [sflag:s23], $0x1  }
0xa4: {  	[sflag:s23] =	ssyncset.done $0x0  }
0xa5: {  	s25 =	simm.s32 $0x1B8E;
	s24 =	sld [smem:$0x3FFE];
	[sflag:s23] =	ssyncadd.s32 $0xFFFFFFFF  }
0xa6: {  	s26 =	simm.s32 $execute0_lowered;
	[smem:$0x3FD2] =	sst s25  }
0xa7: {  	s6 =	sshll.u32 s26, $0x1;
	_ =	strace $0x80000046;
	[dreg:$0x1] =	wrdreg $0xFFFFFFFF  }
0xa8: {  	s28 =	simm.s32 $_size_execute0_lowered;
	s4 =	sadd.s32 s4, s6;
	[dreg:$0x0] =	wrdreg $0x0  }
0xa9: {  	s6 =	sshll.u32 s28, $0x1;
	[dreg:$0x2] =	wrdreg s4  }
0xaa: {  	[dreg:$0x3] =	wrdreg s6  }
0xab: {  	[dreg:$0x4] =	wrdreg $0xC0  }
0xac: {  	_ =	task [dreg:s8], $0x5FFFF  }
0xad: {  	[dreg:$0x1] =	wrdreg $0xFFFFFFFF  }
0xae: {  	[dreg:$0x0] =	wrdreg $0x60  }
0xaf: {  	[dreg:$0x2] =	wrdreg s2  }
0xb0: {  	[dreg:$0x3] =	wrdreg s18  }
0xb1: {  	[dreg:$0x4] =	wrdreg s24  }
0xb2: {  	[dreg:$0x5] =	wrdreg $0x9  }
0xb3: {  	_ =	task.clear_ibuf [dreg:s8], $0x6FFFF;
	_ =	strace $0x90000046  }
0xb4: {  	s29 =	simm.s32 $0x9;
	_ =	strace $0x80000048  }
0xb5: {  	_ =	swait.ge [sflag:s29], $0x1  }
0xb6: {  	[sflag:s29] =	ssyncadd.s32 $0xFFFFFFFF  }
0xb7: {  	_ =	strace $0x90000048  }
0xb8: {  	_ =	sfence  }
0xb9: {  	s30 =	sld [smem:$0x0];
	_ =	sdelay $0x2  }
0xba: {  	s31 =	sshll.u32 s1, $0xD;
	s1 =	sshrl.u32 s1, $0x2  }
0xbb: {  	s3 =	sand.u32 $0x4000, s31;
	s1 =	sadd.s32 s1, s30  }
0xbc: {  	s0 =	sor.u32 s3, s0;
	s1 =	sshll.u32 s1, $0x11  }
0xbd: {  	s0 =	sor.u32 s1, s0  }
0xbe: {  	s0 =	sadd.s32 $0x8F2B, s0  }
0xbf: {  	[sflag:s0] =	ssyncadd.remote.s32 $0x1  }
0xc0: {  	_ =	sfence.sel $0xFFFF  }
0xc1: {  	[dreg:$0x0] =	wrdreg $0xFFFFFFFF;
	(pc) =	sbr.abs _section_cstart, $3  }
0xc2: {  	[dreg:$0x1] =	wrdreg $0xFFFFFFFF  }
0xc3: {  	_ =	task.clear_ibuf [dreg:s8], $0x2FFFF;
	_ =	strace $0x9FFFFFFF  }
0xc4: {  	(tm) =	ssettm $0x7FFFFFFF  }
0xc5: {  	_ =	shalt  }
tec
execute0_lowered:
.L_overlay_start_1:
0x0: {  	(tag) =	ssettag $0x1  }
0x1: {  	s0 =	rddreg [dreg:$0x0]  }
0x2: {  	s1 =	rddreg [dreg:$0x1];
	s2 =	srdreg.scid  }
0x3: {  	s4 =	stileid.u32;
	s6 =	rddreg [dreg:$0x2];
	s26 =	simm.s32 $0x80  }
0x4: {  	s18 =	simm.s32 $0x100;
	s22 =	simm.s32 $0x1900;
	s23 =	simm.s32 $0x2100  }
0x5: {  	s28 =	simm.s32 $0x4100;
	s29 =	simm.s32 $0x4900;
	s30 =	simm.s32 $0x5100  }
0x6: {  	s31 =	simm.s32 $0x5900;
	s10 =	simm.s32 $0x7100;
	s11 =	simm.s32 $0x7900  }
0x7: {  	s12 =	simm.s32 $0x8100;
	s13 =	simm.s32 $0x8900;
	s14 =	simm.s32 $0x9100  }
0x8: {  	s15 =	simm.s32 $0x9900;
	s16 =	simm.s32 $0xA100;
	s17 =	simm.s32 $0xA900  }
0x9: {  	s3 =	sand.u32 $0x1, s2;
	s4 =	sshll.u32 s4, $0x1;
	s2 =	simm.s32 $0x0  }
0xa: {  	s19 =	simm.s32 $0xB900;
	s4 =	sor.u32 s3, s4;
	[smem:$0x7FF] =	sst s2  }
0xb: {  	s8 =	ssub.s32 $0x2, s3;
	s3 =	sadd.s32 $0x10600, s6;
	s5 =	sshll.u32 s4, $0x4  }
0xc: {  	_ =	strace $0x80000047;
	s9 =	sshrl.u32 s8, $0x1;
	s4 =	sshll.u32 s4, $0xD  }
0xd: {  	[dreg:$0x7] =	wrdreg s26;
	s26 =	simm.s32 $0x3900;
	s7 =	sadd.s32 s5, s6  }
0xe: {  	s1 =	sadd.s32 s1, s5;
	s25 =	ssub.s32 s8, s9;
	s0 =	sadd.s32 s0, s4  }
0xf: {  	s4 =	sadd.s32 $0x10700, s6;
	s5 =	sadd.s32 $0x10800, s6;
	s6 =	sadd.s32 $0x10900, s6  }
0x10: {  	v2 =	vlaneseq.u32;
	s8 =	simm.s32 $0x3;
	s9 =	simm.s32 $0xB100;
	[dreg:$0x4] =	wrdreg s1  }
0x11: {  	vm0 =	vmmov $0xffff;
	v1 =	vshrl.u32 v2, $0x3;
	s24 =	sadd.s32 $0x10400, s7;
	[dreg:$0x6] =	wrdreg s0;
	s7 =	smax.u32 s25, $0x1  }
0x12: {  	v0 =	vand.u32 $0x7, v2;
	v2 =	vor.u32 $0x8, v2;
	v1 =	vmul.u32 $0x8, v1;
	s25 =	simm.s32 $0x3100;
	[dreg:$0x5] =	wrdreg s24;
	s24 =	simm.s32 $0x2900  }
.LBB2_1:
0x13: {  	s20 =	rddreg [dreg:$0x4]  }
0x14: {  	[tilespmem:s2], [sflag:$0x3] =	stream.linear.gather [hbm4b:s20+s2], $0x80, $0x38;
	[tilespmem:$0x10100] =	vst v63  }
0x15: {  	_ =	swait.ge [sflag:s8], $0x80  }
0x16: {  	s0 =	rddreg [dreg:$0x5];
	[sflag:s8] =	ssyncset.done $0x0  }
0x17: {  	s21 =	rddreg [dreg:$0x7];
	[sflag:s8] =	ssyncadd.s32 $0xFFFFFF80  }
0x18: {  	[tilespmem:s21], [sflag:$0x3] =	stream.linear.gather [hbm4b:s0+s2], $0x80, $0x38;
	[tilespmem:$0x10100] =	vst v63  }
0x19: {  	_ =	swait.ge [sflag:s8], $0x80  }
0x1a: {  	[sflag:s8] =	ssyncset.done $0x0  }
0x1b: {  	s1 =	rddreg [dreg:$0x6];
	[sflag:s8] =	ssyncadd.s32 $0xFFFFFF80  }
0x1c: {  	[tilespmem:s18], [sflag:$0x3] =	stream.linear.gather [hbm4b:s1+s2], $0x10000, $0x38;
	[tilespmem:$0x10100] =	vst v63  }
0x1d: {  	_ =	swait.ge [sflag:s8], $0x10000  }
0x1e: {  	[sflag:s8] =	ssyncset.done $0x0  }
0x1f: {  	[sflag:s8] =	ssyncadd.s32 $0xFFFF0000  }
0x20: {  	v3 =	vld [tilespmem:$0x0];
	_ =	sdelay $0x4  }
0x21: {  	v4 =	vshll.u32 v3, $0x3  }
0x22: {  	v3 =	vand.u32 $0x7, v3;
	v4 =	vand.u32 $0xFFFFFFC0, v4  }
0x23: {  	v3 =	vor.u32 v3, v4  }
0x24: {  	v4 =	vperm.xlane v3, v0;
	_ =	sdelay $0x1  }
0x25: {  	v4 =	vadd.s32 v1, v4;
	_ =	sdelay $0x4  }
0x26: {  	[hbm4b:s3+s2] =	stream.indirect_vreg.scatter [tilespmem:s18], [sflag:$0x1], $0x80, v4, vm0, $0xb8;
	[tilespmem:$0x10100] =	vst v63  }
0x27: {  	s20 =	simm.s32 $0x900;
	v3 =	vperm.xlane v3, v2  }
0x28: {  	[hbm4b:s4+s2] =	stream.indirect_vreg.scatter [tilespmem:s20], [sflag:$0x1], $0x80, v4, vm0, $0xb8;
	[tilespmem:$0x10100] =	vst v63  }
0x29: {  	s21 =	simm.s32 $0x1100;
	v3 =	vadd.s32 v1, v3  }
0x2a: {  	[hbm4b:s5+s2] =	stream.indirect_vreg.scatter [tilespmem:s21], [sflag:$0x1], $0x80, v4, vm0, $0xb8;
	[tilespmem:$0x10100] =	vst v63  }
0x2b: {  	_ = 	snop  }
0x2c: {  	[hbm4b:s6+s2] =	stream.indirect_vreg.scatter [tilespmem:s22], [sflag:$0x1], $0x80, v4, vm0, $0xb8;
	[tilespmem:$0x10100] =	vst v63  }
0x2d: {  	_ = 	snop  }
0x2e: {  	[hbm4b:s3+s2] =	stream.indirect_vreg.scatter [tilespmem:s23], [sflag:$0x1], $0x80, v3, vm0, $0xb8;
	[tilespmem:$0x10100] =	vst v63  }
0x2f: {  	_ = 	snop  }
0x30: {  	[hbm4b:s4+s2] =	stream.indirect_vreg.scatter [tilespmem:s24], [sflag:$0x1], $0x80, v3, vm0, $0xb8;
	[tilespmem:$0x10100] =	vst v63  }
0x31: {  	_ = 	snop  }
0x32: {  	[hbm4b:s5+s2] =	stream.indirect_vreg.scatter [tilespmem:s25], [sflag:$0x1], $0x80, v3, vm0, $0xb8;
	[tilespmem:$0x10100] =	vst v63  }
0x33: {  	_ = 	snop  }
0x34: {  	[hbm4b:s6+s2] =	stream.indirect_vreg.scatter [tilespmem:s26], [sflag:$0x1], $0x80, v3, vm0, $0xb8;
	[tilespmem:$0x10100] =	vst v63  }
0x35: {  	v3 =	vld [tilespmem:$0x10];
	_ =	sdelay $0x4  }
0x36: {  	v57 =	vshll.u32 v3, $0x3  }
0x37: {  	v3 =	vand.u32 $0x7, v3;
	v4 =	vand.u32 $0xFFFFFFC0, v57  }
0x38: {  	v3 =	vor.u32 v3, v4  }
0x39: {  	v4 =	vperm.xlane v3, v0;
	_ =	sdelay $0x1  }
0x3a: {  	v4 =	vadd.s32 v1, v4;
	_ =	sdelay $0x4  }
0x3b: {  	[hbm4b:s3+s2] =	stream.indirect_vreg.scatter [tilespmem:s28], [sflag:$0x1], $0x80, v4, vm0, $0xb8;
	[tilespmem:$0x10100] =	vst v63  }
0x3c: {  	v3 =	vperm.xlane v3, v2  }
0x3d: {  	[hbm4b:s4+s2] =	stream.indirect_vreg.scatter [tilespmem:s29], [sflag:$0x1], $0x80, v4, vm0, $0xb8;
	[tilespmem:$0x10100] =	vst v63  }
0x3e: {  	v3 =	vadd.s32 v1, v3  }
0x3f: {  	[hbm4b:s5+s2] =	stream.indirect_vreg.scatter [tilespmem:s30], [sflag:$0x1], $0x80, v4, vm0, $0xb8;
	[tilespmem:$0x10100] =	vst v63  }
0x40: {  	_ = 	snop  }
0x41: {  	[hbm4b:s6+s2] =	stream.indirect_vreg.scatter [tilespmem:s31], [sflag:$0x1], $0x80, v4, vm0, $0xb8;
	[tilespmem:$0x10100] =	vst v63  }
0x42: {  	s1 =	simm.s32 $0x6100  }
0x43: {  	[hbm4b:s3+s2] =	stream.indirect_vreg.scatter [tilespmem:s1], [sflag:$0x1], $0x80, v3, vm0, $0xb8;
	[tilespmem:$0x10100] =	vst v63  }
0x44: {  	s0 =	simm.s32 $0x6900  }
0x45: {  	[hbm4b:s4+s2] =	stream.indirect_vreg.scatter [tilespmem:s0], [sflag:$0x1], $0x80, v3, vm0, $0xb8;
	[tilespmem:$0x10100] =	vst v63  }
0x46: {  	_ = 	snop  }
0x47: {  	[hbm4b:s5+s2] =	stream.indirect_vreg.scatter [tilespmem:s10], [sflag:$0x1], $0x80, v3, vm0, $0xb8;
	[tilespmem:$0x10100] =	vst v63  }
0x48: {  	_ = 	snop  }
0x49: {  	[hbm4b:s6+s2] =	stream.indirect_vreg.scatter [tilespmem:s11], [sflag:$0x1], $0x80, v3, vm0, $0xb8;
	[tilespmem:$0x10100] =	vst v63  }
0x4a: {  	v3 =	vld [tilespmem:$0x20];
	_ =	sdelay $0x4  }
0x4b: {  	v58 =	vshll.u32 v3, $0x3  }
0x4c: {  	v3 =	vand.u32 $0x7, v3;
	v4 =	vand.u32 $0xFFFFFFC0, v58  }
0x4d: {  	v3 =	vor.u32 v3, v4  }
0x4e: {  	v4 =	vperm.xlane v3, v0;
	_ =	sdelay $0x1  }
0x4f: {  	v4 =	vadd.s32 v1, v4;
	_ =	sdelay $0x4  }
0x50: {  	[hbm4b:s3+s2] =	stream.indirect_vreg.scatter [tilespmem:s12], [sflag:$0x1], $0x80, v4, vm0, $0xb8;
	[tilespmem:$0x10100] =	vst v63  }
0x51: {  	v3 =	vperm.xlane v3, v2  }
0x52: {  	[hbm4b:s4+s2] =	stream.indirect_vreg.scatter [tilespmem:s13], [sflag:$0x1], $0x80, v4, vm0, $0xb8;
	[tilespmem:$0x10100] =	vst v63  }
0x53: {  	v3 =	vadd.s32 v1, v3  }
0x54: {  	[hbm4b:s5+s2] =	stream.indirect_vreg.scatter [tilespmem:s14], [sflag:$0x1], $0x80, v4, vm0, $0xb8;
	[tilespmem:$0x10100] =	vst v63  }
0x55: {  	_ = 	snop  }
0x56: {  	[hbm4b:s6+s2] =	stream.indirect_vreg.scatter [tilespmem:s15], [sflag:$0x1], $0x80, v4, vm0, $0xb8;
	[tilespmem:$0x10100] =	vst v63  }
0x57: {  	_ = 	snop  }
0x58: {  	[hbm4b:s3+s2] =	stream.indirect_vreg.scatter [tilespmem:s16], [sflag:$0x1], $0x80, v3, vm0, $0xb8;
	[tilespmem:$0x10100] =	vst v63  }
0x59: {  	_ = 	snop  }
0x5a: {  	[hbm4b:s4+s2] =	stream.indirect_vreg.scatter [tilespmem:s17], [sflag:$0x1], $0x80, v3, vm0, $0xb8;
	[tilespmem:$0x10100] =	vst v63  }
0x5b: {  	_ = 	snop  }
0x5c: {  	[hbm4b:s5+s2] =	stream.indirect_vreg.scatter [tilespmem:s9], [sflag:$0x1], $0x80, v3, vm0, $0xb8;
	[tilespmem:$0x10100] =	vst v63  }
0x5d: {  	_ = 	snop  }
0x5e: {  	[hbm4b:s6+s2] =	stream.indirect_vreg.scatter [tilespmem:s19], [sflag:$0x1], $0x80, v3, vm0, $0xb8;
	[tilespmem:$0x10100] =	vst v63  }
0x5f: {  	v3 =	vld [tilespmem:$0x30];
	_ =	sdelay $0x4  }
0x60: {  	v59 =	vshll.u32 v3, $0x3  }
0x61: {  	v3 =	vand.u32 $0x7, v3;
	v4 =	vand.u32 $0xFFFFFFC0, v59  }
0x62: {  	v3 =	vor.u32 v3, v4  }
0x63: {  	v4 =	vperm.xlane v3, v0;
	_ =	sdelay $0x1  }
0x64: {  	v4 =	vadd.s32 v1, v4;
	_ =	sdelay $0x3  }
0x65: {  	s0 =	simm.s32 $0xC100  }
0x66: {  	[hbm4b:s3+s2] =	stream.indirect_vreg.scatter [tilespmem:s0], [sflag:$0x1], $0x80, v4, vm0, $0xb8;
	[tilespmem:$0x10100] =	vst v63  }
0x67: {  	v3 =	vperm.xlane v3, v2;
	s0 =	simm.s32 $0xC900  }
0x68: {  	[hbm4b:s4+s2] =	stream.indirect_vreg.scatter [tilespmem:s0], [sflag:$0x1], $0x80, v4, vm0, $0xb8;
	[tilespmem:$0x10100] =	vst v63  }
0x69: {  	v3 =	vadd.s32 v1, v3;
	s0 =	simm.s32 $0xD100  }
0x6a: {  	[hbm4b:s5+s2] =	stream.indirect_vreg.scatter [tilespmem:s0], [sflag:$0x1], $0x80, v4, vm0, $0xb8;
	[tilespmem:$0x10100] =	vst v63  }
0x6b: {  	s0 =	simm.s32 $0xD900  }
0x6c: {  	[hbm4b:s6+s2] =	stream.indirect_vreg.scatter [tilespmem:s0], [sflag:$0x1], $0x80, v4, vm0, $0xb8;
	[tilespmem:$0x10100] =	vst v63  }
0x6d: {  	s0 =	simm.s32 $0xE100  }
0x6e: {  	[hbm4b:s3+s2] =	stream.indirect_vreg.scatter [tilespmem:s0], [sflag:$0x1], $0x80, v3, vm0, $0xb8;
	[tilespmem:$0x10100] =	vst v63  }
0x6f: {  	s0 =	simm.s32 $0xE900  }
0x70: {  	[hbm4b:s4+s2] =	stream.indirect_vreg.scatter [tilespmem:s0], [sflag:$0x1], $0x80, v3, vm0, $0xb8;
	[tilespmem:$0x10100] =	vst v63  }
0x71: {  	s0 =	simm.s32 $0xF100  }
0x72: {  	[hbm4b:s5+s2] =	stream.indirect_vreg.scatter [tilespmem:s0], [sflag:$0x1], $0x80, v3, vm0, $0xb8;
	[tilespmem:$0x10100] =	vst v63  }
0x73: {  	s0 =	simm.s32 $0xF900  }
0x74: {  	[hbm4b:s6+s2] =	stream.indirect_vreg.scatter [tilespmem:s0], [sflag:$0x1], $0x80, v3, vm0, $0xb8;
	[tilespmem:$0x10100] =	vst v63  }
0x75: {  	v3 =	vld [tilespmem:$0x80];
	_ =	sdelay $0x4  }
0x76: {  	v60 =	vshll.u32 v3, $0x3  }
0x77: {  	v3 =	vand.u32 $0x7, v3;
	v4 =	vand.u32 $0xFFFFFFC0, v60  }
0x78: {  	v3 =	vor.u32 v3, v4  }
0x79: {  	v4 =	vperm.xlane v3, v0;
	_ =	sdelay $0x1  }
0x7a: {  	v4 =	vadd.s32 v1, v4;
	_ =	sdelay $0x4  }
0x7b: {  	[hbm4b:s3+s2] =	stream.indirect_vreg.scatter [tilespmem:s18], [sflag:$0x2], $0x80, v4, vm0, $0xb8;
	[tilespmem:$0x10100] =	vst v63  }
0x7c: {  	v3 =	vperm.xlane v3, v2  }
0x7d: {  	[hbm4b:s4+s2] =	stream.indirect_vreg.scatter [tilespmem:s20], [sflag:$0x2], $0x80, v4, vm0, $0xb8;
	[tilespmem:$0x10100] =	vst v63  }
0x7e: {  	v3 =	vadd.s32 v1, v3  }
0x7f: {  	[hbm4b:s5+s2] =	stream.indirect_vreg.scatter [tilespmem:s21], [sflag:$0x2], $0x80, v4, vm0, $0xb8;
	[tilespmem:$0x10100] =	vst v63  }
0x80: {  	_ = 	snop  }
0x81: {  	[hbm4b:s6+s2] =	stream.indirect_vreg.scatter [tilespmem:s22], [sflag:$0x2], $0x80, v4, vm0, $0xb8;
	[tilespmem:$0x10100] =	vst v63  }
0x82: {  	_ = 	snop  }
0x83: {  	[hbm4b:s3+s2] =	stream.indirect_vreg.scatter [tilespmem:s23], [sflag:$0x2], $0x80, v3, vm0, $0xb8;
	[tilespmem:$0x10100] =	vst v63  }
0x84: {  	_ = 	snop  }
0x85: {  	[hbm4b:s4+s2] =	stream.indirect_vreg.scatter [tilespmem:s24], [sflag:$0x2], $0x80, v3, vm0, $0xb8;
	[tilespmem:$0x10100] =	vst v63  }
0x86: {  	_ = 	snop  }
0x87: {  	[hbm4b:s5+s2] =	stream.indirect_vreg.scatter [tilespmem:s25], [sflag:$0x2], $0x80, v3, vm0, $0xb8;
	[tilespmem:$0x10100] =	vst v63  }
0x88: {  	_ = 	snop  }
0x89: {  	[hbm4b:s6+s2] =	stream.indirect_vreg.scatter [tilespmem:s26], [sflag:$0x2], $0x80, v3, vm0, $0xb8;
	[tilespmem:$0x10100] =	vst v63  }
0x8a: {  	v3 =	vld [tilespmem:$0x90];
	_ =	sdelay $0x4  }
0x8b: {  	v61 =	vshll.u32 v3, $0x3  }
0x8c: {  	v3 =	vand.u32 $0x7, v3;
	v4 =	vand.u32 $0xFFFFFFC0, v61  }
0x8d: {  	v3 =	vor.u32 v3, v4  }
0x8e: {  	v4 =	vperm.xlane v3, v0;
	_ =	sdelay $0x1  }
0x8f: {  	v4 =	vadd.s32 v1, v4;
	_ =	sdelay $0x4  }
0x90: {  	[hbm4b:s3+s2] =	stream.indirect_vreg.scatter [tilespmem:s28], [sflag:$0x2], $0x80, v4, vm0, $0xb8;
	[tilespmem:$0x10100] =	vst v63  }
0x91: {  	v3 =	vperm.xlane v3, v2  }
0x92: {  	[hbm4b:s4+s2] =	stream.indirect_vreg.scatter [tilespmem:s29], [sflag:$0x2], $0x80, v4, vm0, $0xb8;
	[tilespmem:$0x10100] =	vst v63  }
0x93: {  	v3 =	vadd.s32 v1, v3  }
0x94: {  	[hbm4b:s5+s2] =	stream.indirect_vreg.scatter [tilespmem:s30], [sflag:$0x2], $0x80, v4, vm0, $0xb8;
	[tilespmem:$0x10100] =	vst v63  }
0x95: {  	_ = 	snop  }
0x96: {  	[hbm4b:s6+s2] =	stream.indirect_vreg.scatter [tilespmem:s31], [sflag:$0x2], $0x80, v4, vm0, $0xb8;
	[tilespmem:$0x10100] =	vst v63  }
0x97: {  	_ = 	snop  }
0x98: {  	[hbm4b:s3+s2] =	stream.indirect_vreg.scatter [tilespmem:s1], [sflag:$0x2], $0x80, v3, vm0, $0xb8;
	[tilespmem:$0x10100] =	vst v63  }
0x99: {  	s20 =	simm.s32 $0x6900  }
0x9a: {  	[hbm4b:s4+s2] =	stream.indirect_vreg.scatter [tilespmem:s20], [sflag:$0x2], $0x80, v3, vm0, $0xb8;
	[tilespmem:$0x10100] =	vst v63  }
0x9b: {  	_ = 	snop  }
0x9c: {  	[hbm4b:s5+s2] =	stream.indirect_vreg.scatter [tilespmem:s10], [sflag:$0x2], $0x80, v3, vm0, $0xb8;
	[tilespmem:$0x10100] =	vst v63  }
0x9d: {  	_ = 	snop  }
0x9e: {  	[hbm4b:s6+s2] =	stream.indirect_vreg.scatter [tilespmem:s11], [sflag:$0x2], $0x80, v3, vm0, $0xb8;
	[tilespmem:$0x10100] =	vst v63  }
0x9f: {  	v3 =	vld [tilespmem:$0xA0];
	_ =	sdelay $0x4  }
0xa0: {  	v62 =	vshll.u32 v3, $0x3  }
0xa1: {  	v3 =	vand.u32 $0x7, v3;
	v4 =	vand.u32 $0xFFFFFFC0, v62  }
0xa2: {  	v3 =	vor.u32 v3, v4  }
0xa3: {  	v4 =	vperm.xlane v3, v0;
	_ =	sdelay $0x1  }
0xa4: {  	v4 =	vadd.s32 v1, v4;
	_ =	sdelay $0x4  }
0xa5: {  	[hbm4b:s3+s2] =	stream.indirect_vreg.scatter [tilespmem:s12], [sflag:$0x2], $0x80, v4, vm0, $0xb8;
	[tilespmem:$0x10100] =	vst v63  }
0xa6: {  	v3 =	vperm.xlane v3, v2  }
0xa7: {  	[hbm4b:s4+s2] =	stream.indirect_vreg.scatter [tilespmem:s13], [sflag:$0x2], $0x80, v4, vm0, $0xb8;
	[tilespmem:$0x10100] =	vst v63  }
0xa8: {  	v3 =	vadd.s32 v1, v3  }
0xa9: {  	[hbm4b:s5+s2] =	stream.indirect_vreg.scatter [tilespmem:s14], [sflag:$0x2], $0x80, v4, vm0, $0xb8;
	[tilespmem:$0x10100] =	vst v63  }
0xaa: {  	_ = 	snop  }
0xab: {  	[hbm4b:s6+s2] =	stream.indirect_vreg.scatter [tilespmem:s15], [sflag:$0x2], $0x80, v4, vm0, $0xb8;
	[tilespmem:$0x10100] =	vst v63  }
0xac: {  	_ = 	snop  }
0xad: {  	[hbm4b:s3+s2] =	stream.indirect_vreg.scatter [tilespmem:s16], [sflag:$0x2], $0x80, v3, vm0, $0xb8;
	[tilespmem:$0x10100] =	vst v63  }
0xae: {  	_ = 	snop  }
0xaf: {  	[hbm4b:s4+s2] =	stream.indirect_vreg.scatter [tilespmem:s17], [sflag:$0x2], $0x80, v3, vm0, $0xb8;
	[tilespmem:$0x10100] =	vst v63  }
0xb0: {  	_ = 	snop  }
0xb1: {  	[hbm4b:s5+s2] =	stream.indirect_vreg.scatter [tilespmem:s9], [sflag:$0x2], $0x80, v3, vm0, $0xb8;
	[tilespmem:$0x10100] =	vst v63  }
0xb2: {  	_ = 	snop  }
0xb3: {  	[hbm4b:s6+s2] =	stream.indirect_vreg.scatter [tilespmem:s19], [sflag:$0x2], $0x80, v3, vm0, $0xb8;
	[tilespmem:$0x10100] =	vst v63  }
0xb4: {  	v3 =	vld [tilespmem:$0xB0];
	_ =	sdelay $0x4  }
0xb5: {  	v63 =	vshll.u32 v3, $0x3  }
0xb6: {  	v3 =	vand.u32 $0x7, v3;
	v4 =	vand.u32 $0xFFFFFFC0, v63  }
0xb7: {  	v3 =	vor.u32 v3, v4  }
0xb8: {  	v4 =	vperm.xlane v3, v0;
	_ =	sdelay $0x1  }
0xb9: {  	v4 =	vadd.s32 v1, v4;
	_ =	sdelay $0x3  }
0xba: {  	s21 =	simm.s32 $0xC100  }
0xbb: {  	[hbm4b:s3+s2] =	stream.indirect_vreg.scatter [tilespmem:s21], [sflag:$0x2], $0x80, v4, vm0, $0xb8;
	[tilespmem:$0x10100] =	vst v63  }
0xbc: {  	s20 =	simm.s32 $0xC900;
	v3 =	vperm.xlane v3, v2  }
0xbd: {  	[hbm4b:s4+s2] =	stream.indirect_vreg.scatter [tilespmem:s20], [sflag:$0x2], $0x80, v4, vm0, $0xb8;
	[tilespmem:$0x10100] =	vst v63  }
0xbe: {  	v3 =	vadd.s32 v1, v3;
	s21 =	simm.s32 $0xD100  }
0xbf: {  	[hbm4b:s5+s2] =	stream.indirect_vreg.scatter [tilespmem:s21], [sflag:$0x2], $0x80, v4, vm0, $0xb8;
	[tilespmem:$0x10100] =	vst v63  }
0xc0: {  	s20 =	simm.s32 $0xD900  }
0xc1: {  	[hbm4b:s6+s2] =	stream.indirect_vreg.scatter [tilespmem:s20], [sflag:$0x2], $0x80, v4, vm0, $0xb8;
	[tilespmem:$0x10100] =	vst v63  }
0xc2: {  	s21 =	simm.s32 $0xE100  }
0xc3: {  	[hbm4b:s3+s2] =	stream.indirect_vreg.scatter [tilespmem:s21], [sflag:$0x2], $0x80, v3, vm0, $0xb8;
	[tilespmem:$0x10100] =	vst v63  }
0xc4: {  	s20 =	simm.s32 $0xE900  }
0xc5: {  	[hbm4b:s4+s2] =	stream.indirect_vreg.scatter [tilespmem:s20], [sflag:$0x2], $0x80, v3, vm0, $0xb8;
	[tilespmem:$0x10100] =	vst v63  }
0xc6: {  	s21 =	simm.s32 $0xF100  }
0xc7: {  	[hbm4b:s5+s2] =	stream.indirect_vreg.scatter [tilespmem:s21], [sflag:$0x2], $0x80, v3, vm0, $0xb8;
	[tilespmem:$0x10100] =	vst v63  }
0xc8: {  	s20 =	simm.s32 $0x1  }
0xc9: {  	[hbm4b:s6+s2] =	stream.indirect_vreg.scatter [tilespmem:s0], [sflag:$0x2], $0x80, v3, vm0, $0xb8;
	[tilespmem:$0x10100] =	vst v63  }
0xca: {  	p0 =	sne.s32 s7, $0x1;
	_ =	swait.ge [sflag:s20], $0x10000  }
.Ltmp0:
0xcb: {  	[sflag:s20] =	ssyncset.done $0x0;
	(pc) =	sbr.rel @p0 .LBB2_1-.Ltmp0, $4  }
0xcc: {  	s21 =	simm.s32 $0x2;
	[sflag:s20] =	ssyncadd.s32 $0xFFFF0000  }
0xcd: {  	_ =	swait.ge [sflag:s21], $0x10000  }
0xce: {  	[sflag:s21] =	ssyncset.done $0x0  }
0xcf: {  	s7 =	sadd.s32 $0xFFFFFFFF, s7;
	[sflag:s21] =	ssyncadd.s32 $0xFFFF0000  }
0xd0: {  	_ =	sfence.sel $0x180000  }
0xd1: {  	[bflag:$0x0] =	sbarrier.arrive $0xFFFF  }
0xd2: {  	_ =	strace $0x90000047  }
0xd3: {  	s0 =	stileid.u32;
	[bflag:$0x2] =	sbarrier.arrive $0xFFFF  }
0xd4: {  	p0 =	sne.s32 s0, $0x0;
	s0 =	rddreg [dreg:$0x3]  }
0xd5: {  	s0 =	sadd.s32 @!p0 $0x100000, s0  }
0xd6: {  	[sflag:s0] =	ssyncadd.tile.s32 @!p0 $0x1;
	_ =	shalt  }
.Lfunc_end2:
_tile_overlayer_lowered:
.L_overlay_start_2:
0xd7: {  	(tag) =	ssettag $0x2  }
0xd8: {  	s0 =	rddreg [dreg:$0x0];
	s2 =	stileid.u32  }
0xd9: {  	s1 =	rddreg [dreg:$0x1];
	p0 =	sne.s32 s2, $0x0  }
0xda: {  	s3 =	rddreg [dreg:$0x2];
	[bflag:$0x3] =	sbarrier.arrive $0xFFFF;
	s2 =	simm.s32 @!p0 $0x1C03  }
0xdb: {  	[timem:s3], [sflag:s2] =	dma.local @!p0 [hbm:s0], s1  }
0xdc: {  	s0 =	simm.s32 @!p0 $0x3  }
0xdd: {  	_ =	swait.ge @!p0 [sflag:s0], s1  }
0xde: {  	s1 =	ssub.s32 @!p0 $0x0, s1;
	[sflag:s0] =	ssyncset.done @!p0 $0x0  }
0xdf: {  	[sflag:s0] =	ssyncadd.s32 @!p0 s1  }
0xe0: {  	[bflag:$0x3] =	sbarrier.arrive $0xFFFF  }
0xe1: {  	_ =	shalt  }

// kernel: kernel.9.cloned.1.call-start
scs
__scs_entry_jumppad:
0x0: {  	(pc) =	sbr.rel $0x88, $3  }
0x1: {  	(tag) =	ssettag $0x0;
	lr =	simm.s32 $0x1  }
0x2: {  	[smem:$0x3F9C] =	sst lr;
	_ =	strace $0xD0000000  }
0x3: {  	_ = 	snop  }
0x4: {  	_ = 	snop  }
0x5: {  	_ = 	snop  }
0x6: {  	_ = 	snop  }
0x7: {  	_ = 	snop  }
__scs_overlays_trampoline_lowered:
0x8: {  	[smem:$0x3FAB] =	sst s0  }
0x9: {  	[smem:$0x3FAC] =	sst s1  }
0xa: {  	[smem:$0x3FAD] =	sst s2  }
0xb: {  	[smem:$0x3FAE] =	sst s3  }
0xc: {  	[smem:$0x3FAF] =	sst s4  }
0xd: {  	[smem:$0x3FB0] =	sst s5  }
0xe: {  	[smem:$0x3FB1] =	sst s6  }
0xf: {  	[smem:$0x3FB2] =	sst s7  }
0x10: {  	[smem:$0x3FB3] =	sst s8  }
0x11: {  	[smem:$0x3FB4] =	sst s9;
	s0 =	simm.s32 @!p0 $0x0  }
0x12: {  	s1 =	sld [smem:$0x3F9A];
	s0 =	simm.s32 @p0 $0x1  }
0x13: {  	[smem:$0x3FB5] =	sst s0;
	s0 =	simm.s32 @!p1 $0x0  }
0x14: {  	s2 =	sld [smem:$0x3F99];
	s0 =	simm.s32 @p1 $0x1  }
0x15: {  	[smem:$0x3FB6] =	sst s0;
	s0 =	simm.s32 @!p2 $0x0  }
0x16: {  	s3 =	sld [smem:$0x3FDB];
	s0 =	simm.s32 @p2 $0x1  }
0x17: {  	s4 =	simm.s32 $0x1BF5;
	[smem:$0x3FB8] =	sst s0  }
0x18: {  	s0 =	sld [smem:$0x3F9B];
	_ =	swait.ge [sflag:s4], $0x0  }
0x19: {  	s7 =	sld [smem:$0x3F9C]  }
0x1a: {  	s8 =	sadd.s32 $0xFFFFE003, lr  }
0x1b: {  	s9 =	sadd.s32 $0xFFFFFEF7, lr;
	s5 =	simm.s32 $0xFFFFFFFF;
	p2 =	slt.u32 s8, $0xFFFFF086  }
0x1c: {  	p1 =	slt.u32 s9, $0xF7A;
	s5 =	simm.s32 @!p2 $0x0  }
0x1d: {  	s5 =	simm.s32 @p1 $0x1;
	p0 =	seq.s32 s7, s2  }
0x1e: {  	s7 =	smul.u32 @!p0 $0xF7A, s2;
	p2 =	seq.s32 @!p0 s5, $0x0  }
0x1f: {  	s9 =	smul.u32 $0xF7A, s1;
	s8 =	simm.s32 @!p0 $0x1BF5;
	p2 =	por !p2, p0  }
0x20: {  	[sflag:s8] =	ssyncset.s32 @!p0 $0xFFFFF086;
	s6 =	sadd.s32 @!p0 s3, s7;
	s7 =	simm.s32 @!p0 $0x108  }
0x21: {  	s3 =	sadd.s32 s3, s9;
	s6 =	sadd.s32 @!p0 $0x88, s6;
	s7 =	simm.s32 @p2 $0x1082  }
0x22: {  	[simem:s7], [sflag:s8] =	dma.local @!p0 [hbm:s6], $0xF7A  }
0x23: {  	s9 =	sor.u32 $0xD0000000, s2;
	s6 =	simm.s32 $0x108;
	_ =	swait.ge @!p0 [sflag:s8], $0x0  }
0x24: {  	s3 =	sadd.s32 $0x88, s3;
	s6 =	simm.s32 @!p1 $0x1082;
	[sflag:s4] =	ssyncset.s32 $0xFFFFF086  }
0x25: {  	[simem:s6], [sflag:s4] =	dma.local [hbm:s3], $0xF7A  }
0x26: {  	[smem:$0x3F9C] =	sst s1;
	(tag) =	ssettag s2;
	_ =	strace s9  }
0x27: {  	s1 =	sld [smem:$0x3FAC]  }
0x28: {  	s2 =	sld [smem:$0x3FAD]  }
0x29: {  	s4 =	sld [smem:$0x3FAF]  }
0x2a: {  	p0 =	seq.s32 s5, $0x0;
	s5 =	sld [smem:$0x3FB0]  }
0x2b: {  	s6 =	sld [smem:$0x3FB1]  }
0x2c: {  	s7 =	sld [smem:$0x3FB2]  }
0x2d: {  	s3 =	simm.s32 $0x108;
	s8 =	sld [smem:$0x3FB3]  }
0x2e: {  	s3 =	simm.s32 @!p0 $0x1082;
	s9 =	sld [smem:$0x3FB4]  }
0x2f: {  	lr =	sadd.s32 s0, s3;
	s0 =	sld [smem:$0x3FAB]  }
0x30: {  	s3 =	sld [smem:$0x3FAE]  }
0x31: {  	[smem:$0x3FB7] =	sst s10  }
0x32: {  	s10 =	sld [smem:$0x3FB5];
	_ =	sdelay $0x3  }
0x33: {  	p0 =	seq.s32 s10, $0x1;
	s10 =	sld [smem:$0x3FB7];
	_ =	sdelay $0x3  }
0x34: {  	[smem:$0x3FB7] =	sst s10  }
0x35: {  	s10 =	sld [smem:$0x3FB6];
	_ =	sdelay $0x3  }
0x36: {  	p1 =	seq.s32 s10, $0x1;
	s10 =	sld [smem:$0x3FB7];
	_ =	sdelay $0x3  }
0x37: {  	[smem:$0x3FB7] =	sst s10  }
0x38: {  	s10 =	sld [smem:$0x3FB8]  }
0x39: {  	_ = 	snop;
	(pc) =	sbr.ind lr, $3  }
0x3a: {  	_ = 	snop  }
0x3b: {  	_ = 	snop  }
0x3c: {  	p2 =	seq.s32 s10, $0x1;
	s10 =	sld [smem:$0x3FB7]  }
0x3d: {  	_ =	shalt  }
0x3e: {  	_ =	shalt  }
0x3f: {  	_ =	shalt  }
0x40: {  	_ =	shalt  }
0x41: {  	_ =	shalt  }
0x42: {  	_ =	shalt  }
0x43: {  	_ =	shalt  }
0x44: {  	_ =	shalt  }
0x45: {  	_ =	shalt  }
0x46: {  	_ =	shalt  }
0x47: {  	_ =	shalt  }
0x48: {  	_ =	shalt  }
0x49: {  	_ =	shalt  }
0x4a: {  	_ =	shalt  }
0x4b: {  	_ =	shalt  }
0x4c: {  	_ =	shalt  }
0x4d: {  	_ =	shalt  }
0x4e: {  	_ =	shalt  }
0x4f: {  	_ =	shalt  }
0x50: {  	_ =	shalt  }
0x51: {  	_ =	shalt  }
0x52: {  	_ =	shalt  }
0x53: {  	_ =	shalt  }
0x54: {  	_ =	shalt  }
0x55: {  	_ =	shalt  }
0x56: {  	_ =	shalt  }
0x57: {  	_ =	shalt  }
0x58: {  	_ =	shalt  }
0x59: {  	_ =	shalt  }
0x5a: {  	_ =	shalt  }
0x5b: {  	_ =	shalt  }
0x5c: {  	_ =	shalt  }
0x5d: {  	_ =	shalt  }
0x5e: {  	_ =	shalt  }
0x5f: {  	_ =	shalt  }
0x60: {  	_ =	shalt  }
0x61: {  	_ =	shalt  }
0x62: {  	_ =	shalt  }
0x63: {  	_ =	shalt  }
0x64: {  	_ =	shalt  }
0x65: {  	_ =	shalt  }
0x66: {  	_ =	shalt  }
0x67: {  	_ =	shalt  }
0x68: {  	_ =	shalt  }
0x69: {  	_ =	shalt  }
0x6a: {  	_ =	shalt  }
0x6b: {  	_ =	shalt  }
0x6c: {  	_ =	shalt  }
0x6d: {  	_ =	shalt  }
0x6e: {  	_ =	shalt  }
0x6f: {  	_ =	shalt  }
0x70: {  	_ =	shalt  }
0x71: {  	_ =	shalt  }
0x72: {  	_ =	shalt  }
0x73: {  	_ =	shalt  }
0x74: {  	_ =	shalt  }
0x75: {  	_ =	shalt  }
0x76: {  	_ =	shalt  }
0x77: {  	_ =	shalt  }
0x78: {  	_ =	shalt  }
0x79: {  	_ =	shalt  }
0x7a: {  	_ =	shalt  }
0x7b: {  	_ =	shalt  }
0x7c: {  	_ =	shalt  }
0x7d: {  	_ =	shalt  }
0x7e: {  	_ =	shalt  }
0x7f: {  	_ =	shalt  }
0x80: {  	_ =	shalt  }
0x81: {  	_ =	shalt  }
0x82: {  	_ =	shalt  }
0x83: {  	_ =	shalt  }
0x84: {  	_ =	shalt  }
0x85: {  	_ =	shalt  }
0x86: {  	_ =	shalt  }
0x87: {  	_ =	shalt  }
.Lfunc_end0:
.L_simem_size_0:
called_computation.1_lowered:
.L_overlay_start_0:
0x88: {  	s2 =	sld [smem:$0x3FD9]  }
0x89: {  	s3 =	sld [smem:$0x3FFE];
	_ =	sdelay $0x1  }
0x8a: {  	s1 =	srdreg.scid  }
0x8b: {  	s0 =	sand.u32 $0x1, s1  }
0x8c: {  	s17 =	sshll.u32 s0, $0xA;
	s2 =	sadd.s32 s3, s2  }
0x8d: {  	s2 =	sadd.s32 s2, s17  }
0x8e: {  	[smem:$0x3FC3] =	sst s2  }
0x8f: {  	_ = 	snop  }
0x90: {  	s2 =	sld [smem:$0x3FD0];
	(tm) =	ssettm $0x1  }
0x91: {  	s18 =	sld [smem:$0x3FFB];
	_ =	sdelay $0x3  }
0x92: {  	_ =	strace s18  }
0x93: {  	s3 =	sld [smem:$0x3FFC];
	_ =	sdelay $0x3  }
0x94: {  	_ =	strace s3  }
0x95: {  	s3 =	sld [smem:$0x3FFD];
	_ =	sdelay $0x3  }
0x96: {  	_ =	strace s3  }
0x97: {  	_ =	strace $0x8FFFFFFF  }
0x98: {  	s19 =	sld [smem:$0x3FDB];
	_ =	sdelay $0x1  }
0x99: {  	s4 =	simm.s32 $_scs_section_size  }
0x9a: {  	s5 =	simm.s32 $_size__tile_overlayer_lowered;
	s6 =	simm.s32 $_tile_overlayer_lowered  }
0x9b: {  	s22 =	simm.s32 $0x1BFF;
	s21 =	sshll.u32 s6, $0x1;
	s3 =	sadd.s32 s4, s19  }
0x9c: {  	s7 =	simm.s32 $0x0;
	s20 =	sshll.u32 s5, $0x1;
	s5 =	sadd.s32 s21, s3  }
0x9d: {  	[timem:s7], [sflag:s22] =	dma.local [hbm:s5], s20  }
0x9e: {  	_ =	swait.ge [sflag:s22], s20  }
0x9f: {  	s4 =	ssub.s32 $0x0, s20;
	[sflag:s22] =	ssyncset.done $0x0  }
0xa0: {  	[sflag:s22] =	ssyncadd.s32 s4;
	_ =	sdelay $0x1  }
0xa1: {  	s23 =	simm.s32 $0x1B8B  }
0xa2: {  	_ =	swait.ge [sflag:s23], $0x1  }
0xa3: {  	[sflag:s23] =	ssyncset.done $0x0  }
0xa4: {  	s25 =	simm.s32 $0x1B8E;
	s24 =	sld [smem:$0x3FFE];
	[sflag:s23] =	ssyncadd.s32 $0xFFFFFFFF  }
0xa5: {  	s26 =	simm.s32 $execute0_lowered;
	[smem:$0x3FD2] =	sst s25  }
0xa6: {  	s5 =	sshll.u32 s26, $0x1;
	_ =	strace $0x80000049;
	[dreg:$0x1] =	wrdreg $0xFFFFFFFF  }
0xa7: {  	s28 =	simm.s32 $_size_execute0_lowered;
	s3 =	sadd.s32 s3, s5;
	[dreg:$0x0] =	wrdreg $0x0  }
0xa8: {  	s5 =	sshll.u32 s28, $0x1;
	[dreg:$0x2] =	wrdreg s3  }
0xa9: {  	[dreg:$0x3] =	wrdreg s5  }
0xaa: {  	[dreg:$0x4] =	wrdreg $0xC0  }
0xab: {  	_ =	task [dreg:s7], $0x5FFFF  }
0xac: {  	[dreg:$0x1] =	wrdreg $0xFFFFFFFF  }
0xad: {  	[dreg:$0x0] =	wrdreg $0x60  }
0xae: {  	[dreg:$0x2] =	wrdreg s24  }
0xaf: {  	[dreg:$0x3] =	wrdreg s2  }
0xb0: {  	[dreg:$0x4] =	wrdreg $0x9  }
0xb1: {  	_ =	task.clear_ibuf [dreg:s7], $0x5FFFF;
	_ =	strace $0x90000049  }
0xb2: {  	s29 =	simm.s32 $0x9;
	_ =	strace $0x8000004B  }
0xb3: {  	_ =	swait.ge [sflag:s29], $0x1  }
0xb4: {  	[sflag:s29] =	ssyncadd.s32 $0xFFFFFFFF  }
0xb5: {  	_ =	strace $0x9000004B  }
0xb6: {  	_ =	sfence  }
0xb7: {  	s30 =	sld [smem:$0x0];
	_ =	sdelay $0x2  }
0xb8: {  	s31 =	sshll.u32 s1, $0xD;
	s1 =	sshrl.u32 s1, $0x2  }
0xb9: {  	s3 =	sand.u32 $0x4000, s31;
	s1 =	sadd.s32 s1, s30  }
0xba: {  	s0 =	sor.u32 s3, s0;
	s1 =	sshll.u32 s1, $0x11  }
0xbb: {  	s0 =	sor.u32 s1, s0  }
0xbc: {  	s0 =	sadd.s32 $0x8F2B, s0  }
0xbd: {  	[sflag:s0] =	ssyncadd.remote.s32 $0x1  }
0xbe: {  	_ =	sfence.sel $0xFFFF  }
0xbf: {  	[dreg:$0x0] =	wrdreg $0xFFFFFFFF;
	(pc) =	sbr.abs _section_cstart, $3  }
0xc0: {  	[dreg:$0x1] =	wrdreg $0xFFFFFFFF  }
0xc1: {  	_ =	task.clear_ibuf [dreg:s7], $0x2FFFF;
	_ =	strace $0x9FFFFFFF  }
0xc2: {  	(tm) =	ssettm $0x7FFFFFFF  }
0xc3: {  	_ =	shalt  }
tec
execute0_lowered:
.L_overlay_start_1:
0x0: {  	(tag) =	ssettag $0x1  }
0x1: {  	s0 =	rddreg [dreg:$0x0];
	s1 =	srdreg.scid  }
0x2: {  	s3 =	simm.s32 $0x0;
	s2 =	stileid.u32;
	s14 =	simm.s32 $0x3  }
0x3: {  	s9 =	simm.s32 $0xE100;
	s13 =	simm.s32 $0xE900;
	s18 =	simm.s32 $0x10100  }
0x4: {  	s19 =	simm.s32 $0x10900;
	s20 =	simm.s32 $0x11100;
	s21 =	simm.s32 $0x11900  }
0x5: {  	s22 =	simm.s32 $0x12100;
	s23 =	simm.s32 $0x12900;
	s24 =	simm.s32 $0x13100  }
0x6: {  	s25 =	simm.s32 $0x13900;
	s26 =	simm.s32 $0x1;
	s28 =	simm.s32 $0x2  }
0x7: {  	s29 =	simm.s32 $0x14100;
	s1 =	sand.u32 $0x1, s1;
	[smem:$0x7FF] =	sst s3  }
0x8: {  	s2 =	sshll.u32 s2, $0x7;
	s4 =	sadd.s32 $0x110600, s0;
	s5 =	sshll.u32 s1, $0x6  }
0x9: {  	s10 =	sadd.s32 $0x110700, s0;
	s1 =	ssub.s32 $0x2, s1;
	s5 =	sor.u32 s5, s2  }
0xa: {  	_ =	strace $0x8000004A;
	s7 =	sshrl.u32 s1, $0x1;
	s6 =	sshll.u32 s5, $0x4  }
0xb: {  	s2 =	sshrl.u32 s5, $0x3;
	s1 =	ssub.s32 s1, s7;
	s6 =	sadd.s32 s0, s6  }
0xc: {  	v2 =	vlaneseq.u32;
	s2 =	sadd.s32 s2, s0;
	s31 =	smax.u32 s1, $0x1;
	[dreg:$0x3] =	wrdreg s6  }
0xd: {  	s11 =	sadd.s32 $0x110800, s0;
	v0 =	vand.u32 $0x7, v2;
	v1 =	vshrl.u32 v2, $0x3;
	s8 =	sadd.s32 $0x10200, s2;
	[dreg:$0x7] =	wrdreg s31  }
0xe: {  	s12 =	sadd.s32 $0x110900, s0;
	v63 =	vor.u32 $0x8, v2;
	[tilespmem:$0x1FFD0] =	vst v0;
	v62 =	vmul.u32 $0x8, v1;
	s2 =	sadd.s32 $0x10000, s2;
	[dreg:$0x4] =	wrdreg s8  }
0xf: {  	[tilespmem:$0x1FFF0] =	vst v63;
	s1 =	simm.s32 $0x0;
	s30 =	sadd.s32 $0x8000, s6;
	[dreg:$0x5] =	wrdreg s2  }
0x10: {  	vm0 =	vmmov $0xffff;
	[tilespmem:$0x1FFE0] =	vst v62;
	s6 =	simm.s32 $0xF100;
	[dreg:$0x6] =	wrdreg s30;
	s2 =	simm.s32 $0xF900  }
.LBB2_1:
0x11: {  	[dreg:$0x8] =	wrdreg s1  }
0x12: {  	s0 =	rddreg [dreg:$0x4]  }
0x13: {  	[tilespmem:s3], [sflag:$0x3] =	stream.linear.gather [hbm4b:s0+s3], $0x40, $0x38;
	[tilespmem:$0x1C100] =	vst v63  }
0x14: {  	_ =	swait.ge [sflag:s14], $0x40  }
0x15: {  	[sflag:s14] =	ssyncset.done $0x0  }
0x16: {  	s8 =	simm.s32 $0x80;
	s7 =	rddreg [dreg:$0x5];
	[sflag:s14] =	ssyncadd.s32 $0xFFFFFFC0  }
0x17: {  	[tilespmem:s8], [sflag:$0x3] =	stream.linear.gather [hbm4b:s7+s3], $0x40, $0x38;
	[tilespmem:$0x1C100] =	vst v63  }
0x18: {  	_ =	swait.ge [sflag:s14], $0x40  }
0x19: {  	[sflag:s14] =	ssyncset.done $0x0  }
0x1a: {  	s16 =	simm.s32 $0x100;
	s15 =	rddreg [dreg:$0x3];
	[sflag:s14] =	ssyncadd.s32 $0xFFFFFFC0  }
0x1b: {  	[tilespmem:s16], [sflag:$0x3] =	stream.linear.gather [hbm4b:s15+s3], $0x2000, $0x38;
	[tilespmem:$0x1C100] =	vst v63  }
0x1c: {  	_ =	swait.ge [sflag:s14], $0x2000  }
0x1d: {  	[sflag:s14] =	ssyncset.done $0x0  }
0x1e: {  	s31 =	simm.s32 $0x2100;
	s17 =	rddreg [dreg:$0x6];
	[sflag:s14] =	ssyncadd.s32 $0xFFFFE000  }
0x1f: {  	[tilespmem:s31], [sflag:$0x3] =	stream.linear.gather [hbm4b:s17+s3], $0x2000, $0x38;
	[tilespmem:$0x1C100] =	vst v63  }
0x20: {  	_ =	swait.ge [sflag:s14], $0x2000  }
0x21: {  	[sflag:s14] =	ssyncset.done $0x0  }
0x22: {  	p1 =	por $0x1, $0x1;
	s30 =	simm.s32 $0x0;
	[sflag:s14] =	ssyncadd.s32 $0xFFFFE000  }
.LBB2_2:
0x23: {  	v3 =	vld [tilespmem:s30+$0x0];
	_ =	sdelay $0x2  }
0x24: {  	v0 =	vld [tilespmem:$0x1FFD0];
	_ =	sdelay $0x1  }
0x25: {  	v1 =	vld [tilespmem:$0x1FFE0];
	v4 =	vshll.u32 v3, $0x3  }
0x26: {  	v3 =	vand.u32 $0x7, v3;
	v4 =	vand.u32 $0xFFFFFFC0, v4  }
0x27: {  	v3 =	vor.u32 v3, v4  }
0x28: {  	v4 =	vperm.xlane v3, v0;
	_ =	sdelay $0x1  }
0x29: {  	v4 =	vadd.s32 v1, v4  }
0x2a: {  	v2 =	vld [tilespmem:$0x1FFF0];
	_ =	sdelay $0x2  }
0x2b: {  	s31 =	simm.s32 $0x0;
	s0 =	simm.s32 $0x4100  }
0x2c: {  	[tilespmem:s0], [sflag:$0x1] =	stream.indirect_vreg.gather [hbm4b:s4+s31], $0x80, v4, vm0, $0xb8;
	[tilespmem:$0x1C100] =	vst v63  }
0x2d: {  	s16 =	simm.s32 $0x4900;
	v3 =	vperm.xlane v3, v2  }
0x2e: {  	[tilespmem:s16], [sflag:$0x1] =	stream.indirect_vreg.gather [hbm4b:s10+s31], $0x80, v4, vm0, $0xb8;
	[tilespmem:$0x1C100] =	vst v63  }
0x2f: {  	s17 =	simm.s32 $0x5100;
	v3 =	vadd.s32 v1, v3  }
0x30: {  	[tilespmem:s17], [sflag:$0x1] =	stream.indirect_vreg.gather [hbm4b:s11+s31], $0x80, v4, vm0, $0xb8;
	[tilespmem:$0x1C100] =	vst v63  }
0x31: {  	s1 =	simm.s32 $0x5900  }
0x32: {  	[tilespmem:s1], [sflag:$0x1] =	stream.indirect_vreg.gather [hbm4b:s12+s31], $0x80, v4, vm0, $0xb8;
	[tilespmem:$0x1C100] =	vst v63  }
0x33: {  	s7 =	simm.s32 $0x6100  }
0x34: {  	[tilespmem:s7], [sflag:$0x1] =	stream.indirect_vreg.gather [hbm4b:s4+s31], $0x80, v3, vm0, $0xb8;
	[tilespmem:$0x1C100] =	vst v63  }
0x35: {  	s8 =	simm.s32 $0x6900  }
0x36: {  	[tilespmem:s8], [sflag:$0x1] =	stream.indirect_vreg.gather [hbm4b:s10+s31], $0x80, v3, vm0, $0xb8;
	[tilespmem:$0x1C100] =	vst v63  }
0x37: {  	s15 =	simm.s32 $0x7100  }
0x38: {  	[tilespmem:s15], [sflag:$0x1] =	stream.indirect_vreg.gather [hbm4b:s11+s31], $0x80, v3, vm0, $0xb8;
	[tilespmem:$0x1C100] =	vst v63  }
0x39: {  	s16 =	simm.s32 $0x7900  }
0x3a: {  	[tilespmem:s16], [sflag:$0x1] =	stream.indirect_vreg.gather [hbm4b:s12+s31], $0x80, v3, vm0, $0xb8;
	[tilespmem:$0x1C100] =	vst v63  }
0x3b: {  	v3 =	vld [tilespmem:s30+$0x10];
	_ =	sdelay $0x4  }
0x3c: {  	v61 =	vshll.u32 v3, $0x3  }
0x3d: {  	v3 =	vand.u32 $0x7, v3;
	v4 =	vand.u32 $0xFFFFFFC0, v61  }
0x3e: {  	v3 =	vor.u32 v3, v4  }
0x3f: {  	v4 =	vperm.xlane v3, v0;
	_ =	sdelay $0x1  }
0x40: {  	v4 =	vadd.s32 v1, v4;
	_ =	sdelay $0x3  }
0x41: {  	s17 =	simm.s32 $0x8100  }
0x42: {  	[tilespmem:s17], [sflag:$0x1] =	stream.indirect_vreg.gather [hbm4b:s4+s31], $0x80, v4, vm0, $0xb8;
	[tilespmem:$0x1C100] =	vst v63  }
0x43: {  	s1 =	simm.s32 $0x8900;
	v3 =	vperm.xlane v3, v2  }
0x44: {  	[tilespmem:s1], [sflag:$0x1] =	stream.indirect_vreg.gather [hbm4b:s10+s31], $0x80, v4, vm0, $0xb8;
	[tilespmem:$0x1C100] =	vst v63  }
0x45: {  	s7 =	simm.s32 $0x9100;
	v3 =	vadd.s32 v1, v3  }
0x46: {  	[tilespmem:s7], [sflag:$0x1] =	stream.indirect_vreg.gather [hbm4b:s11+s31], $0x80, v4, vm0, $0xb8;
	[tilespmem:$0x1C100] =	vst v63  }
0x47: {  	s8 =	simm.s32 $0x9900  }
0x48: {  	[tilespmem:s8], [sflag:$0x1] =	stream.indirect_vreg.gather [hbm4b:s12+s31], $0x80, v4, vm0, $0xb8;
	[tilespmem:$0x1C100] =	vst v63  }
0x49: {  	s15 =	simm.s32 $0xA100  }
0x4a: {  	[tilespmem:s15], [sflag:$0x1] =	stream.indirect_vreg.gather [hbm4b:s4+s31], $0x80, v3, vm0, $0xb8;
	[tilespmem:$0x1C100] =	vst v63  }
0x4b: {  	s16 =	simm.s32 $0xA900  }
0x4c: {  	[tilespmem:s16], [sflag:$0x1] =	stream.indirect_vreg.gather [hbm4b:s10+s31], $0x80, v3, vm0, $0xb8;
	[tilespmem:$0x1C100] =	vst v63  }
0x4d: {  	s17 =	simm.s32 $0xB100  }
0x4e: {  	[tilespmem:s17], [sflag:$0x1] =	stream.indirect_vreg.gather [hbm4b:s11+s31], $0x80, v3, vm0, $0xb8;
	[tilespmem:$0x1C100] =	vst v63  }
0x4f: {  	s1 =	simm.s32 $0xB900  }
0x50: {  	[tilespmem:s1], [sflag:$0x1] =	stream.indirect_vreg.gather [hbm4b:s12+s31], $0x80, v3, vm0, $0xb8;
	[tilespmem:$0x1C100] =	vst v63  }
0x51: {  	v3 =	vld [tilespmem:s30+$0x80];
	_ =	sdelay $0x4  }
0x52: {  	v62 =	vshll.u32 v3, $0x3  }
0x53: {  	v3 =	vand.u32 $0x7, v3;
	v4 =	vand.u32 $0xFFFFFFC0, v62  }
0x54: {  	v3 =	vor.u32 v3, v4  }
0x55: {  	v4 =	vperm.xlane v3, v0;
	_ =	sdelay $0x1  }
0x56: {  	v4 =	vadd.s32 v1, v4;
	_ =	sdelay $0x3  }
0x57: {  	s7 =	simm.s32 $0xC100  }
0x58: {  	[tilespmem:s7], [sflag:$0x2] =	stream.indirect_vreg.gather [hbm4b:s4+s31], $0x80, v4, vm0, $0xb8;
	[tilespmem:$0x1C100] =	vst v63  }
0x59: {  	s8 =	simm.s32 $0xC900;
	v3 =	vperm.xlane v3, v2  }
0x5a: {  	[tilespmem:s8], [sflag:$0x2] =	stream.indirect_vreg.gather [hbm4b:s10+s31], $0x80, v4, vm0, $0xb8;
	[tilespmem:$0x1C100] =	vst v63  }
0x5b: {  	s15 =	simm.s32 $0xD100;
	v3 =	vadd.s32 v1, v3  }
0x5c: {  	[tilespmem:s15], [sflag:$0x2] =	stream.indirect_vreg.gather [hbm4b:s11+s31], $0x80, v4, vm0, $0xb8;
	[tilespmem:$0x1C100] =	vst v63  }
0x5d: {  	s16 =	simm.s32 $0xD900  }
0x5e: {  	[tilespmem:s16], [sflag:$0x2] =	stream.indirect_vreg.gather [hbm4b:s12+s31], $0x80, v4, vm0, $0xb8;
	[tilespmem:$0x1C100] =	vst v63  }
0x5f: {  	_ = 	snop  }
0x60: {  	[tilespmem:s9], [sflag:$0x2] =	stream.indirect_vreg.gather [hbm4b:s4+s31], $0x80, v3, vm0, $0xb8;
	[tilespmem:$0x1C100] =	vst v63  }
0x61: {  	_ = 	snop  }
0x62: {  	[tilespmem:s13], [sflag:$0x2] =	stream.indirect_vreg.gather [hbm4b:s10+s31], $0x80, v3, vm0, $0xb8;
	[tilespmem:$0x1C100] =	vst v63  }
0x63: {  	_ = 	snop  }
0x64: {  	[tilespmem:s6], [sflag:$0x2] =	stream.indirect_vreg.gather [hbm4b:s11+s31], $0x80, v3, vm0, $0xb8;
	[tilespmem:$0x1C100] =	vst v63  }
0x65: {  	_ = 	snop  }
0x66: {  	[tilespmem:s2], [sflag:$0x2] =	stream.indirect_vreg.gather [hbm4b:s12+s31], $0x80, v3, vm0, $0xb8;
	[tilespmem:$0x1C100] =	vst v63  }
0x67: {  	v3 =	vld [tilespmem:s30+$0x90];
	_ =	sdelay $0x4  }
0x68: {  	v63 =	vshll.u32 v3, $0x3  }
0x69: {  	v3 =	vand.u32 $0x7, v3;
	v4 =	vand.u32 $0xFFFFFFC0, v63  }
0x6a: {  	v3 =	vor.u32 v3, v4  }
0x6b: {  	v4 =	vperm.xlane v3, v0;
	_ =	sdelay $0x1  }
0x6c: {  	v4 =	vadd.s32 v1, v4;
	_ =	sdelay $0x4  }
0x6d: {  	[tilespmem:s18], [sflag:$0x2] =	stream.indirect_vreg.gather [hbm4b:s4+s31], $0x80, v4, vm0, $0xb8;
	[tilespmem:$0x1C100] =	vst v63  }
0x6e: {  	v3 =	vperm.xlane v3, v2  }
0x6f: {  	[tilespmem:s19], [sflag:$0x2] =	stream.indirect_vreg.gather [hbm4b:s10+s31], $0x80, v4, vm0, $0xb8;
	[tilespmem:$0x1C100] =	vst v63  }
0x70: {  	v3 =	vadd.s32 v1, v3  }
0x71: {  	[tilespmem:s20], [sflag:$0x2] =	stream.indirect_vreg.gather [hbm4b:s11+s31], $0x80, v4, vm0, $0xb8;
	[tilespmem:$0x1C100] =	vst v63  }
0x72: {  	_ = 	snop  }
0x73: {  	[tilespmem:s21], [sflag:$0x2] =	stream.indirect_vreg.gather [hbm4b:s12+s31], $0x80, v4, vm0, $0xb8;
	[tilespmem:$0x1C100] =	vst v63  }
0x74: {  	_ = 	snop  }
0x75: {  	[tilespmem:s22], [sflag:$0x2] =	stream.indirect_vreg.gather [hbm4b:s4+s31], $0x80, v3, vm0, $0xb8;
	[tilespmem:$0x1C100] =	vst v63  }
0x76: {  	_ = 	snop  }
0x77: {  	[tilespmem:s23], [sflag:$0x2] =	stream.indirect_vreg.gather [hbm4b:s10+s31], $0x80, v3, vm0, $0xb8;
	[tilespmem:$0x1C100] =	vst v63  }
0x78: {  	_ = 	snop  }
0x79: {  	[tilespmem:s24], [sflag:$0x2] =	stream.indirect_vreg.gather [hbm4b:s11+s31], $0x80, v3, vm0, $0xb8;
	[tilespmem:$0x1C100] =	vst v63  }
0x7a: {  	_ = 	snop  }
0x7b: {  	[tilespmem:s25], [sflag:$0x2] =	stream.indirect_vreg.gather [hbm4b:s12+s31], $0x80, v3, vm0, $0xb8;
	[tilespmem:$0x1C100] =	vst v63  }
0x7c: {  	_ =	swait.ge [sflag:s26], $0x8000  }
0x7d: {  	[sflag:s26] =	ssyncset.done $0x0  }
0x7e: {  	p0 =	por p1, p1;
	s17 =	sshll.u32 s30, $0x7;
	[sflag:s26] =	ssyncadd.s32 $0xFFFF8000  }
0x7f: {  	s1 =	sand.u32 $0x3FFFFF80, s17;
	s17 =	simm.s32 $0x0;
	_ =	swait.ge [sflag:s28], $0x8000  }
0x80: {  	s0 =	sadd.s32 $0x100, s1;
	s1 =	sadd.s32 $0x2100, s1;
	[sflag:s28] =	ssyncset.done $0x0  }
0x81: {  	s15 =	simm.s32 $0xFFFF8000;
	s16 =	simm.s32 $0x0;
	[sflag:s28] =	ssyncadd.s32 $0xFFFF8000  }
.LBB2_3:
0x82: {  	s7 =	sadd.s32 $0x8000, s15  }
0x83: {  	v3 =	vld [tilespmem:s0+$0x0];
	s8 =	sand.u32 $0x380, s17;
	s7 =	sand.u32 $0x6000, s7  }
0x84: {  	v4 =	vld [tilespmem:s1+$0x0];
	s7 =	sor.u32 s8, s7  }
0x85: {  	v6 =	vld [tilespmem:s7+$0x4100]  }
0x86: {  	v7 =	vld [tilespmem:s7+$0xC100]  }
0x87: {  	v10 =	vld [tilespmem:s7+$0x4110]  }
0x88: {  	v11 =	vld [tilespmem:s7+$0xC110]  }
0x89: {  	v14 =	vld [tilespmem:s7+$0x4120]  }
0x8a: {  	v17 =	vld [tilespmem:s7+$0xC120]  }
0x8b: {  	v20 =	vld [tilespmem:s7+$0x4130]  }
0x8c: {  	v21 =	vld [tilespmem:s7+$0xC130]  }
0x8d: {  	v26 =	vld [tilespmem:s7+$0x4140]  }
0x8e: {  	v27 =	vld [tilespmem:s7+$0xC140]  }
0x8f: {  	v28 =	vld [tilespmem:s7+$0x4150]  }
0x90: {  	v29 =	vld [tilespmem:s7+$0xC150]  }
0x91: {  	v30 =	vld [tilespmem:s7+$0x4160]  }
0x92: {  	v31 =	vld [tilespmem:s7+$0xC160]  }
0x93: {  	v32 =	vld [tilespmem:s7+$0x4170]  }
0x94: {  	v33 =	vld [tilespmem:s7+$0xC170]  }
0x95: {  	v34 =	vld [tilespmem:s7+$0x4500]  }
0x96: {  	v35 =	vld [tilespmem:s7+$0xC500]  }
0x97: {  	v36 =	vld [tilespmem:s7+$0x4510]  }
0x98: {  	v37 =	vld [tilespmem:s7+$0xC510]  }
0x99: {  	v38 =	vld [tilespmem:s7+$0x4520]  }
0x9a: {  	v39 =	vld [tilespmem:s7+$0xC520]  }
0x9b: {  	v40 =	vld [tilespmem:s7+$0x4530]  }
0x9c: {  	v41 =	vld [tilespmem:s7+$0xC530]  }
0x9d: {  	v42 =	vld [tilespmem:s7+$0x4540]  }
0x9e: {  	v43 =	vld [tilespmem:s7+$0xC540]  }
0x9f: {  	v44 =	vld [tilespmem:s7+$0x4550]  }
0xa0: {  	v45 =	vld [tilespmem:s7+$0xC550]  }
0xa1: {  	v46 =	vld [tilespmem:s7+$0x4560]  }
0xa2: {  	v47 =	vld [tilespmem:s7+$0xC560]  }
0xa3: {  	v48 =	vld [tilespmem:s7+$0x4570]  }
0xa4: {  	v49 =	vld [tilespmem:s7+$0xC570]  }
0xa5: {  	v50 =	vld [tilespmem:s7+$0x4900]  }
0xa6: {  	v51 =	vld [tilespmem:s7+$0xC900]  }
0xa7: {  	v52 =	vld [tilespmem:s7+$0x4910]  }
0xa8: {  	v53 =	vld [tilespmem:s7+$0xC910]  }
0xa9: {  	v54 =	vld [tilespmem:s7+$0x4920]  }
0xaa: {  	v55 =	vld [tilespmem:s7+$0xC920]  }
0xab: {  	v56 =	vld [tilespmem:s7+$0x4930]  }
0xac: {  	v57 =	vld [tilespmem:s7+$0xC930]  }
0xad: {  	v58 =	vld [tilespmem:s7+$0x4940]  }
0xae: {  	v59 =	vld [tilespmem:s7+$0xC940]  }
0xaf: {  	v60 =	vld [tilespmem:s7+$0x4950]  }
0xb0: {  	v61 =	vld [tilespmem:s7+$0xC950]  }
0xb1: {  	v62 =	vld [tilespmem:s7+$0x4960]  }
0xb2: {  	v63 =	vld [tilespmem:s7+$0xC960]  }
0xb3: {  	v5 =	vld [tilespmem:s7+$0x4970]  }
0xb4: {  	v2 =	vld [tilespmem:s7+$0xC970]  }
0xb5: {  	v24 =	vld [tilespmem:s7+$0x4D00]  }
0xb6: {  	v25 =	vld [tilespmem:s7+$0xCD00]  }
0xb7: {  	v22 =	vld [tilespmem:s7+$0x4D10]  }
0xb8: {  	v23 =	vld [tilespmem:s7+$0xCD10]  }
0xb9: {  	v18 =	vld [tilespmem:s7+$0x4D20]  }
0xba: {  	v19 =	vld [tilespmem:s7+$0xCD20]  }
0xbb: {  	v15 =	vld [tilespmem:s7+$0x4D30]  }
0xbc: {  	v0 =	vld [tilespmem:s7+$0x4D60]  }
0xbd: {  	v16 =	vld [tilespmem:s7+$0xCD30]  }
0xbe: {  	v12 =	vld [tilespmem:s7+$0x4D40]  }
0xbf: {  	v13 =	vld [tilespmem:s7+$0xCD40]  }
0xc0: {  	v8 =	vld [tilespmem:s7+$0x4D50];
	v1 =	vmul.f32 v6, v3  }
0xc1: {  	v9 =	vld [tilespmem:s7+$0xCD50];
	[tilespmem:$0x1FFC0] =	vst v0;
	v0 =	vmul.f32 v7, v4;
	v10 =	vmul.f32 v10, v3  }
0xc2: {  	v7 =	vld [tilespmem:s7+$0xCD60];
	v11 =	vmul.f32 v11, v4;
	v14 =	vmul.f32 v14, v3  }
0xc3: {  	v6 =	vld [tilespmem:s7+$0x4D70];
	v17 =	vmul.f32 v17, v4;
	v20 =	vmul.f32 v20, v3  }
0xc4: {  	v21 =	vmul.f32 v21, v4;
	v26 =	vmul.f32 v26, v3;
	v1 =	vadd.f32 v0, v1;
	v0 =	vld [tilespmem:s7+$0xCD70]  }
0xc5: {  	v5 =	vmul.f32 v5, v3;
	v2 =	vmul.f32 v2, v4;
	v10 =	vadd.f32 v11, v10;
	v11 =	vld [tilespmem:s7+$0x5100]  }
0xc6: {  	v24 =	vmul.f32 v24, v3;
	v25 =	vmul.f32 v25, v4;
	[tilespmem:s7+$0x14100] =	vst v1;
	v1 =	vadd.f32 v17, v14;
	v14 =	vld [tilespmem:s7+$0xD100]  }
0xc7: {  	[tilespmem:s7+$0x14110] =	vst v10;
	v10 =	vadd.f32 v21, v20;
	v21 =	vmul.f32 v28, v3;
	v28 =	vmul.f32 v29, v4;
	v17 =	vld [tilespmem:s7+$0x5110]  }
0xc8: {  	v27 =	vmul.f32 v27, v4;
	v34 =	vmul.f32 v34, v3;
	v2 =	vadd.f32 v2, v5;
	v20 =	vld [tilespmem:s7+$0xD110]  }
0xc9: {  	v35 =	vmul.f32 v35, v4;
	v25 =	vadd.f32 v25, v24;
	[tilespmem:s7+$0x14130] =	vst v10;
	v10 =	vadd.f32 v28, v21;
	v21 =	vld [tilespmem:s7+$0x5120]  }
0xca: {  	v29 =	vmul.f32 v33, v4;
	[tilespmem:s7+$0x14120] =	vst v1;
	v1 =	vadd.f32 v27, v26;
	v27 =	vmul.f32 v31, v4;
	v31 =	vld [tilespmem:s7+$0x5130]  }
0xcb: {  	[tilespmem:s7+$0x14970] =	vst v2;
	v26 =	vmul.f32 v30, v3;
	v28 =	vmul.f32 v32, v3;
	v32 =	vld [tilespmem:s7+$0xD130]  }
0xcc: {  	v38 =	vmul.f32 v38, v3;
	[tilespmem:s7+$0x14D00] =	vst v25;
	v30 =	vmul.f32 v15, v3;
	v15 =	vld [tilespmem:s7+$0x5540]  }
0xcd: {  	v39 =	vmul.f32 v39, v4;
	v33 =	vadd.f32 v27, v26;
	v26 =	vld [tilespmem:s7+$0xD120];
	[tilespmem:s7+$0x14150] =	vst v10;
	v10 =	vadd.f32 v29, v28  }
0xce: {  	[tilespmem:s7+$0x14140] =	vst v1;
	v28 =	vmul.f32 v36, v3;
	v36 =	vmul.f32 v37, v4;
	v37 =	vadd.f32 v35, v34;
	v34 =	vld [tilespmem:s7+$0xD140]  }
0xcf: {  	v40 =	vmul.f32 v40, v3;
	v52 =	vmul.f32 v52, v3;
	v35 =	vld [tilespmem:s7+$0x5150];
	[tilespmem:s7+$0x14160] =	vst v33  }
0xd0: {  	v18 =	vmul.f32 v18, v3;
	v27 =	vld [tilespmem:s7+$0xD520];
	[tilespmem:s7+$0x14170] =	vst v10;
	v10 =	vadd.f32 v36, v28;
	v36 =	vmul.f32 v41, v4  }
0xd1: {  	v33 =	vld [tilespmem:s7+$0x5140];
	[tilespmem:s7+$0x14500] =	vst v37;
	v37 =	vadd.f32 v39, v38;
	v38 =	vmul.f32 v42, v3;
	v39 =	vmul.f32 v43, v4  }
0xd2: {  	v41 =	vmul.f32 v45, v4;
	v28 =	vld [tilespmem:s7+$0x5520];
	[tilespmem:s7+$0x14510] =	vst v10;
	v10 =	vadd.f32 v36, v40;
	v40 =	vmul.f32 v44, v3  }
0xd3: {  	v43 =	vmul.f32 v46, v3;
	[tilespmem:s7+$0x14520] =	vst v37;
	v42 =	vadd.f32 v39, v38;
	v44 =	vmul.f32 v47, v4;
	v36 =	vld [tilespmem:s7+$0xD150]  }
0xd4: {  	v46 =	vmul.f32 v48, v3;
	v47 =	vmul.f32 v49, v4;
	v37 =	vld [tilespmem:s7+$0x5160];
	[tilespmem:s7+$0x14530] =	vst v10;
	v45 =	vadd.f32 v41, v40  }
0xd5: {  	v49 =	vmul.f32 v50, v3;
	v50 =	vmul.f32 v51, v4;
	v38 =	vld [tilespmem:s7+$0xD160];
	[tilespmem:s7+$0x14540] =	vst v42;
	v48 =	vadd.f32 v44, v43  }
0xd6: {  	v19 =	vmul.f32 v19, v4;
	v39 =	vld [tilespmem:s7+$0x5170];
	v51 =	vadd.f32 v47, v46;
	v44 =	vmul.f32 v53, v4;
	[tilespmem:s7+$0x14550] =	vst v45  }
0xd7: {  	v46 =	vmul.f32 v54, v3;
	v47 =	vmul.f32 v55, v4;
	v40 =	vld [tilespmem:s7+$0xD170];
	[tilespmem:s7+$0x14560] =	vst v48;
	v45 =	vadd.f32 v50, v49  }
0xd8: {  	v41 =	vld [tilespmem:s7+$0x5500];
	v53 =	vmul.f32 v59, v4;
	v55 =	vmul.f32 v60, v3;
	[tilespmem:s7+$0x14570] =	vst v51;
	v48 =	vadd.f32 v44, v52  }
0xd9: {  	v42 =	vld [tilespmem:s7+$0xD500];
	v49 =	vmul.f32 v56, v3;
	v50 =	vmul.f32 v57, v4;
	v51 =	vadd.f32 v47, v46;
	[tilespmem:s7+$0x14900] =	vst v45  }
0xda: {  	v43 =	vld [tilespmem:s7+$0x5510];
	v59 =	vmul.f32 v63, v4;
	v52 =	vmul.f32 v58, v3;
	v46 =	vadd.f32 v19, v18;
	[tilespmem:s7+$0x14910] =	vst v48  }
0xdb: {  	v63 =	vmul.f32 v23, v4;
	v23 =	vld [tilespmem:s7+$0xD530];
	v56 =	vmul.f32 v61, v4;
	v54 =	vadd.f32 v50, v49;
	[tilespmem:s7+$0x14920] =	vst v51  }
0xdc: {  	v58 =	vmul.f32 v62, v3;
	v44 =	vld [tilespmem:s7+$0xD510];
	v57 =	vadd.f32 v53, v52;
	[tilespmem:s7+$0x14D20] =	vst v46  }
0xdd: {  	v62 =	vmul.f32 v22, v3;
	v22 =	vld [tilespmem:s7+$0x5530];
	v60 =	vadd.f32 v56, v55;
	[tilespmem:s7+$0x14930] =	vst v54  }
0xde: {  	v12 =	vmul.f32 v12, v3;
	v13 =	vmul.f32 v13, v4;
	v18 =	vld [tilespmem:s7+$0x5910];
	v61 =	vadd.f32 v59, v58;
	[tilespmem:s7+$0x14940] =	vst v57  }
0xdf: {  	v25 =	vmul.f32 v34, v4;
	v24 =	vmul.f32 v33, v3;
	v19 =	vld [tilespmem:s7+$0xD910];
	v29 =	vadd.f32 v63, v62;
	[tilespmem:s7+$0x14950] =	vst v60  }
0xe0: {  	v45 =	vmul.f32 v16, v4;
	v16 =	vld [tilespmem:s7+$0xD540];
	v48 =	vmul.f32 v8, v3;
	v50 =	vadd.f32 v13, v12;
	[tilespmem:s7+$0x14960] =	vst v61  }
0xe1: {  	v49 =	vmul.f32 v9, v4;
	v9 =	vld [tilespmem:s7+$0x5550];
	v63 =	vmul.f32 v31, v3;
	v31 =	vadd.f32 v25, v24;
	[tilespmem:s7+$0x14D10] =	vst v29  }
0xe2: {  	v0 =	vmul.f32 v0, v4;
	v51 =	vld [tilespmem:$0x1FFC0];
	v53 =	vmul.f32 v6, v3;
	v47 =	vadd.f32 v45, v30;
	[tilespmem:s7+$0x14D40] =	vst v50  }
0xe3: {  	v12 =	vld [tilespmem:s7+$0xD550];
	v55 =	vmul.f32 v11, v3;
	v56 =	vmul.f32 v14, v4;
	v52 =	vadd.f32 v49, v48;
	[tilespmem:s7+$0x15140] =	vst v31  }
0xe4: {  	v6 =	vld [tilespmem:s7+$0x5560];
	v58 =	vmul.f32 v20, v4;
	v20 =	vmul.f32 v32, v4;
	v0 =	vadd.f32 v0, v53;
	[tilespmem:s7+$0x14D30] =	vst v47  }
0xe5: {  	v33 =	vmul.f32 v38, v4;
	v11 =	vld [tilespmem:s7+$0x5570];
	v32 =	vmul.f32 v37, v3;
	v59 =	vadd.f32 v56, v55;
	[tilespmem:s7+$0x14D50] =	vst v52  }
0xe6: {  	v13 =	vld [tilespmem:s7+$0xD570];
	v57 =	vmul.f32 v17, v3;
	v61 =	vmul.f32 v26, v4;
	v26 =	vadd.f32 v20, v63;
	[tilespmem:s7+$0x14D70] =	vst v0  }
0xe7: {  	v7 =	vmul.f32 v7, v4;
	v14 =	vld [tilespmem:s7+$0x5900];
	v60 =	vmul.f32 v21, v3;
	v37 =	vadd.f32 v33, v32;
	[tilespmem:s7+$0x15100] =	vst v59  }
0xe8: {  	v17 =	vld [tilespmem:s7+$0xD900];
	v29 =	vmul.f32 v35, v3;
	v30 =	vmul.f32 v36, v4;
	v62 =	vadd.f32 v58, v57;
	[tilespmem:s7+$0x15130] =	vst v26  }
0xe9: {  	v35 =	vmul.f32 v39, v3;
	v36 =	vmul.f32 v40, v4;
	v20 =	vld [tilespmem:s7+$0x5920];
	v21 =	vadd.f32 v61, v60;
	[tilespmem:s7+$0x15160] =	vst v37  }
0xea: {  	v38 =	vmul.f32 v41, v3;
	v39 =	vmul.f32 v42, v4;
	v40 =	vld [tilespmem:s7+$0xD920];
	v34 =	vadd.f32 v30, v29;
	[tilespmem:s7+$0x15110] =	vst v62  }
0xeb: {  	v42 =	vmul.f32 v43, v3;
	v48 =	vld [tilespmem:s7+$0xD930];
	v43 =	vmul.f32 v44, v4;
	v41 =	vadd.f32 v36, v35;
	[tilespmem:s7+$0x15120] =	vst v21  }
0xec: {  	v46 =	vmul.f32 v28, v3;
	v56 =	vld [tilespmem:s7+$0xD940];
	v45 =	vadd.f32 v39, v38;
	v47 =	vmul.f32 v27, v4;
	[tilespmem:s7+$0x15150] =	vst v34  }
0xed: {  	v63 =	vld [tilespmem:s7+$0xD950];
	v50 =	vmul.f32 v22, v3;
	v10 =	vmul.f32 v51, v3;
	v49 =	vadd.f32 v43, v42;
	[tilespmem:s7+$0x15170] =	vst v41  }
0xee: {  	v31 =	vld [tilespmem:s7+$0xD960];
	v33 =	vmul.f32 v18, v3;
	v51 =	vmul.f32 v23, v4;
	[tilespmem:s7+$0x15500] =	vst v45;
	v53 =	vadd.f32 v47, v46  }
0xef: {  	v44 =	vld [tilespmem:s7+$0x5930];
	v58 =	vmul.f32 v9, v3;
	v59 =	vmul.f32 v12, v4;
	v54 =	vadd.f32 v7, v10;
	[tilespmem:s7+$0x15510] =	vst v49  }
0xf0: {  	v52 =	vld [tilespmem:s7+$0x5940];
	v23 =	vmul.f32 v11, v3;
	v26 =	vmul.f32 v13, v4;
	v57 =	vadd.f32 v51, v50;
	[tilespmem:s7+$0x15520] =	vst v53  }
0xf1: {  	v60 =	vld [tilespmem:s7+$0x5950];
	v55 =	vmul.f32 v16, v4;
	v34 =	vmul.f32 v19, v4;
	v16 =	vadd.f32 v59, v58;
	[tilespmem:s7+$0x14D60] =	vst v54  }
0xf2: {  	v27 =	vld [tilespmem:s7+$0x5960];
	v29 =	vmul.f32 v14, v3;
	v30 =	vmul.f32 v17, v4;
	v32 =	vadd.f32 v26, v23;
	[tilespmem:s7+$0x15530] =	vst v57  }
0xf3: {  	v35 =	vld [tilespmem:s7+$0x5970];
	v37 =	vmul.f32 v20, v3;
	v38 =	vmul.f32 v40, v4;
	v40 =	vadd.f32 v34, v33;
	[tilespmem:s7+$0x15550] =	vst v16  }
0xf4: {  	v39 =	vld [tilespmem:s7+$0xD970];
	v42 =	vmul.f32 v48, v4;
	v41 =	vmul.f32 v44, v3;
	v36 =	vadd.f32 v30, v29;
	[tilespmem:s7+$0x15570] =	vst v32  }
0xf5: {  	v10 =	vld [tilespmem:s7+$0xD560];
	v54 =	vmul.f32 v15, v3;
	v43 =	vadd.f32 v38, v37;
	[tilespmem:s7+$0x15910] =	vst v40  }
0xf6: {  	v45 =	vmul.f32 v56, v4;
	v44 =	vmul.f32 v52, v3;
	v46 =	vadd.f32 v42, v41;
	[tilespmem:s7+$0x15900] =	vst v36  }
0xf7: {  	v48 =	vmul.f32 v63, v4;
	v47 =	vmul.f32 v60, v3;
	v61 =	vadd.f32 v55, v54;
	[tilespmem:s7+$0x15920] =	vst v43  }
0xf8: {  	v51 =	vmul.f32 v31, v4;
	v50 =	vmul.f32 v27, v3;
	v49 =	vadd.f32 v45, v44;
	[tilespmem:s7+$0x15930] =	vst v46  }
0xf9: {  	v53 =	vmul.f32 v35, v3;
	v52 =	vadd.f32 v48, v47;
	v54 =	vmul.f32 v39, v4;
	[tilespmem:s7+$0x15540] =	vst v61  }
0xfa: {  	v6 =	vmul.f32 v6, v3;
	v55 =	vadd.f32 v51, v50;
	v62 =	vmul.f32 v10, v4;
	[tilespmem:s7+$0x15940] =	vst v49  }
0xfb: {  	s8 =	sand.u32 $0x7, s31;
	[tilespmem:s7+$0x15950] =	vst v52;
	v56 =	vadd.f32 v54, v53  }
0xfc: {  	s8 =	sshll.u32 s8, $0x7;
	[tilespmem:s7+$0x15960] =	vst v55;
	v28 =	vadd.f32 v62, v6  }
0xfd: {  	s8 =	sadd.s32 s8, s16;
	[tilespmem:s7+$0x15970] =	vst v56  }
0xfe: {  	[tilespmem:s7+$0x15560] =	vst v28;
	s7 =	sor.u32 $0x1C00, s8  }
0xff: {  	v0 =	vld [tilespmem:s7+$0x4100]  }
0x100: {  	v1 =	vld [tilespmem:s7+$0xC100];
	_ =	sdelay $0x4  }
0x101: {  	v0 =	vmul.f32 v0, v3;
	v1 =	vmul.f32 v1, v4;
	_ =	sdelay $0x1  }
0x102: {  	v0 =	vadd.f32 v1, v0;
	_ =	sdelay $0x1  }
0x103: {  	[tilespmem:s7+$0x14100] =	vst v0;
	s7 =	sor.u32 $0x1C10, s8  }
0x104: {  	v0 =	vld [tilespmem:s7+$0x4100]  }
0x105: {  	v57 =	vld [tilespmem:s7+$0xC100];
	_ =	sdelay $0x4  }
0x106: {  	v0 =	vmul.f32 v0, v3;
	v1 =	vmul.f32 v57, v4;
	_ =	sdelay $0x1  }
0x107: {  	v0 =	vadd.f32 v1, v0;
	_ =	sdelay $0x1  }
0x108: {  	[tilespmem:s7+$0x14100] =	vst v0;
	s7 =	sor.u32 $0x1C20, s8  }
0x109: {  	v0 =	vld [tilespmem:s7+$0x4100]  }
0x10a: {  	v58 =	vld [tilespmem:s7+$0xC100];
	_ =	sdelay $0x4  }
0x10b: {  	v0 =	vmul.f32 v0, v3;
	v1 =	vmul.f32 v58, v4;
	_ =	sdelay $0x1  }
0x10c: {  	v0 =	vadd.f32 v1, v0;
	_ =	sdelay $0x1  }
0x10d: {  	[tilespmem:s7+$0x14100] =	vst v0;
	s7 =	sor.u32 $0x1C30, s8  }
0x10e: {  	v0 =	vld [tilespmem:s7+$0x4100]  }
0x10f: {  	v59 =	vld [tilespmem:s7+$0xC100];
	_ =	sdelay $0x4  }
0x110: {  	v0 =	vmul.f32 v0, v3;
	v1 =	vmul.f32 v59, v4;
	_ =	sdelay $0x1  }
0x111: {  	v0 =	vadd.f32 v1, v0;
	_ =	sdelay $0x1  }
0x112: {  	[tilespmem:s7+$0x14100] =	vst v0;
	s7 =	sor.u32 $0x1C40, s8  }
0x113: {  	v0 =	vld [tilespmem:s7+$0x4100]  }
0x114: {  	v60 =	vld [tilespmem:s7+$0xC100];
	_ =	sdelay $0x4  }
0x115: {  	v0 =	vmul.f32 v0, v3;
	v1 =	vmul.f32 v60, v4;
	_ =	sdelay $0x1  }
0x116: {  	v0 =	vadd.f32 v1, v0;
	_ =	sdelay $0x1  }
0x117: {  	[tilespmem:s7+$0x14100] =	vst v0;
	s7 =	sor.u32 $0x1C50, s8  }
0x118: {  	v0 =	vld [tilespmem:s7+$0x4100]  }
0x119: {  	v61 =	vld [tilespmem:s7+$0xC100];
	_ =	sdelay $0x4  }
0x11a: {  	v0 =	vmul.f32 v0, v3;
	v1 =	vmul.f32 v61, v4;
	_ =	sdelay $0x1  }
0x11b: {  	v0 =	vadd.f32 v1, v0;
	_ =	sdelay $0x1  }
0x11c: {  	[tilespmem:s7+$0x14100] =	vst v0;
	s7 =	sor.u32 $0x1C60, s8  }
0x11d: {  	v0 =	vld [tilespmem:s7+$0x4100]  }
0x11e: {  	v62 =	vld [tilespmem:s7+$0xC100];
	_ =	sdelay $0x4  }
0x11f: {  	v0 =	vmul.f32 v0, v3;
	v1 =	vmul.f32 v62, v4;
	_ =	sdelay $0x1  }
0x120: {  	v0 =	vadd.f32 v1, v0;
	_ =	sdelay $0x1  }
0x121: {  	s8 =	sor.u32 $0x1C70, s8;
	[tilespmem:s7+$0x14100] =	vst v0  }
0x122: {  	v0 =	vld [tilespmem:s8+$0x4100]  }
0x123: {  	v63 =	vld [tilespmem:s8+$0xC100];
	_ =	sdelay $0x3  }
0x124: {  	p1 =	sne.s32 s17, $0xF80  }
.Ltmp0:
0x125: {  	v0 =	vmul.f32 v0, v3;
	v1 =	vmul.f32 v63, v4;
	(pc) =	sbr.rel @p1 .LBB2_3-.Ltmp0, $4  }
0x126: {  	_ = 	snop  }
0x127: {  	v0 =	vadd.f32 v1, v0  }
0x128: {  	s15 =	sadd.s32 $0x400, s15;
	s0 =	sadd.s32 $0x80, s0;
	s1 =	sadd.s32 $0x80, s1  }
0x129: {  	s17 =	sadd.s32 $0x80, s17;
	s31 =	sadd.s32 $0x1, s31;
	s16 =	sadd.s32 $0x400, s16;
	[tilespmem:s8+$0x14100] =	vst v0  }
0x12a: {  	s0 =	sor.u32 s5, s30  }
0x12b: {  	s1 =	rddreg [dreg:$0x1];
	s0 =	sshll.u32 s0, $0x7  }
.Ltmp1:
0x12c: {  	s0 =	sadd.s32 s1, s0;
	(pc) =	sbr.rel @p0 .LBB2_2-.Ltmp1, $4  }
0x12d: {  	[hbm4b:s0+s3] =	stream.linear.scatter [tilespmem:s29], [sflag:$0x3], $0x8000, $0x38;
	[tilespmem:$0x1C100] =	vst v63  }
0x12e: {  	_ =	swait.ge [sflag:s14], $0x8000  }
0x12f: {  	[sflag:s14] =	ssyncset.done $0x0  }
0x130: {  	s30 =	simm.s32 $0x20;
	p1 =	por $0x0, $0x0;
	[sflag:s14] =	ssyncadd.s32 $0xFFFF8000  }
0x131: {  	s1 =	rddreg [dreg:$0x8]  }
0x132: {  	s0 =	rddreg [dreg:$0x7];
	s1 =	sadd.s32 $0x1, s1  }
0x133: {  	p0 =	sne.s32 s1, s0  }
.Ltmp2:
0x134: {  	_ = 	snop;
	(pc) =	sbr.rel @p0 .LBB2_1-.Ltmp2, $1  }
0x135: {  	_ =	sdelay $0x3  }
0x136: {  	_ =	sfence.sel $0x180000  }
0x137: {  	[bflag:$0x0] =	sbarrier.arrive $0xFFFF  }
0x138: {  	_ =	strace $0x9000004A  }
0x139: {  	s0 =	stileid.u32;
	[bflag:$0x2] =	sbarrier.arrive $0xFFFF  }
0x13a: {  	p0 =	sne.s32 s0, $0x0;
	s0 =	rddreg [dreg:$0x2]  }
0x13b: {  	s0 =	sadd.s32 @!p0 $0x100000, s0  }
0x13c: {  	[sflag:s0] =	ssyncadd.tile.s32 @!p0 $0x1;
	_ =	shalt  }
.Lfunc_end2:
_tile_overlayer_lowered:
.L_overlay_start_2:
0x13d: {  	(tag) =	ssettag $0x2  }
0x13e: {  	s0 =	rddreg [dreg:$0x0];
	s2 =	stileid.u32  }
0x13f: {  	s1 =	rddreg [dreg:$0x1];
	p0 =	sne.s32 s2, $0x0  }
0x140: {  	s3 =	rddreg [dreg:$0x2];
	[bflag:$0x3] =	sbarrier.arrive $0xFFFF;
	s2 =	simm.s32 @!p0 $0x1C03  }
0x141: {  	[timem:s3], [sflag:s2] =	dma.local @!p0 [hbm:s0], s1  }
0x142: {  	s0 =	simm.s32 @!p0 $0x3  }
0x143: {  	_ =	swait.ge @!p0 [sflag:s0], s1  }
0x144: {  	s1 =	ssub.s32 @!p0 $0x0, s1;
	[sflag:s0] =	ssyncset.done @!p0 $0x0  }
0x145: {  	[sflag:s0] =	ssyncadd.s32 @!p0 s1  }
0x146: {  	[bflag:$0x3] =	sbarrier.arrive $0xFFFF  }
0x147: {  	_ =	shalt  }

</sc_bundles>
